<compile_context>
chip_gen: v7x
topology: tpu7x:2x2x1
jax: 0.10.2.dev20260603
libtpu: 0.0.44.dev20260713+nightly
codegen_flags: <defaults>
</compile_context>

<pallas_src>
import functools

import jax
import jax.numpy as jnp
from jax import lax
from jax.experimental import pallas as pl
from jax.experimental.pallas import tpu as pltpu
from jax.experimental.pallas import tpu_sc as plsc

N = 10000
C = 128
E = 320000
NC = 2
NS = 16
NW = NC * NS
EPW = E // NW
CH = 80
NCHUNK = EPW // CH
NPAIR = (NCHUNK - 1) // 2
NP = 10240
RPT = NP // NS
BLK = 400

_mesh = plsc.VectorSubcoreMesh(
    core_axis_name="c", subcore_axis_name="s", num_cores=NC, num_subcores=NS
)


def _seg_body(with_cnt, x_hbm, src_hbm, dst_hbm, zacc_hbm, zcnt_hbm, ones_hbm,
              out_hbm, cnt_hbm, sidx0, sidx1, didx0, didx1, rows0, rows1,
              ones_v, cnt_v, acc_sh, cnt_sh, gs0, gs1, is0, is1, id0, id1,
              osem):
    cid = lax.axis_index("c")
    sid = lax.axis_index("s")
    sidx = (sidx0, sidx1)
    didx = (didx0, didx1)
    rows = (rows0, rows1)
    gs = (gs0, gs1)
    iss = (is0, is1)
    ids = (id0, id1)

    pltpu.sync_copy(zacc_hbm, rows0)
    if with_cnt:
        pltpu.sync_copy(ones_hbm, ones_v)
        pltpu.sync_copy(zcnt_hbm, cnt_v)
        pltpu.sync_copy(cnt_v, cnt_sh.at[pl.ds(sid * RPT, RPT)])
    for j in range(RPT // CH):
        pltpu.async_copy(rows0, acc_sh.at[pl.ds(sid * RPT + j * CH, CH)], gs0)
    for j in range(RPT // CH):
        pltpu.make_async_copy(
            rows0, acc_sh.at[pl.ds(sid * RPT + j * CH, CH)], gs0).wait()
    plsc.subcore_barrier()

    ebase = (cid * NS + sid) * EPW

    def off(c):
        return ebase + jnp.minimum(c, NCHUNK - 1) * CH

    def idx_load(c, b):
        pltpu.async_copy(src_hbm.at[pl.ds(off(c), CH)], sidx[b], iss[b])
        pltpu.async_copy(dst_hbm.at[pl.ds(off(c), CH)], didx[b], ids[b])

    def idx_wait(b):
        pltpu.make_async_copy(src_hbm.at[pl.ds(0, CH)], sidx[b], iss[b]).wait()
        pltpu.make_async_copy(dst_hbm.at[pl.ds(0, CH)], didx[b], ids[b]).wait()

    def gather(b):
        pltpu.async_copy(x_hbm.at[sidx[b]], rows[b], gs[b])

    def gather_wait(b):
        pltpu.make_async_copy(x_hbm.at[sidx[b]], rows[b], gs[b]).wait()

    def scatter(b):
        if with_cnt:
            pltpu.async_copy(ones_v, cnt_sh.at[didx[b]], osem, add=True)
        pltpu.sync_copy(rows[b], acc_sh.at[didx[b]], add=True)
        if with_cnt:
            pltpu.make_async_copy(ones_v, cnt_sh.at[didx[b]], osem).wait()

    pltpu.sync_copy(src_hbm.at[pl.ds(ebase, CH)], sidx0)
    pltpu.sync_copy(dst_hbm.at[pl.ds(ebase, CH)], didx0)
    idx_load(1, 1)
    gather(0)

    def body(i, carry):
        for b in (0, 1):
            c = 2 * i + b
            idx_wait(1 - b)
            gather(1 - b)
            gather_wait(b)
            scatter(b)
            idx_load(c + 2, b)
        return carry

    lax.fori_loop(0, NPAIR, body, 0)

    gather_wait(0)
    scatter(0)
    idx_wait(1)
    plsc.subcore_barrier()

    nw_ = RPT // CH
    bufs = (rows0, rows1)
    wsem = (gs0, gs1)

    def wo(j):
        return sid * RPT + j * CH

    pltpu.sync_copy(acc_sh.at[pl.ds(wo(0), CH)], rows0)
    for j in range(nw_):
        b = j % 2
        pltpu.async_copy(bufs[b], out_hbm.at[cid, pl.ds(wo(j), CH)], wsem[b])
        if j + 1 < nw_:
            if j >= 1:
                pltpu.make_async_copy(
                    bufs[1 - b], out_hbm.at[cid, pl.ds(wo(j - 1), CH)],
                    wsem[1 - b]).wait()
            pltpu.sync_copy(acc_sh.at[pl.ds(wo(j + 1), CH)], bufs[1 - b])
    pltpu.make_async_copy(
        bufs[nw_ % 2], out_hbm.at[cid, pl.ds(wo(nw_ - 2), CH)],
        wsem[nw_ % 2]).wait()
    pltpu.make_async_copy(
        bufs[(nw_ - 1) % 2], out_hbm.at[cid, pl.ds(wo(nw_ - 1), CH)],
        wsem[(nw_ - 1) % 2]).wait()
    if with_cnt:
        pltpu.sync_copy(cnt_sh.at[pl.ds(sid * RPT, RPT)], cnt_v)
        pltpu.sync_copy(cnt_v, cnt_hbm.at[pl.ds(cid * NP + sid * RPT, RPT)])


_seg_sum_cnt = functools.partial(
    pl.kernel,
    out_type=[
        jax.ShapeDtypeStruct((NC, NP, C), jnp.float32),
        jax.ShapeDtypeStruct((NC * NP,), jnp.float32),
    ],
    mesh=_mesh,
    scratch_types=[
        pltpu.VMEM((CH,), jnp.int32),
        pltpu.VMEM((CH,), jnp.int32),
        pltpu.VMEM((CH,), jnp.int32),
        pltpu.VMEM((CH,), jnp.int32),
        pltpu.VMEM((CH, C), jnp.float32),
        pltpu.VMEM((CH, C), jnp.float32),
        pltpu.VMEM((CH,), jnp.float32),
        pltpu.VMEM((RPT,), jnp.float32),
        pltpu.VMEM_SHARED((NP, C), jnp.float32),
        pltpu.VMEM_SHARED((NP,), jnp.float32),
        pltpu.SemaphoreType.DMA,
        pltpu.SemaphoreType.DMA,
        pltpu.SemaphoreType.DMA,
        pltpu.SemaphoreType.DMA,
        pltpu.SemaphoreType.DMA,
        pltpu.SemaphoreType.DMA,
        pltpu.SemaphoreType.DMA,
    ],
)(functools.partial(_seg_body, True))


def _seg_nocnt_body(x_hbm, src_hbm, dst_hbm, zacc_hbm, out_hbm, sidx0, sidx1,
                    didx0, didx1, rows0, rows1, acc_sh, gs0, gs1, is0, is1,
                    id0, id1):
    _seg_body(False, x_hbm, src_hbm, dst_hbm, zacc_hbm, None, None, out_hbm,
              None, sidx0, sidx1, didx0, didx1, rows0, rows1, None, None,
              acc_sh, None, gs0, gs1, is0, is1, id0, id1, None)


_seg_sum = functools.partial(
    pl.kernel,
    out_type=jax.ShapeDtypeStruct((NC, NP, C), jnp.float32),
    mesh=_mesh,
    scratch_types=[
        pltpu.VMEM((CH,), jnp.int32),
        pltpu.VMEM((CH,), jnp.int32),
        pltpu.VMEM((CH,), jnp.int32),
        pltpu.VMEM((CH,), jnp.int32),
        pltpu.VMEM((CH, C), jnp.float32),
        pltpu.VMEM((CH, C), jnp.float32),
        pltpu.VMEM_SHARED((NP, C), jnp.float32),
        pltpu.SemaphoreType.DMA,
        pltpu.SemaphoreType.DMA,
        pltpu.SemaphoreType.DMA,
        pltpu.SemaphoreType.DMA,
        pltpu.SemaphoreType.DMA,
        pltpu.SemaphoreType.DMA,
    ],
)(_seg_nocnt_body)


def _linr_body(x_ref, wr_ref, b_ref, o_ref):
    o_ref[...] = (
        lax.dot_general(x_ref[...], wr_ref[...], (((1,), (1,)), ((), ())),
                        preferred_element_type=jnp.float32)
        + b_ref[0:1, :]
    )


def _linr(x, w_r, b):
    b8 = jnp.broadcast_to(b.reshape(1, C), (8, C))
    return pl.pallas_call(
        _linr_body,
        grid=(N // BLK,),
        in_specs=[
            pl.BlockSpec((BLK, C), lambda i: (i, 0)),
            pl.BlockSpec((C, C), lambda i: (0, 0)),
            pl.BlockSpec((8, C), lambda i: (0, 0)),
        ],
        out_specs=pl.BlockSpec((BLK, C), lambda i: (i, 0)),
        out_shape=jax.ShapeDtypeStruct((N, C), jnp.float32),
    )(x, w_r, b8)


def _combine_body(relu, parts_ref, cnt_ref, xr_ref, wl_ref, o_ref):
    agg = parts_ref[0] + parts_ref[1]
    cnt = cnt_ref[0] + cnt_ref[1]
    mean = agg / jnp.maximum(cnt, 1.0)
    out = (
        lax.dot_general(mean, wl_ref[...], (((1,), (1,)), ((), ())),
                        preferred_element_type=jnp.float32)
        + xr_ref[...]
    )
    if relu:
        out = jnp.maximum(out, 0.0)
    o_ref[...] = out


def _combine(parts, cnt1, xr, w_l, relu):
    return pl.pallas_call(
        functools.partial(_combine_body, relu),
        grid=(N // BLK,),
        in_specs=[
            pl.BlockSpec((NC, BLK, C), lambda i: (0, i, 0)),
            pl.BlockSpec((NC, BLK, 1), lambda i: (0, i, 0)),
            pl.BlockSpec((BLK, C), lambda i: (i, 0)),
            pl.BlockSpec((C, C), lambda i: (0, 0)),
        ],
        out_specs=pl.BlockSpec((BLK, C), lambda i: (i, 0)),
        out_shape=jax.ShapeDtypeStruct((N, C), jnp.float32),
    )(parts, cnt1, xr, w_l)


def kernel(x, edge_index, W1_l, b1, W1_r, W2_l, b2, W2_r):
    ei = edge_index.astype(jnp.int32)
    src, dst = ei[0], ei[1]
    zacc = jnp.zeros((CH, C), jnp.float32)
    zcnt = jnp.zeros((RPT,), jnp.float32)
    ones = jnp.ones((CH,), jnp.float32)

    parts1, cntp = _seg_sum_cnt(x, src, dst, zacc, zcnt, ones)
    xr1 = _linr(x, W1_r, b1)
    cnt1 = cntp.reshape(NC, NP, 1)
    h = _combine(parts1, cnt1, xr1, W1_l, relu=True)
    parts2 = _seg_sum(h, src, dst, zacc)
    hr2 = _linr(h, W2_r, b2)
    out = _combine(parts2, cnt1, hr2, W2_l, relu=False)
    return out

# --- scband reference (transcript-rebuilt; emitter-appended) ---
"""Pipeline reference for scband-meta-encoder-2353642078842 (READ-ONLY COPY).

The authoritative reference and input builder live on the scoring server;
editing this copy changes nothing except your own understanding.
"""

import jax, jax.numpy as jnp
import numpy as np

N_NODES = 10000
N_EDGES = 320000
IN_CH = 128
OUT_CH = 128


def _sage_conv(x, edge_index, W_l, b_l, W_r, num_nodes):
    # PyG SAGEConv with mean aggregation:
    #   out_i = lin_l( mean_{j in N(i)} x_j ) + lin_r( x_i )
    src = edge_index[0]
    dst = edge_index[1]
    msg = jnp.take(x, src, axis=0)
    agg = jax.ops.segment_sum(msg, dst, num_segments=num_nodes)
    cnt = jax.ops.segment_sum(jnp.ones((msg.shape[0],), dtype=x.dtype), dst, num_segments=num_nodes)
    mean = agg / jnp.clip(cnt, 1.0, None)[:, None]
    return mean @ W_l.T + b_l + x @ W_r.T


def setup_inputs(seed: int = 0) -> dict:
    key = jax.random.key(seed)
    k_x, k_ei, k1, k2, k3, k4, k5 = jax.random.split(key, 7)
    x = jax.random.normal(k_x, (N_NODES, IN_CH), dtype=jnp.float32)
    edge_index = jax.random.randint(k_ei, (2, N_EDGES), 0, N_NODES, dtype=jnp.int64)
    # Glorot-ish init for linear weights (lin_l has bias, lin_r has no bias, per PyG SAGEConv)
    s1 = 1.0 / np.sqrt(IN_CH)
    s2 = 1.0 / np.sqrt(OUT_CH)
    W1_l = jax.random.uniform(k1, (OUT_CH, IN_CH), minval=-s1, maxval=s1, dtype=jnp.float32)
    b1 = jnp.zeros((OUT_CH,), dtype=jnp.float32)
    W1_r = jax.random.uniform(k2, (OUT_CH, IN_CH), minval=-s1, maxval=s1, dtype=jnp.float32)
    W2_l = jax.random.uniform(k3, (OUT_CH, OUT_CH), minval=-s2, maxval=s2, dtype=jnp.float32)
    b2 = jnp.zeros((OUT_CH,), dtype=jnp.float32)
    W2_r = jax.random.uniform(k4, (OUT_CH, OUT_CH), minval=-s2, maxval=s2, dtype=jnp.float32)
    return {"x": x, "edge_index": edge_index, "W1_l": W1_l, "b1": b1, "W1_r": W1_r,
            "W2_l": W2_l, "b2": b2, "W2_r": W2_r}


def reference(x, edge_index, W1_l, b1, W1_r, W2_l, b2, W2_r):
    h = _sage_conv(x, edge_index, W1_l, b1, W1_r, N_NODES)
    h = jax.nn.relu(h)
    out = _sage_conv(h, edge_index, W2_l, b2, W2_r, N_NODES)
    return out

if __name__ == "__main__":
    import jax
    _d = setup_inputs()
    print(jax.jit(kernel)(*tuple(_d.values())))

</pallas_src>

<mosaic_0001>
#map = affine_map<(d0, d1) -> (0, 0)>
#map1 = affine_map<(d0, d1) -> (0)>
#map2 = affine_map<(d0, d1) -> (0, 0, 0)>
module attributes {stable_mosaic.version = 14 : i64} {
  func.func @_seg_nocnt_body(%arg0: i32, %arg1: i32, %arg2: memref<10000x128xf32, #tpu.memory_space<hbm>>, %arg3: memref<320000xi32, #tpu.memory_space<hbm>>, %arg4: memref<320000xi32, #tpu.memory_space<hbm>>, %arg5: memref<80x128xf32, #tpu.memory_space<hbm>>, %arg6: memref<2x10240x128xf32, #tpu.memory_space<hbm>>, %arg7: memref<80xi32, #tpu.memory_space<vmem>>, %arg8: memref<80xi32, #tpu.memory_space<vmem>>, %arg9: memref<80xi32, #tpu.memory_space<vmem>>, %arg10: memref<80xi32, #tpu.memory_space<vmem>>, %arg11: memref<80x128xf32, #tpu.memory_space<vmem>>, %arg12: memref<80x128xf32, #tpu.memory_space<vmem>>, %arg13: memref<10240x128xf32, #tpu.memory_space<vmem_shared>>, %arg14: memref<!tpu.dma_semaphore, #tpu.memory_space<semaphore_mem>>, %arg15: memref<!tpu.dma_semaphore, #tpu.memory_space<semaphore_mem>>, %arg16: memref<!tpu.dma_semaphore, #tpu.memory_space<semaphore_mem>>, %arg17: memref<!tpu.dma_semaphore, #tpu.memory_space<semaphore_mem>>, %arg18: memref<!tpu.dma_semaphore, #tpu.memory_space<semaphore_mem>>, %arg19: memref<!tpu.dma_semaphore, #tpu.memory_space<semaphore_mem>>) attributes {dimension_semantics = [#tpu.dimension_semantics<core_parallel>, #tpu.dimension_semantics<subcore_parallel>], iteration_bounds = array<i64: 2, 16>, scalar_prefetch = 0 : i64, scratch_operands = 13 : i64, tpu.core_type = #tpu.core_type<sc_vector_subcore>, window_params = [{transform_indices = #map}, {transform_indices = #map1}, {transform_indices = #map1}, {transform_indices = #map}, {transform_indices = #map2}]} {
    "tpu.region"() ({
      %run_scoped3A = tpu.sem_alloc : memref<!tpu.dma_semaphore, #tpu.memory_space<semaphore_mem>>
      tpu.enqueue_dma source(%arg5 : memref<80x128xf32, #tpu.memory_space<hbm>>) target(%arg11 : memref<80x128xf32, #tpu.memory_space<vmem>>) target_semaphore(%run_scoped3A : memref<!tpu.dma_semaphore, #tpu.memory_space<semaphore_mem>>)
      tpu.wait_dma2 semaphore(%run_scoped3A : memref<!tpu.dma_semaphore, #tpu.memory_space<semaphore_mem>>) src(%arg5 : memref<80x128xf32, #tpu.memory_space<hbm>>) dst(%arg11 : memref<80x128xf32, #tpu.memory_space<vmem>>)
      tpu.yield
    }) : () -> ()
    %mul3A = arith.constant 640 : i32
    %mul3A_0 = arith.muli %arg1, %mul3A : i32
    %add3A = arith.constant 0 : i32
    %add3A_1 = arith.addi %mul3A_0, %add3A : i32
    %dma_start3A = arith.constant 0 : i32
    %dma_start3A_2 = tpu.memref_slice %arg13[%add3A_1, %dma_start3A] : memref<10240x128xf32, #tpu.memory_space<vmem_shared>> -> memref<80x128xf32, #tpu.memory_space<vmem_shared>>
    %dma_start3A_3 = arith.constant 0 : i32
    %dma_start3A_4 = tpu.memref_slice %arg13[%add3A_1, %dma_start3A_3] : memref<10240x128xf32, #tpu.memory_space<vmem_shared>> -> memref<80x128xf32, #tpu.memory_space<vmem_shared>>
    tpu.enqueue_dma source(%arg11 : memref<80x128xf32, #tpu.memory_space<vmem>>) target(%dma_start3A_4 : memref<80x128xf32, #tpu.memory_space<vmem_shared>>) target_semaphore(%arg14 : memref<!tpu.dma_semaphore, #tpu.memory_space<semaphore_mem>>)
    %mul3A_5 = arith.constant 640 : i32
    %mul3A_6 = arith.muli %arg1, %mul3A_5 : i32
    %add3A_7 = arith.constant 80 : i32
    %add3A_8 = arith.addi %mul3A_6, %add3A_7 : i32
    %dma_start3A_9 = arith.constant 0 : i32
    %dma_start3A_10 = tpu.memref_slice %arg13[%add3A_8, %dma_start3A_9] : memref<10240x128xf32, #tpu.memory_space<vmem_shared>> -> memref<80x128xf32, #tpu.memory_space<vmem_shared>>
    %dma_start3A_11 = arith.constant 0 : i32
    %dma_start3A_12 = tpu.memref_slice %arg13[%add3A_8, %dma_start3A_11] : memref<10240x128xf32, #tpu.memory_space<vmem_shared>> -> memref<80x128xf32, #tpu.memory_space<vmem_shared>>
    tpu.enqueue_dma source(%arg11 : memref<80x128xf32, #tpu.memory_space<vmem>>) target(%dma_start3A_12 : memref<80x128xf32, #tpu.memory_space<vmem_shared>>) target_semaphore(%arg14 : memref<!tpu.dma_semaphore, #tpu.memory_space<semaphore_mem>>)
    %mul3A_13 = arith.constant 640 : i32
    %mul3A_14 = arith.muli %arg1, %mul3A_13 : i32
    %add3A_15 = arith.constant 160 : i32
    %add3A_16 = arith.addi %mul3A_14, %add3A_15 : i32
    %dma_start3A_17 = arith.constant 0 : i32
    %dma_start3A_18 = tpu.memref_slice %arg13[%add3A_16, %dma_start3A_17] : memref<10240x128xf32, #tpu.memory_space<vmem_shared>> -> memref<80x128xf32, #tpu.memory_space<vmem_shared>>
    %dma_start3A_19 = arith.constant 0 : i32
    %dma_start3A_20 = tpu.memref_slice %arg13[%add3A_16, %dma_start3A_19] : memref<10240x128xf32, #tpu.memory_space<vmem_shared>> -> memref<80x128xf32, #tpu.memory_space<vmem_shared>>
    tpu.enqueue_dma source(%arg11 : memref<80x128xf32, #tpu.memory_space<vmem>>) target(%dma_start3A_20 : memref<80x128xf32, #tpu.memory_space<vmem_shared>>) target_semaphore(%arg14 : memref<!tpu.dma_semaphore, #tpu.memory_space<semaphore_mem>>)
    %mul3A_21 = arith.constant 640 : i32
    %mul3A_22 = arith.muli %arg1, %mul3A_21 : i32
    %add3A_23 = arith.constant 240 : i32
    %add3A_24 = arith.addi %mul3A_22, %add3A_23 : i32
    %dma_start3A_25 = arith.constant 0 : i32
    %dma_start3A_26 = tpu.memref_slice %arg13[%add3A_24, %dma_start3A_25] : memref<10240x128xf32, #tpu.memory_space<vmem_shared>> -> memref<80x128xf32, #tpu.memory_space<vmem_shared>>
    %dma_start3A_27 = arith.constant 0 : i32
    %dma_start3A_28 = tpu.memref_slice %arg13[%add3A_24, %dma_start3A_27] : memref<10240x128xf32, #tpu.memory_space<vmem_shared>> -> memref<80x128xf32, #tpu.memory_space<vmem_shared>>
    tpu.enqueue_dma source(%arg11 : memref<80x128xf32, #tpu.memory_space<vmem>>) target(%dma_start3A_28 : memref<80x128xf32, #tpu.memory_space<vmem_shared>>) target_semaphore(%arg14 : memref<!tpu.dma_semaphore, #tpu.memory_space<semaphore_mem>>)
    %mul3A_29 = arith.constant 640 : i32
    %mul3A_30 = arith.muli %arg1, %mul3A_29 : i32
    %add3A_31 = arith.constant 320 : i32
    %add3A_32 = arith.addi %mul3A_30, %add3A_31 : i32
    %dma_start3A_33 = arith.constant 0 : i32
    %dma_start3A_34 = tpu.memref_slice %arg13[%add3A_32, %dma_start3A_33] : memref<10240x128xf32, #tpu.memory_space<vmem_shared>> -> memref<80x128xf32, #tpu.memory_space<vmem_shared>>
    %dma_start3A_35 = arith.constant 0 : i32
    %dma_start3A_36 = tpu.memref_slice %arg13[%add3A_32, %dma_start3A_35] : memref<10240x128xf32, #tpu.memory_space<vmem_shared>> -> memref<80x128xf32, #tpu.memory_space<vmem_shared>>
    tpu.enqueue_dma source(%arg11 : memref<80x128xf32, #tpu.memory_space<vmem>>) target(%dma_start3A_36 : memref<80x128xf32, #tpu.memory_space<vmem_shared>>) target_semaphore(%arg14 : memref<!tpu.dma_semaphore, #tpu.memory_space<semaphore_mem>>)
    %mul3A_37 = arith.constant 640 : i32
    %mul3A_38 = arith.muli %arg1, %mul3A_37 : i32
    %add3A_39 = arith.constant 400 : i32
    %add3A_40 = arith.addi %mul3A_38, %add3A_39 : i32
    %dma_start3A_41 = arith.constant 0 : i32
    %dma_start3A_42 = tpu.memref_slice %arg13[%add3A_40, %dma_start3A_41] : memref<10240x128xf32, #tpu.memory_space<vmem_shared>> -> memref<80x128xf32, #tpu.memory_space<vmem_shared>>
    %dma_start3A_43 = arith.constant 0 : i32
    %dma_start3A_44 = tpu.memref_slice %arg13[%add3A_40, %dma_start3A_43] : memref<10240x128xf32, #tpu.memory_space<vmem_shared>> -> memref<80x128xf32, #tpu.memory_space<vmem_shared>>
    tpu.enqueue_dma source(%arg11 : memref<80x128xf32, #tpu.memory_space<vmem>>) target(%dma_start3A_44 : memref<80x128xf32, #tpu.memory_space<vmem_shared>>) target_semaphore(%arg14 : memref<!tpu.dma_semaphore, #tpu.memory_space<semaphore_mem>>)
    %mul3A_45 = arith.constant 640 : i32
    %mul3A_46 = arith.muli %arg1, %mul3A_45 : i32
    %add3A_47 = arith.constant 480 : i32
    %add3A_48 = arith.addi %mul3A_46, %add3A_47 : i32
    %dma_start3A_49 = arith.constant 0 : i32
    %dma_start3A_50 = tpu.memref_slice %arg13[%add3A_48, %dma_start3A_49] : memref<10240x128xf32, #tpu.memory_space<vmem_shared>> -> memref<80x128xf32, #tpu.memory_space<vmem_shared>>
    %dma_start3A_51 = arith.constant 0 : i32
    %dma_start3A_52 = tpu.memref_slice %arg13[%add3A_48, %dma_start3A_51] : memref<10240x128xf32, #tpu.memory_space<vmem_shared>> -> memref<80x128xf32, #tpu.memory_space<vmem_shared>>
    tpu.enqueue_dma source(%arg11 : memref<80x128xf32, #tpu.memory_space<vmem>>) target(%dma_start3A_52 : memref<80x128xf32, #tpu.memory_space<vmem_shared>>) target_semaphore(%arg14 : memref<!tpu.dma_semaphore, #tpu.memory_space<semaphore_mem>>)
    %mul3A_53 = arith.constant 640 : i32
    %mul3A_54 = arith.muli %arg1, %mul3A_53 : i32
    %add3A_55 = arith.constant 560 : i32
    %add3A_56 = arith.addi %mul3A_54, %add3A_55 : i32
    %dma_start3A_57 = arith.constant 0 : i32
    %dma_start3A_58 = tpu.memref_slice %arg13[%add3A_56, %dma_start3A_57] : memref<10240x128xf32, #tpu.memory_space<vmem_shared>> -> memref<80x128xf32, #tpu.memory_space<vmem_shared>>
    %dma_start3A_59 = arith.constant 0 : i32
    %dma_start3A_60 = tpu.memref_slice %arg13[%add3A_56, %dma_start3A_59] : memref<10240x128xf32, #tpu.memory_space<vmem_shared>> -> memref<80x128xf32, #tpu.memory_space<vmem_shared>>
    tpu.enqueue_dma source(%arg11 : memref<80x128xf32, #tpu.memory_space<vmem>>) target(%dma_start3A_60 : memref<80x128xf32, #tpu.memory_space<vmem_shared>>) target_semaphore(%arg14 : memref<!tpu.dma_semaphore, #tpu.memory_space<semaphore_mem>>)
    %mul3A_61 = arith.constant 640 : i32
    %mul3A_62 = arith.muli %arg1, %mul3A_61 : i32
    %add3A_63 = arith.constant 0 : i32
    %add3A_64 = arith.addi %mul3A_62, %add3A_63 : i32
    %dma_wait3A = arith.constant 0 : i32
    %dma_wait3A_65 = tpu.memref_slice %arg13[%add3A_64, %dma_wait3A] : memref<10240x128xf32, #tpu.memory_space<vmem_shared>> -> memref<80x128xf32, #tpu.memory_space<vmem_shared>>
    %dma_wait3A_66 = arith.constant 0 : i32
    %dma_wait3A_67 = tpu.memref_slice %arg13[%add3A_64, %dma_wait3A_66] : memref<10240x128xf32, #tpu.memory_space<vmem_shared>> -> memref<80x128xf32, #tpu.memory_space<vmem_shared>>
    tpu.wait_dma2 semaphore(%arg14 : memref<!tpu.dma_semaphore, #tpu.memory_space<semaphore_mem>>) src(%arg11 : memref<80x128xf32, #tpu.memory_space<vmem>>) dst(%dma_wait3A_67 : memref<80x128xf32, #tpu.memory_space<vmem_shared>>)
    %mul3A_68 = arith.constant 640 : i32
    %mul3A_69 = arith.muli %arg1, %mul3A_68 : i32
    %add3A_70 = arith.constant 80 : i32
    %add3A_71 = arith.addi %mul3A_69, %add3A_70 : i32
    %dma_wait3A_72 = arith.constant 0 : i32
    %dma_wait3A_73 = tpu.memref_slice %arg13[%add3A_71, %dma_wait3A_72] : memref<10240x128xf32, #tpu.memory_space<vmem_shared>> -> memref<80x128xf32, #tpu.memory_space<vmem_shared>>
    %dma_wait3A_74 = arith.constant 0 : i32
    %dma_wait3A_75 = tpu.memref_slice %arg13[%add3A_71, %dma_wait3A_74] : memref<10240x128xf32, #tpu.memory_space<vmem_shared>> -> memref<80x128xf32, #tpu.memory_space<vmem_shared>>
    tpu.wait_dma2 semaphore(%arg14 : memref<!tpu.dma_semaphore, #tpu.memory_space<semaphore_mem>>) src(%arg11 : memref<80x128xf32, #tpu.memory_space<vmem>>) dst(%dma_wait3A_75 : memref<80x128xf32, #tpu.memory_space<vmem_shared>>)
    %mul3A_76 = arith.constant 640 : i32
    %mul3A_77 = arith.muli %arg1, %mul3A_76 : i32
    %add3A_78 = arith.constant 160 : i32
    %add3A_79 = arith.addi %mul3A_77, %add3A_78 : i32
    %dma_wait3A_80 = arith.constant 0 : i32
    %dma_wait3A_81 = tpu.memref_slice %arg13[%add3A_79, %dma_wait3A_80] : memref<10240x128xf32, #tpu.memory_space<vmem_shared>> -> memref<80x128xf32, #tpu.memory_space<vmem_shared>>
    %dma_wait3A_82 = arith.constant 0 : i32
    %dma_wait3A_83 = tpu.memref_slice %arg13[%add3A_79, %dma_wait3A_82] : memref<10240x128xf32, #tpu.memory_space<vmem_shared>> -> memref<80x128xf32, #tpu.memory_space<vmem_shared>>
    tpu.wait_dma2 semaphore(%arg14 : memref<!tpu.dma_semaphore, #tpu.memory_space<semaphore_mem>>) src(%arg11 : memref<80x128xf32, #tpu.memory_space<vmem>>) dst(%dma_wait3A_83 : memref<80x128xf32, #tpu.memory_space<vmem_shared>>)
    %mul3A_84 = arith.constant 640 : i32
    %mul3A_85 = arith.muli %arg1, %mul3A_84 : i32
    %add3A_86 = arith.constant 240 : i32
    %add3A_87 = arith.addi %mul3A_85, %add3A_86 : i32
    %dma_wait3A_88 = arith.constant 0 : i32
    %dma_wait3A_89 = tpu.memref_slice %arg13[%add3A_87, %dma_wait3A_88] : memref<10240x128xf32, #tpu.memory_space<vmem_shared>> -> memref<80x128xf32, #tpu.memory_space<vmem_shared>>
    %dma_wait3A_90 = arith.constant 0 : i32
    %dma_wait3A_91 = tpu.memref_slice %arg13[%add3A_87, %dma_wait3A_90] : memref<10240x128xf32, #tpu.memory_space<vmem_shared>> -> memref<80x128xf32, #tpu.memory_space<vmem_shared>>
    tpu.wait_dma2 semaphore(%arg14 : memref<!tpu.dma_semaphore, #tpu.memory_space<semaphore_mem>>) src(%arg11 : memref<80x128xf32, #tpu.memory_space<vmem>>) dst(%dma_wait3A_91 : memref<80x128xf32, #tpu.memory_space<vmem_shared>>)
    %mul3A_92 = arith.constant 640 : i32
    %mul3A_93 = arith.muli %arg1, %mul3A_92 : i32
    %add3A_94 = arith.constant 320 : i32
    %add3A_95 = arith.addi %mul3A_93, %add3A_94 : i32
    %dma_wait3A_96 = arith.constant 0 : i32
    %dma_wait3A_97 = tpu.memref_slice %arg13[%add3A_95, %dma_wait3A_96] : memref<10240x128xf32, #tpu.memory_space<vmem_shared>> -> memref<80x128xf32, #tpu.memory_space<vmem_shared>>
    %dma_wait3A_98 = arith.constant 0 : i32
    %dma_wait3A_99 = tpu.memref_slice %arg13[%add3A_95, %dma_wait3A_98] : memref<10240x128xf32, #tpu.memory_space<vmem_shared>> -> memref<80x128xf32, #tpu.memory_space<vmem_shared>>
    tpu.wait_dma2 semaphore(%arg14 : memref<!tpu.dma_semaphore, #tpu.memory_space<semaphore_mem>>) src(%arg11 : memref<80x128xf32, #tpu.memory_space<vmem>>) dst(%dma_wait3A_99 : memref<80x128xf32, #tpu.memory_space<vmem_shared>>)
    %mul3A_100 = arith.constant 640 : i32
    %mul3A_101 = arith.muli %arg1, %mul3A_100 : i32
    %add3A_102 = arith.constant 400 : i32
    %add3A_103 = arith.addi %mul3A_101, %add3A_102 : i32
    %dma_wait3A_104 = arith.constant 0 : i32
    %dma_wait3A_105 = tpu.memref_slice %arg13[%add3A_103, %dma_wait3A_104] : memref<10240x128xf32, #tpu.memory_space<vmem_shared>> -> memref<80x128xf32, #tpu.memory_space<vmem_shared>>
    %dma_wait3A_106 = arith.constant 0 : i32
    %dma_wait3A_107 = tpu.memref_slice %arg13[%add3A_103, %dma_wait3A_106] : memref<10240x128xf32, #tpu.memory_space<vmem_shared>> -> memref<80x128xf32, #tpu.memory_space<vmem_shared>>
    tpu.wait_dma2 semaphore(%arg14 : memref<!tpu.dma_semaphore, #tpu.memory_space<semaphore_mem>>) src(%arg11 : memref<80x128xf32, #tpu.memory_space<vmem>>) dst(%dma_wait3A_107 : memref<80x128xf32, #tpu.memory_space<vmem_shared>>)
    %mul3A_108 = arith.constant 640 : i32
    %mul3A_109 = arith.muli %arg1, %mul3A_108 : i32
    %add3A_110 = arith.constant 480 : i32
    %add3A_111 = arith.addi %mul3A_109, %add3A_110 : i32
    %dma_wait3A_112 = arith.constant 0 : i32
    %dma_wait3A_113 = tpu.memref_slice %arg13[%add3A_111, %dma_wait3A_112] : memref<10240x128xf32, #tpu.memory_space<vmem_shared>> -> memref<80x128xf32, #tpu.memory_space<vmem_shared>>
    %dma_wait3A_114 = arith.constant 0 : i32
    %dma_wait3A_115 = tpu.memref_slice %arg13[%add3A_111, %dma_wait3A_114] : memref<10240x128xf32, #tpu.memory_space<vmem_shared>> -> memref<80x128xf32, #tpu.memory_space<vmem_shared>>
    tpu.wait_dma2 semaphore(%arg14 : memref<!tpu.dma_semaphore, #tpu.memory_space<semaphore_mem>>) src(%arg11 : memref<80x128xf32, #tpu.memory_space<vmem>>) dst(%dma_wait3A_115 : memref<80x128xf32, #tpu.memory_space<vmem_shared>>)
    %mul3A_116 = arith.constant 640 : i32
    %mul3A_117 = arith.muli %arg1, %mul3A_116 : i32
    %add3A_118 = arith.constant 560 : i32
    %add3A_119 = arith.addi %mul3A_117, %add3A_118 : i32
    %dma_wait3A_120 = arith.constant 0 : i32
    %dma_wait3A_121 = tpu.memref_slice %arg13[%add3A_119, %dma_wait3A_120] : memref<10240x128xf32, #tpu.memory_space<vmem_shared>> -> memref<80x128xf32, #tpu.memory_space<vmem_shared>>
    %dma_wait3A_122 = arith.constant 0 : i32
    %dma_wait3A_123 = tpu.memref_slice %arg13[%add3A_119, %dma_wait3A_122] : memref<10240x128xf32, #tpu.memory_space<vmem_shared>> -> memref<80x128xf32, #tpu.memory_space<vmem_shared>>
    tpu.wait_dma2 semaphore(%arg14 : memref<!tpu.dma_semaphore, #tpu.memory_space<semaphore_mem>>) src(%arg11 : memref<80x128xf32, #tpu.memory_space<vmem>>) dst(%dma_wait3A_123 : memref<80x128xf32, #tpu.memory_space<vmem_shared>>)
    %barrier3A = arith.constant 0 : index
    tpu.barrier barrier_id(%barrier3A)
    %mul3A_124 = arith.constant 16 : i32
    %mul3A_125 = arith.muli %arg0, %mul3A_124 : i32
    %add3A_126 = arith.addi %mul3A_125, %arg1 : i32
    %mul3A_127 = arith.constant 10000 : i32
    %mul3A_128 = arith.muli %add3A_126, %mul3A_127 : i32
    "tpu.region"() ({
      %run_scoped3A = tpu.sem_alloc : memref<!tpu.dma_semaphore, #tpu.memory_space<semaphore_mem>>
      %dma_start3A_356 = tpu.memref_slice %arg3[%mul3A_128] : memref<320000xi32, #tpu.memory_space<hbm>> -> memref<80xi32, #tpu.memory_space<hbm>>
      %dma_start3A_357 = tpu.memref_slice %arg3[%mul3A_128] : memref<320000xi32, #tpu.memory_space<hbm>> -> memref<80xi32, #tpu.memory_space<hbm>>
      tpu.enqueue_dma source(%dma_start3A_357 : memref<80xi32, #tpu.memory_space<hbm>>) target(%arg7 : memref<80xi32, #tpu.memory_space<vmem>>) target_semaphore(%run_scoped3A : memref<!tpu.dma_semaphore, #tpu.memory_space<semaphore_mem>>)
      %dma_wait3A_358 = tpu.memref_slice %arg3[%mul3A_128] : memref<320000xi32, #tpu.memory_space<hbm>> -> memref<80xi32, #tpu.memory_space<hbm>>
      %dma_wait3A_359 = tpu.memref_slice %arg3[%mul3A_128] : memref<320000xi32, #tpu.memory_space<hbm>> -> memref<80xi32, #tpu.memory_space<hbm>>
      tpu.wait_dma2 semaphore(%run_scoped3A : memref<!tpu.dma_semaphore, #tpu.memory_space<semaphore_mem>>) src(%dma_wait3A_359 : memref<80xi32, #tpu.memory_space<hbm>>) dst(%arg7 : memref<80xi32, #tpu.memory_space<vmem>>)
      tpu.yield
    }) : () -> ()
    "tpu.region"() ({
      %run_scoped3A = tpu.sem_alloc : memref<!tpu.dma_semaphore, #tpu.memory_space<semaphore_mem>>
      %dma_start3A_356 = tpu.memref_slice %arg4[%mul3A_128] : memref<320000xi32, #tpu.memory_space<hbm>> -> memref<80xi32, #tpu.memory_space<hbm>>
      %dma_start3A_357 = tpu.memref_slice %arg4[%mul3A_128] : memref<320000xi32, #tpu.memory_space<hbm>> -> memref<80xi32, #tpu.memory_space<hbm>>
      tpu.enqueue_dma source(%dma_start3A_357 : memref<80xi32, #tpu.memory_space<hbm>>) target(%arg9 : memref<80xi32, #tpu.memory_space<vmem>>) target_semaphore(%run_scoped3A : memref<!tpu.dma_semaphore, #tpu.memory_space<semaphore_mem>>)
      %dma_wait3A_358 = tpu.memref_slice %arg4[%mul3A_128] : memref<320000xi32, #tpu.memory_space<hbm>> -> memref<80xi32, #tpu.memory_space<hbm>>
      %dma_wait3A_359 = tpu.memref_slice %arg4[%mul3A_128] : memref<320000xi32, #tpu.memory_space<hbm>> -> memref<80xi32, #tpu.memory_space<hbm>>
      tpu.wait_dma2 semaphore(%run_scoped3A : memref<!tpu.dma_semaphore, #tpu.memory_space<semaphore_mem>>) src(%dma_wait3A_359 : memref<80xi32, #tpu.memory_space<hbm>>) dst(%arg9 : memref<80xi32, #tpu.memory_space<vmem>>)
      tpu.yield
    }) : () -> ()
    %min3A = arith.constant 1 : i32
    %min3A_129 = arith.constant 124 : i32
    %min3A_130 = arith.minsi %min3A, %min3A_129 : i32
    %mul3A_131 = arith.constant 80 : i32
    %mul3A_132 = arith.muli %min3A_130, %mul3A_131 : i32
    %add3A_133 = arith.addi %mul3A_128, %mul3A_132 : i32
    %dma_start3A_134 = tpu.memref_slice %arg3[%add3A_133] : memref<320000xi32, #tpu.memory_space<hbm>> -> memref<80xi32, #tpu.memory_space<hbm>>
    %dma_start3A_135 = tpu.memref_slice %arg3[%add3A_133] : memref<320000xi32, #tpu.memory_space<hbm>> -> memref<80xi32, #tpu.memory_space<hbm>>
    tpu.enqueue_dma source(%dma_start3A_135 : memref<80xi32, #tpu.memory_space<hbm>>) target(%arg8 : memref<80xi32, #tpu.memory_space<vmem>>) target_semaphore(%arg17 : memref<!tpu.dma_semaphore, #tpu.memory_space<semaphore_mem>>)
    %min3A_136 = arith.constant 1 : i32
    %min3A_137 = arith.constant 124 : i32
    %min3A_138 = arith.minsi %min3A_136, %min3A_137 : i32
    %mul3A_139 = arith.constant 80 : i32
    %mul3A_140 = arith.muli %min3A_138, %mul3A_139 : i32
    %add3A_141 = arith.addi %mul3A_128, %mul3A_140 : i32
    %dma_start3A_142 = tpu.memref_slice %arg4[%add3A_141] : memref<320000xi32, #tpu.memory_space<hbm>> -> memref<80xi32, #tpu.memory_space<hbm>>
    %dma_start3A_143 = tpu.memref_slice %arg4[%add3A_141] : memref<320000xi32, #tpu.memory_space<hbm>> -> memref<80xi32, #tpu.memory_space<hbm>>
    tpu.enqueue_dma source(%dma_start3A_143 : memref<80xi32, #tpu.memory_space<hbm>>) target(%arg10 : memref<80xi32, #tpu.memory_space<vmem>>) target_semaphore(%arg19 : memref<!tpu.dma_semaphore, #tpu.memory_space<semaphore_mem>>)
    %dma_start3A_144 = arith.constant 0 : i32
    %dma_start3A_145 = arith.constant 0 : i32
    %dma_start3A_146 = tpu.memref_slice %arg2[%dma_start3A_144, %dma_start3A_145] : memref<10000x128xf32, #tpu.memory_space<hbm>> -> memref<10000x128xf32, #tpu.memory_space<hbm>>
    tpu.enqueue_indirect_dma source(%dma_start3A_146 : memref<10000x128xf32, #tpu.memory_space<hbm>>) target(%arg11 : memref<80x128xf32, #tpu.memory_space<vmem>>) offsets(%arg7 : memref<80xi32, #tpu.memory_space<vmem>>) semaphore(%arg14 : memref<!tpu.dma_semaphore, #tpu.memory_space<semaphore_mem>>)
    %scan3A = arith.constant 0 : i32
    %scan3A_147 = arith.constant 0 : i32
    %scan3A_148 = arith.constant 62 : i32
    %scan3A_149 = arith.addi %scan3A_147, %scan3A_148 : i32
    %scan3A_150 = arith.constant 1 : i32
    scf.for %scan3A_356 = %scan3A_147 to %scan3A_149 step %scan3A_150  : i32 {
      %mul3A_357 = arith.constant 2 : i32
      %mul3A_358 = arith.muli %mul3A_357, %scan3A_356 : i32
      %add3A_359 = arith.constant 0 : i32
      %add3A_360 = arith.addi %mul3A_358, %add3A_359 : i32
      %dma_wait3A_361 = arith.constant 0 : i32
      %dma_wait3A_362 = tpu.memref_slice %arg3[%dma_wait3A_361] : memref<320000xi32, #tpu.memory_space<hbm>> -> memref<80xi32, #tpu.memory_space<hbm>>
      %dma_wait3A_363 = arith.constant 0 : i32
      %dma_wait3A_364 = tpu.memref_slice %arg3[%dma_wait3A_363] : memref<320000xi32, #tpu.memory_space<hbm>> -> memref<80xi32, #tpu.memory_space<hbm>>
      tpu.wait_dma2 semaphore(%arg17 : memref<!tpu.dma_semaphore, #tpu.memory_space<semaphore_mem>>) src(%dma_wait3A_364 : memref<80xi32, #tpu.memory_space<hbm>>) dst(%arg8 : memref<80xi32, #tpu.memory_space<vmem>>)
      %dma_wait3A_365 = arith.constant 0 : i32
      %dma_wait3A_366 = tpu.memref_slice %arg4[%dma_wait3A_365] : memref<320000xi32, #tpu.memory_space<hbm>> -> memref<80xi32, #tpu.memory_space<hbm>>
      %dma_wait3A_367 = arith.constant 0 : i32
      %dma_wait3A_368 = tpu.memref_slice %arg4[%dma_wait3A_367] : memref<320000xi32, #tpu.memory_space<hbm>> -> memref<80xi32, #tpu.memory_space<hbm>>
      tpu.wait_dma2 semaphore(%arg19 : memref<!tpu.dma_semaphore, #tpu.memory_space<semaphore_mem>>) src(%dma_wait3A_368 : memref<80xi32, #tpu.memory_space<hbm>>) dst(%arg10 : memref<80xi32, #tpu.memory_space<vmem>>)
      %dma_start3A_369 = arith.constant 0 : i32
      %dma_start3A_370 = arith.constant 0 : i32
      %dma_start3A_371 = tpu.memref_slice %arg2[%dma_start3A_369, %dma_start3A_370] : memref<10000x128xf32, #tpu.memory_space<hbm>> -> memref<10000x128xf32, #tpu.memory_space<hbm>>
      tpu.enqueue_indirect_dma source(%dma_start3A_371 : memref<10000x128xf32, #tpu.memory_space<hbm>>) target(%arg12 : memref<80x128xf32, #tpu.memory_space<vmem>>) offsets(%arg8 : memref<80xi32, #tpu.memory_space<vmem>>) semaphore(%arg15 : memref<!tpu.dma_semaphore, #tpu.memory_space<semaphore_mem>>)
      %dma_wait3A_372 = arith.constant 0 : i32
      %dma_wait3A_373 = arith.constant 0 : i32
      %dma_wait3A_374 = tpu.memref_slice %arg2[%dma_wait3A_372, %dma_wait3A_373] : memref<10000x128xf32, #tpu.memory_space<hbm>> -> memref<10000x128xf32, #tpu.memory_space<hbm>>
      tpu.wait_indirect_dma semaphore(%arg14 : memref<!tpu.dma_semaphore, #tpu.memory_space<semaphore_mem>>) src(%dma_wait3A_374 : memref<10000x128xf32, #tpu.memory_space<hbm>>) dst(%arg11 : memref<80x128xf32, #tpu.memory_space<vmem>>)
      "tpu.region"() ({
        %run_scoped3A = tpu.sem_alloc : memref<!tpu.dma_semaphore, #tpu.memory_space<semaphore_mem>>
        %dma_start3A_425 = arith.constant 0 : i32
        %dma_start3A_426 = arith.constant 0 : i32
        %dma_start3A_427 = tpu.memref_slice %arg13[%dma_start3A_425, %dma_start3A_426] : memref<10240x128xf32, #tpu.memory_space<vmem_shared>> -> memref<10240x128xf32, #tpu.memory_space<vmem_shared>>
        tpu.enqueue_indirect_dma source(%arg11 : memref<80x128xf32, #tpu.memory_space<vmem>>) target(%dma_start3A_427 : memref<10240x128xf32, #tpu.memory_space<vmem_shared>>) offsets(%arg9 : memref<80xi32, #tpu.memory_space<vmem>>) semaphore(%run_scoped3A : memref<!tpu.dma_semaphore, #tpu.memory_space<semaphore_mem>>) {add = true}
        %dma_wait3A_428 = arith.constant 0 : i32
        %dma_wait3A_429 = arith.constant 0 : i32
        %dma_wait3A_430 = tpu.memref_slice %arg13[%dma_wait3A_428, %dma_wait3A_429] : memref<10240x128xf32, #tpu.memory_space<vmem_shared>> -> memref<10240x128xf32, #tpu.memory_space<vmem_shared>>
        tpu.wait_indirect_dma semaphore(%run_scoped3A : memref<!tpu.dma_semaphore, #tpu.memory_space<semaphore_mem>>) src(%arg11 : memref<80x128xf32, #tpu.memory_space<vmem>>) dst(%dma_wait3A_430 : memref<10240x128xf32, #tpu.memory_space<vmem_shared>>)
        tpu.yield
      }) : () -> ()
      %add3A_375 = arith.constant 2 : i32
      %add3A_376 = arith.addi %add3A_360, %add3A_375 : i32
      %min3A_377 = arith.constant 124 : i32
      %min3A_378 = arith.minsi %add3A_376, %min3A_377 : i32
      %mul3A_379 = arith.constant 80 : i32
      %mul3A_380 = arith.muli %min3A_378, %mul3A_379 : i32
      %add3A_381 = arith.addi %mul3A_128, %mul3A_380 : i32
      %dma_start3A_382 = tpu.memref_slice %arg3[%add3A_381] : memref<320000xi32, #tpu.memory_space<hbm>> -> memref<80xi32, #tpu.memory_space<hbm>>
      %dma_start3A_383 = tpu.memref_slice %arg3[%add3A_381] : memref<320000xi32, #tpu.memory_space<hbm>> -> memref<80xi32, #tpu.memory_space<hbm>>
      tpu.enqueue_dma source(%dma_start3A_383 : memref<80xi32, #tpu.memory_space<hbm>>) target(%arg7 : memref<80xi32, #tpu.memory_space<vmem>>) target_semaphore(%arg16 : memref<!tpu.dma_semaphore, #tpu.memory_space<semaphore_mem>>)
      %min3A_384 = arith.constant 124 : i32
      %min3A_385 = arith.minsi %add3A_376, %min3A_384 : i32
      %mul3A_386 = arith.constant 80 : i32
      %mul3A_387 = arith.muli %min3A_385, %mul3A_386 : i32
      %add3A_388 = arith.addi %mul3A_128, %mul3A_387 : i32
      %dma_start3A_389 = tpu.memref_slice %arg4[%add3A_388] : memref<320000xi32, #tpu.memory_space<hbm>> -> memref<80xi32, #tpu.memory_space<hbm>>
      %dma_start3A_390 = tpu.memref_slice %arg4[%add3A_388] : memref<320000xi32, #tpu.memory_space<hbm>> -> memref<80xi32, #tpu.memory_space<hbm>>
      tpu.enqueue_dma source(%dma_start3A_390 : memref<80xi32, #tpu.memory_space<hbm>>) target(%arg9 : memref<80xi32, #tpu.memory_space<vmem>>) target_semaphore(%arg18 : memref<!tpu.dma_semaphore, #tpu.memory_space<semaphore_mem>>)
      %mul3A_391 = arith.constant 2 : i32
      %mul3A_392 = arith.muli %mul3A_391, %scan3A_356 : i32
      %add3A_393 = arith.constant 1 : i32
      %add3A_394 = arith.addi %mul3A_392, %add3A_393 : i32
      %dma_wait3A_395 = arith.constant 0 : i32
      %dma_wait3A_396 = tpu.memref_slice %arg3[%dma_wait3A_395] : memref<320000xi32, #tpu.memory_space<hbm>> -> memref<80xi32, #tpu.memory_space<hbm>>
      %dma_wait3A_397 = arith.constant 0 : i32
      %dma_wait3A_398 = tpu.memref_slice %arg3[%dma_wait3A_397] : memref<320000xi32, #tpu.memory_space<hbm>> -> memref<80xi32, #tpu.memory_space<hbm>>
      tpu.wait_dma2 semaphore(%arg16 : memref<!tpu.dma_semaphore, #tpu.memory_space<semaphore_mem>>) src(%dma_wait3A_398 : memref<80xi32, #tpu.memory_space<hbm>>) dst(%arg7 : memref<80xi32, #tpu.memory_space<vmem>>)
      %dma_wait3A_399 = arith.constant 0 : i32
      %dma_wait3A_400 = tpu.memref_slice %arg4[%dma_wait3A_399] : memref<320000xi32, #tpu.memory_space<hbm>> -> memref<80xi32, #tpu.memory_space<hbm>>
      %dma_wait3A_401 = arith.constant 0 : i32
      %dma_wait3A_402 = tpu.memref_slice %arg4[%dma_wait3A_401] : memref<320000xi32, #tpu.memory_space<hbm>> -> memref<80xi32, #tpu.memory_space<hbm>>
      tpu.wait_dma2 semaphore(%arg18 : memref<!tpu.dma_semaphore, #tpu.memory_space<semaphore_mem>>) src(%dma_wait3A_402 : memref<80xi32, #tpu.memory_space<hbm>>) dst(%arg9 : memref<80xi32, #tpu.memory_space<vmem>>)
      %dma_start3A_403 = arith.constant 0 : i32
      %dma_start3A_404 = arith.constant 0 : i32
      %dma_start3A_405 = tpu.memref_slice %arg2[%dma_start3A_403, %dma_start3A_404] : memref<10000x128xf32, #tpu.memory_space<hbm>> -> memref<10000x128xf32, #tpu.memory_space<hbm>>
      tpu.enqueue_indirect_dma source(%dma_start3A_405 : memref<10000x128xf32, #tpu.memory_space<hbm>>) target(%arg11 : memref<80x128xf32, #tpu.memory_space<vmem>>) offsets(%arg7 : memref<80xi32, #tpu.memory_space<vmem>>) semaphore(%arg14 : memref<!tpu.dma_semaphore, #tpu.memory_space<semaphore_mem>>)
      %dma_wait3A_406 = arith.constant 0 : i32
      %dma_wait3A_407 = arith.constant 0 : i32
      %dma_wait3A_408 = tpu.memref_slice %arg2[%dma_wait3A_406, %dma_wait3A_407] : memref<10000x128xf32, #tpu.memory_space<hbm>> -> memref<10000x128xf32, #tpu.memory_space<hbm>>
      tpu.wait_indirect_dma semaphore(%arg15 : memref<!tpu.dma_semaphore, #tpu.memory_space<semaphore_mem>>) src(%dma_wait3A_408 : memref<10000x128xf32, #tpu.memory_space<hbm>>) dst(%arg12 : memref<80x128xf32, #tpu.memory_space<vmem>>)
      "tpu.region"() ({
        %run_scoped3A = tpu.sem_alloc : memref<!tpu.dma_semaphore, #tpu.memory_space<semaphore_mem>>
        %dma_start3A_425 = arith.constant 0 : i32
        %dma_start3A_426 = arith.constant 0 : i32
        %dma_start3A_427 = tpu.memref_slice %arg13[%dma_start3A_425, %dma_start3A_426] : memref<10240x128xf32, #tpu.memory_space<vmem_shared>> -> memref<10240x128xf32, #tpu.memory_space<vmem_shared>>
        tpu.enqueue_indirect_dma source(%arg12 : memref<80x128xf32, #tpu.memory_space<vmem>>) target(%dma_start3A_427 : memref<10240x128xf32, #tpu.memory_space<vmem_shared>>) offsets(%arg10 : memref<80xi32, #tpu.memory_space<vmem>>) semaphore(%run_scoped3A : memref<!tpu.dma_semaphore, #tpu.memory_space<semaphore_mem>>) {add = true}
        %dma_wait3A_428 = arith.constant 0 : i32
        %dma_wait3A_429 = arith.constant 0 : i32
        %dma_wait3A_430 = tpu.memref_slice %arg13[%dma_wait3A_428, %dma_wait3A_429] : memref<10240x128xf32, #tpu.memory_space<vmem_shared>> -> memref<10240x128xf32, #tpu.memory_space<vmem_shared>>
        tpu.wait_indirect_dma semaphore(%run_scoped3A : memref<!tpu.dma_semaphore, #tpu.memory_space<semaphore_mem>>) src(%arg12 : memref<80x128xf32, #tpu.memory_space<vmem>>) dst(%dma_wait3A_430 : memref<10240x128xf32, #tpu.memory_space<vmem_shared>>)
        tpu.yield
      }) : () -> ()
      %add3A_409 = arith.constant 2 : i32
      %add3A_410 = arith.addi %add3A_394, %add3A_409 : i32
      %min3A_411 = arith.constant 124 : i32
      %min3A_412 = arith.minsi %add3A_410, %min3A_411 : i32
      %mul3A_413 = arith.constant 80 : i32
      %mul3A_414 = arith.muli %min3A_412, %mul3A_413 : i32
      %add3A_415 = arith.addi %mul3A_128, %mul3A_414 : i32
      %dma_start3A_416 = tpu.memref_slice %arg3[%add3A_415] : memref<320000xi32, #tpu.memory_space<hbm>> -> memref<80xi32, #tpu.memory_space<hbm>>
      %dma_start3A_417 = tpu.memref_slice %arg3[%add3A_415] : memref<320000xi32, #tpu.memory_space<hbm>> -> memref<80xi32, #tpu.memory_space<hbm>>
      tpu.enqueue_dma source(%dma_start3A_417 : memref<80xi32, #tpu.memory_space<hbm>>) target(%arg8 : memref<80xi32, #tpu.memory_space<vmem>>) target_semaphore(%arg17 : memref<!tpu.dma_semaphore, #tpu.memory_space<semaphore_mem>>)
      %min3A_418 = arith.constant 124 : i32
      %min3A_419 = arith.minsi %add3A_410, %min3A_418 : i32
      %mul3A_420 = arith.constant 80 : i32
      %mul3A_421 = arith.muli %min3A_419, %mul3A_420 : i32
      %add3A_422 = arith.addi %mul3A_128, %mul3A_421 : i32
      %dma_start3A_423 = tpu.memref_slice %arg4[%add3A_422] : memref<320000xi32, #tpu.memory_space<hbm>> -> memref<80xi32, #tpu.memory_space<hbm>>
      %dma_start3A_424 = tpu.memref_slice %arg4[%add3A_422] : memref<320000xi32, #tpu.memory_space<hbm>> -> memref<80xi32, #tpu.memory_space<hbm>>
      tpu.enqueue_dma source(%dma_start3A_424 : memref<80xi32, #tpu.memory_space<hbm>>) target(%arg10 : memref<80xi32, #tpu.memory_space<vmem>>) target_semaphore(%arg19 : memref<!tpu.dma_semaphore, #tpu.memory_space<semaphore_mem>>)
    }
    %scan3A_151 = arith.constant 62 : i32
    %dma_wait3A_152 = arith.constant 0 : i32
    %dma_wait3A_153 = arith.constant 0 : i32
    %dma_wait3A_154 = tpu.memref_slice %arg2[%dma_wait3A_152, %dma_wait3A_153] : memref<10000x128xf32, #tpu.memory_space<hbm>> -> memref<10000x128xf32, #tpu.memory_space<hbm>>
    tpu.wait_indirect_dma semaphore(%arg14 : memref<!tpu.dma_semaphore, #tpu.memory_space<semaphore_mem>>) src(%dma_wait3A_154 : memref<10000x128xf32, #tpu.memory_space<hbm>>) dst(%arg11 : memref<80x128xf32, #tpu.memory_space<vmem>>)
    "tpu.region"() ({
      %run_scoped3A = tpu.sem_alloc : memref<!tpu.dma_semaphore, #tpu.memory_space<semaphore_mem>>
      %dma_start3A_356 = arith.constant 0 : i32
      %dma_start3A_357 = arith.constant 0 : i32
      %dma_start3A_358 = tpu.memref_slice %arg13[%dma_start3A_356, %dma_start3A_357] : memref<10240x128xf32, #tpu.memory_space<vmem_shared>> -> memref<10240x128xf32, #tpu.memory_space<vmem_shared>>
      tpu.enqueue_indirect_dma source(%arg11 : memref<80x128xf32, #tpu.memory_space<vmem>>) target(%dma_start3A_358 : memref<10240x128xf32, #tpu.memory_space<vmem_shared>>) offsets(%arg9 : memref<80xi32, #tpu.memory_space<vmem>>) semaphore(%run_scoped3A : memref<!tpu.dma_semaphore, #tpu.memory_space<semaphore_mem>>) {add = true}
      %dma_wait3A_359 = arith.constant 0 : i32
      %dma_wait3A_360 = arith.constant 0 : i32
      %dma_wait3A_361 = tpu.memref_slice %arg13[%dma_wait3A_359, %dma_wait3A_360] : memref<10240x128xf32, #tpu.memory_space<vmem_shared>> -> memref<10240x128xf32, #tpu.memory_space<vmem_shared>>
      tpu.wait_indirect_dma semaphore(%run_scoped3A : memref<!tpu.dma_semaphore, #tpu.memory_space<semaphore_mem>>) src(%arg11 : memref<80x128xf32, #tpu.memory_space<vmem>>) dst(%dma_wait3A_361 : memref<10240x128xf32, #tpu.memory_space<vmem_shared>>)
      tpu.yield
    }) : () -> ()
    %dma_wait3A_155 = arith.constant 0 : i32
    %dma_wait3A_156 = tpu.memref_slice %arg3[%dma_wait3A_155] : memref<320000xi32, #tpu.memory_space<hbm>> -> memref<80xi32, #tpu.memory_space<hbm>>
    %dma_wait3A_157 = arith.constant 0 : i32
    %dma_wait3A_158 = tpu.memref_slice %arg3[%dma_wait3A_157] : memref<320000xi32, #tpu.memory_space<hbm>> -> memref<80xi32, #tpu.memory_space<hbm>>
    tpu.wait_dma2 semaphore(%arg17 : memref<!tpu.dma_semaphore, #tpu.memory_space<semaphore_mem>>) src(%dma_wait3A_158 : memref<80xi32, #tpu.memory_space<hbm>>) dst(%arg8 : memref<80xi32, #tpu.memory_space<vmem>>)
    %dma_wait3A_159 = arith.constant 0 : i32
    %dma_wait3A_160 = tpu.memref_slice %arg4[%dma_wait3A_159] : memref<320000xi32, #tpu.memory_space<hbm>> -> memref<80xi32, #tpu.memory_space<hbm>>
    %dma_wait3A_161 = arith.constant 0 : i32
    %dma_wait3A_162 = tpu.memref_slice %arg4[%dma_wait3A_161] : memref<320000xi32, #tpu.memory_space<hbm>> -> memref<80xi32, #tpu.memory_space<hbm>>
    tpu.wait_dma2 semaphore(%arg19 : memref<!tpu.dma_semaphore, #tpu.memory_space<semaphore_mem>>) src(%dma_wait3A_162 : memref<80xi32, #tpu.memory_space<hbm>>) dst(%arg10 : memref<80xi32, #tpu.memory_space<vmem>>)
    %barrier3A_163 = arith.constant 0 : index
    tpu.barrier barrier_id(%barrier3A_163)
    %mul3A_164 = arith.constant 640 : i32
    %mul3A_165 = arith.muli %arg1, %mul3A_164 : i32
    %add3A_166 = arith.constant 0 : i32
    %add3A_167 = arith.addi %mul3A_165, %add3A_166 : i32
    "tpu.region"() ({
      %run_scoped3A = tpu.sem_alloc : memref<!tpu.dma_semaphore, #tpu.memory_space<semaphore_mem>>
      %dma_start3A_356 = arith.constant 0 : i32
      %dma_start3A_357 = tpu.memref_slice %arg13[%add3A_167, %dma_start3A_356] : memref<10240x128xf32, #tpu.memory_space<vmem_shared>> -> memref<80x128xf32, #tpu.memory_space<vmem_shared>>
      %dma_start3A_358 = arith.constant 0 : i32
      %dma_start3A_359 = tpu.memref_slice %arg13[%add3A_167, %dma_start3A_358] : memref<10240x128xf32, #tpu.memory_space<vmem_shared>> -> memref<80x128xf32, #tpu.memory_space<vmem_shared>>
      tpu.enqueue_dma source(%dma_start3A_359 : memref<80x128xf32, #tpu.memory_space<vmem_shared>>) target(%arg11 : memref<80x128xf32, #tpu.memory_space<vmem>>) target_semaphore(%run_scoped3A : memref<!tpu.dma_semaphore, #tpu.memory_space<semaphore_mem>>)
      %dma_wait3A_360 = arith.constant 0 : i32
      %dma_wait3A_361 = tpu.memref_slice %arg13[%add3A_167, %dma_wait3A_360] : memref<10240x128xf32, #tpu.memory_space<vmem_shared>> -> memref<80x128xf32, #tpu.memory_space<vmem_shared>>
      %dma_wait3A_362 = arith.constant 0 : i32
      %dma_wait3A_363 = tpu.memref_slice %arg13[%add3A_167, %dma_wait3A_362] : memref<10240x128xf32, #tpu.memory_space<vmem_shared>> -> memref<80x128xf32, #tpu.memory_space<vmem_shared>>
      tpu.wait_dma2 semaphore(%run_scoped3A : memref<!tpu.dma_semaphore, #tpu.memory_space<semaphore_mem>>) src(%dma_wait3A_363 : memref<80x128xf32, #tpu.memory_space<vmem_shared>>) dst(%arg11 : memref<80x128xf32, #tpu.memory_space<vmem>>)
      tpu.yield
    }) : () -> ()
    %mul3A_168 = arith.constant 640 : i32
    %mul3A_169 = arith.muli %arg1, %mul3A_168 : i32
    %add3A_170 = arith.constant 0 : i32
    %add3A_171 = arith.addi %mul3A_169, %add3A_170 : i32
    %dma_start3A_172 = arith.constant 0 : i32
    %dma_start3A_173 = tpu.memref_slice %arg6[%arg0, %add3A_171, %dma_start3A_172] : memref<2x10240x128xf32, #tpu.memory_space<hbm>> -> memref<1x80x128xf32, #tpu.memory_space<hbm>>
    %dma_start3A_174 = tpu.memref_squeeze %dma_start3A_173 : memref<1x80x128xf32, #tpu.memory_space<hbm>> -> memref<80x128xf32, #tpu.memory_space<hbm>>
    %dma_start3A_175 = arith.constant 0 : i32
    %dma_start3A_176 = tpu.memref_slice %arg6[%arg0, %add3A_171, %dma_start3A_175] : memref<2x10240x128xf32, #tpu.memory_space<hbm>> -> memref<1x80x128xf32, #tpu.memory_space<hbm>>
    %dma_start3A_177 = tpu.memref_squeeze %dma_start3A_176 : memref<1x80x128xf32, #tpu.memory_space<hbm>> -> memref<80x128xf32, #tpu.memory_space<hbm>>
    tpu.enqueue_dma source(%arg11 : memref<80x128xf32, #tpu.memory_space<vmem>>) target(%dma_start3A_177 : memref<80x128xf32, #tpu.memory_space<hbm>>) target_semaphore(%arg14 : memref<!tpu.dma_semaphore, #tpu.memory_space<semaphore_mem>>)
    %mul3A_178 = arith.constant 640 : i32
    %mul3A_179 = arith.muli %arg1, %mul3A_178 : i32
    %add3A_180 = arith.constant 80 : i32
    %add3A_181 = arith.addi %mul3A_179, %add3A_180 : i32
    "tpu.region"() ({
      %run_scoped3A = tpu.sem_alloc : memref<!tpu.dma_semaphore, #tpu.memory_space<semaphore_mem>>
      %dma_start3A_356 = arith.constant 0 : i32
      %dma_start3A_357 = tpu.memref_slice %arg13[%add3A_181, %dma_start3A_356] : memref<10240x128xf32, #tpu.memory_space<vmem_shared>> -> memref<80x128xf32, #tpu.memory_space<vmem_shared>>
      %dma_start3A_358 = arith.constant 0 : i32
      %dma_start3A_359 = tpu.memref_slice %arg13[%add3A_181, %dma_start3A_358] : memref<10240x128xf32, #tpu.memory_space<vmem_shared>> -> memref<80x128xf32, #tpu.memory_space<vmem_shared>>
      tpu.enqueue_dma source(%dma_start3A_359 : memref<80x128xf32, #tpu.memory_space<vmem_shared>>) target(%arg12 : memref<80x128xf32, #tpu.memory_space<vmem>>) target_semaphore(%run_scoped3A : memref<!tpu.dma_semaphore, #tpu.memory_space<semaphore_mem>>)
      %dma_wait3A_360 = arith.constant 0 : i32
      %dma_wait3A_361 = tpu.memref_slice %arg13[%add3A_181, %dma_wait3A_360] : memref<10240x128xf32, #tpu.memory_space<vmem_shared>> -> memref<80x128xf32, #tpu.memory_space<vmem_shared>>
      %dma_wait3A_362 = arith.constant 0 : i32
      %dma_wait3A_363 = tpu.memref_slice %arg13[%add3A_181, %dma_wait3A_362] : memref<10240x128xf32, #tpu.memory_space<vmem_shared>> -> memref<80x128xf32, #tpu.memory_space<vmem_shared>>
      tpu.wait_dma2 semaphore(%run_scoped3A : memref<!tpu.dma_semaphore, #tpu.memory_space<semaphore_mem>>) src(%dma_wait3A_363 : memref<80x128xf32, #tpu.memory_space<vmem_shared>>) dst(%arg12 : memref<80x128xf32, #tpu.memory_space<vmem>>)
      tpu.yield
    }) : () -> ()
    %mul3A_182 = arith.constant 640 : i32
    %mul3A_183 = arith.muli %arg1, %mul3A_182 : i32
    %add3A_184 = arith.constant 80 : i32
    %add3A_185 = arith.addi %mul3A_183, %add3A_184 : i32
    %dma_start3A_186 = arith.constant 0 : i32
    %dma_start3A_187 = tpu.memref_slice %arg6[%arg0, %add3A_185, %dma_start3A_186] : memref<2x10240x128xf32, #tpu.memory_space<hbm>> -> memref<1x80x128xf32, #tpu.memory_space<hbm>>
    %dma_start3A_188 = tpu.memref_squeeze %dma_start3A_187 : memref<1x80x128xf32, #tpu.memory_space<hbm>> -> memref<80x128xf32, #tpu.memory_space<hbm>>
    %dma_start3A_189 = arith.constant 0 : i32
    %dma_start3A_190 = tpu.memref_slice %arg6[%arg0, %add3A_185, %dma_start3A_189] : memref<2x10240x128xf32, #tpu.memory_space<hbm>> -> memref<1x80x128xf32, #tpu.memory_space<hbm>>
    %dma_start3A_191 = tpu.memref_squeeze %dma_start3A_190 : memref<1x80x128xf32, #tpu.memory_space<hbm>> -> memref<80x128xf32, #tpu.memory_space<hbm>>
    tpu.enqueue_dma source(%arg12 : memref<80x128xf32, #tpu.memory_space<vmem>>) target(%dma_start3A_191 : memref<80x128xf32, #tpu.memory_space<hbm>>) target_semaphore(%arg15 : memref<!tpu.dma_semaphore, #tpu.memory_space<semaphore_mem>>)
    %mul3A_192 = arith.constant 640 : i32
    %mul3A_193 = arith.muli %arg1, %mul3A_192 : i32
    %add3A_194 = arith.constant 0 : i32
    %add3A_195 = arith.addi %mul3A_193, %add3A_194 : i32
    %dma_wait3A_196 = arith.constant 0 : i32
    %dma_wait3A_197 = tpu.memref_slice %arg6[%arg0, %add3A_195, %dma_wait3A_196] : memref<2x10240x128xf32, #tpu.memory_space<hbm>> -> memref<1x80x128xf32, #tpu.memory_space<hbm>>
    %dma_wait3A_198 = tpu.memref_squeeze %dma_wait3A_197 : memref<1x80x128xf32, #tpu.memory_space<hbm>> -> memref<80x128xf32, #tpu.memory_space<hbm>>
    %dma_wait3A_199 = arith.constant 0 : i32
    %dma_wait3A_200 = tpu.memref_slice %arg6[%arg0, %add3A_195, %dma_wait3A_199] : memref<2x10240x128xf32, #tpu.memory_space<hbm>> -> memref<1x80x128xf32, #tpu.memory_space<hbm>>
    %dma_wait3A_201 = tpu.memref_squeeze %dma_wait3A_200 : memref<1x80x128xf32, #tpu.memory_space<hbm>> -> memref<80x128xf32, #tpu.memory_space<hbm>>
    tpu.wait_dma2 semaphore(%arg14 : memref<!tpu.dma_semaphore, #tpu.memory_space<semaphore_mem>>) src(%arg11 : memref<80x128xf32, #tpu.memory_space<vmem>>) dst(%dma_wait3A_201 : memref<80x128xf32, #tpu.memory_space<hbm>>)
    %mul3A_202 = arith.constant 640 : i32
    %mul3A_203 = arith.muli %arg1, %mul3A_202 : i32
    %add3A_204 = arith.constant 160 : i32
    %add3A_205 = arith.addi %mul3A_203, %add3A_204 : i32
    "tpu.region"() ({
      %run_scoped3A = tpu.sem_alloc : memref<!tpu.dma_semaphore, #tpu.memory_space<semaphore_mem>>
      %dma_start3A_356 = arith.constant 0 : i32
      %dma_start3A_357 = tpu.memref_slice %arg13[%add3A_205, %dma_start3A_356] : memref<10240x128xf32, #tpu.memory_space<vmem_shared>> -> memref<80x128xf32, #tpu.memory_space<vmem_shared>>
      %dma_start3A_358 = arith.constant 0 : i32
      %dma_start3A_359 = tpu.memref_slice %arg13[%add3A_205, %dma_start3A_358] : memref<10240x128xf32, #tpu.memory_space<vmem_shared>> -> memref<80x128xf32, #tpu.memory_space<vmem_shared>>
      tpu.enqueue_dma source(%dma_start3A_359 : memref<80x128xf32, #tpu.memory_space<vmem_shared>>) target(%arg11 : memref<80x128xf32, #tpu.memory_space<vmem>>) target_semaphore(%run_scoped3A : memref<!tpu.dma_semaphore, #tpu.memory_space<semaphore_mem>>)
      %dma_wait3A_360 = arith.constant 0 : i32
      %dma_wait3A_361 = tpu.memref_slice %arg13[%add3A_205, %dma_wait3A_360] : memref<10240x128xf32, #tpu.memory_space<vmem_shared>> -> memref<80x128xf32, #tpu.memory_space<vmem_shared>>
      %dma_wait3A_362 = arith.constant 0 : i32
      %dma_wait3A_363 = tpu.memref_slice %arg13[%add3A_205, %dma_wait3A_362] : memref<10240x128xf32, #tpu.memory_space<vmem_shared>> -> memref<80x128xf32, #tpu.memory_space<vmem_shared>>
      tpu.wait_dma2 semaphore(%run_scoped3A : memref<!tpu.dma_semaphore, #tpu.memory_space<semaphore_mem>>) src(%dma_wait3A_363 : memref<80x128xf32, #tpu.memory_space<vmem_shared>>) dst(%arg11 : memref<80x128xf32, #tpu.memory_space<vmem>>)
      tpu.yield
    }) : () -> ()
    %mul3A_206 = arith.constant 640 : i32
    %mul3A_207 = arith.muli %arg1, %mul3A_206 : i32
    %add3A_208 = arith.constant 160 : i32
    %add3A_209 = arith.addi %mul3A_207, %add3A_208 : i32
    %dma_start3A_210 = arith.constant 0 : i32
    %dma_start3A_211 = tpu.memref_slice %arg6[%arg0, %add3A_209, %dma_start3A_210] : memref<2x10240x128xf32, #tpu.memory_space<hbm>> -> memref<1x80x128xf32, #tpu.memory_space<hbm>>
    %dma_start3A_212 = tpu.memref_squeeze %dma_start3A_211 : memref<1x80x128xf32, #tpu.memory_space<hbm>> -> memref<80x128xf32, #tpu.memory_space<hbm>>
    %dma_start3A_213 = arith.constant 0 : i32
    %dma_start3A_214 = tpu.memref_slice %arg6[%arg0, %add3A_209, %dma_start3A_213] : memref<2x10240x128xf32, #tpu.memory_space<hbm>> -> memref<1x80x128xf32, #tpu.memory_space<hbm>>
    %dma_start3A_215 = tpu.memref_squeeze %dma_start3A_214 : memref<1x80x128xf32, #tpu.memory_space<hbm>> -> memref<80x128xf32, #tpu.memory_space<hbm>>
    tpu.enqueue_dma source(%arg11 : memref<80x128xf32, #tpu.memory_space<vmem>>) target(%dma_start3A_215 : memref<80x128xf32, #tpu.memory_space<hbm>>) target_semaphore(%arg14 : memref<!tpu.dma_semaphore, #tpu.memory_space<semaphore_mem>>)
    %mul3A_216 = arith.constant 640 : i32
    %mul3A_217 = arith.muli %arg1, %mul3A_216 : i32
    %add3A_218 = arith.constant 80 : i32
    %add3A_219 = arith.addi %mul3A_217, %add3A_218 : i32
    %dma_wait3A_220 = arith.constant 0 : i32
    %dma_wait3A_221 = tpu.memref_slice %arg6[%arg0, %add3A_219, %dma_wait3A_220] : memref<2x10240x128xf32, #tpu.memory_space<hbm>> -> memref<1x80x128xf32, #tpu.memory_space<hbm>>
    %dma_wait3A_222 = tpu.memref_squeeze %dma_wait3A_221 : memref<1x80x128xf32, #tpu.memory_space<hbm>> -> memref<80x128xf32, #tpu.memory_space<hbm>>
    %dma_wait3A_223 = arith.constant 0 : i32
    %dma_wait3A_224 = tpu.memref_slice %arg6[%arg0, %add3A_219, %dma_wait3A_223] : memref<2x10240x128xf32, #tpu.memory_space<hbm>> -> memref<1x80x128xf32, #tpu.memory_space<hbm>>
    %dma_wait3A_225 = tpu.memref_squeeze %dma_wait3A_224 : memref<1x80x128xf32, #tpu.memory_space<hbm>> -> memref<80x128xf32, #tpu.memory_space<hbm>>
    tpu.wait_dma2 semaphore(%arg15 : memref<!tpu.dma_semaphore, #tpu.memory_space<semaphore_mem>>) src(%arg12 : memref<80x128xf32, #tpu.memory_space<vmem>>) dst(%dma_wait3A_225 : memref<80x128xf32, #tpu.memory_space<hbm>>)
    %mul3A_226 = arith.constant 640 : i32
    %mul3A_227 = arith.muli %arg1, %mul3A_226 : i32
    %add3A_228 = arith.constant 240 : i32
    %add3A_229 = arith.addi %mul3A_227, %add3A_228 : i32
    "tpu.region"() ({
      %run_scoped3A = tpu.sem_alloc : memref<!tpu.dma_semaphore, #tpu.memory_space<semaphore_mem>>
      %dma_start3A_356 = arith.constant 0 : i32
      %dma_start3A_357 = tpu.memref_slice %arg13[%add3A_229, %dma_start3A_356] : memref<10240x128xf32, #tpu.memory_space<vmem_shared>> -> memref<80x128xf32, #tpu.memory_space<vmem_shared>>
      %dma_start3A_358 = arith.constant 0 : i32
      %dma_start3A_359 = tpu.memref_slice %arg13[%add3A_229, %dma_start3A_358] : memref<10240x128xf32, #tpu.memory_space<vmem_shared>> -> memref<80x128xf32, #tpu.memory_space<vmem_shared>>
      tpu.enqueue_dma source(%dma_start3A_359 : memref<80x128xf32, #tpu.memory_space<vmem_shared>>) target(%arg12 : memref<80x128xf32, #tpu.memory_space<vmem>>) target_semaphore(%run_scoped3A : memref<!tpu.dma_semaphore, #tpu.memory_space<semaphore_mem>>)
      %dma_wait3A_360 = arith.constant 0 : i32
      %dma_wait3A_361 = tpu.memref_slice %arg13[%add3A_229, %dma_wait3A_360] : memref<10240x128xf32, #tpu.memory_space<vmem_shared>> -> memref<80x128xf32, #tpu.memory_space<vmem_shared>>
      %dma_wait3A_362 = arith.constant 0 : i32
      %dma_wait3A_363 = tpu.memref_slice %arg13[%add3A_229, %dma_wait3A_362] : memref<10240x128xf32, #tpu.memory_space<vmem_shared>> -> memref<80x128xf32, #tpu.memory_space<vmem_shared>>
      tpu.wait_dma2 semaphore(%run_scoped3A : memref<!tpu.dma_semaphore, #tpu.memory_space<semaphore_mem>>) src(%dma_wait3A_363 : memref<80x128xf32, #tpu.memory_space<vmem_shared>>) dst(%arg12 : memref<80x128xf32, #tpu.memory_space<vmem>>)
      tpu.yield
    }) : () -> ()
    %mul3A_230 = arith.constant 640 : i32
    %mul3A_231 = arith.muli %arg1, %mul3A_230 : i32
    %add3A_232 = arith.constant 240 : i32
    %add3A_233 = arith.addi %mul3A_231, %add3A_232 : i32
    %dma_start3A_234 = arith.constant 0 : i32
    %dma_start3A_235 = tpu.memref_slice %arg6[%arg0, %add3A_233, %dma_start3A_234] : memref<2x10240x128xf32, #tpu.memory_space<hbm>> -> memref<1x80x128xf32, #tpu.memory_space<hbm>>
    %dma_start3A_236 = tpu.memref_squeeze %dma_start3A_235 : memref<1x80x128xf32, #tpu.memory_space<hbm>> -> memref<80x128xf32, #tpu.memory_space<hbm>>
    %dma_start3A_237 = arith.constant 0 : i32
    %dma_start3A_238 = tpu.memref_slice %arg6[%arg0, %add3A_233, %dma_start3A_237] : memref<2x10240x128xf32, #tpu.memory_space<hbm>> -> memref<1x80x128xf32, #tpu.memory_space<hbm>>
    %dma_start3A_239 = tpu.memref_squeeze %dma_start3A_238 : memref<1x80x128xf32, #tpu.memory_space<hbm>> -> memref<80x128xf32, #tpu.memory_space<hbm>>
    tpu.enqueue_dma source(%arg12 : memref<80x128xf32, #tpu.memory_space<vmem>>) target(%dma_start3A_239 : memref<80x128xf32, #tpu.memory_space<hbm>>) target_semaphore(%arg15 : memref<!tpu.dma_semaphore, #tpu.memory_space<semaphore_mem>>)
    %mul3A_240 = arith.constant 640 : i32
    %mul3A_241 = arith.muli %arg1, %mul3A_240 : i32
    %add3A_242 = arith.constant 160 : i32
    %add3A_243 = arith.addi %mul3A_241, %add3A_242 : i32
    %dma_wait3A_244 = arith.constant 0 : i32
    %dma_wait3A_245 = tpu.memref_slice %arg6[%arg0, %add3A_243, %dma_wait3A_244] : memref<2x10240x128xf32, #tpu.memory_space<hbm>> -> memref<1x80x128xf32, #tpu.memory_space<hbm>>
    %dma_wait3A_246 = tpu.memref_squeeze %dma_wait3A_245 : memref<1x80x128xf32, #tpu.memory_space<hbm>> -> memref<80x128xf32, #tpu.memory_space<hbm>>
    %dma_wait3A_247 = arith.constant 0 : i32
    %dma_wait3A_248 = tpu.memref_slice %arg6[%arg0, %add3A_243, %dma_wait3A_247] : memref<2x10240x128xf32, #tpu.memory_space<hbm>> -> memref<1x80x128xf32, #tpu.memory_space<hbm>>
    %dma_wait3A_249 = tpu.memref_squeeze %dma_wait3A_248 : memref<1x80x128xf32, #tpu.memory_space<hbm>> -> memref<80x128xf32, #tpu.memory_space<hbm>>
    tpu.wait_dma2 semaphore(%arg14 : memref<!tpu.dma_semaphore, #tpu.memory_space<semaphore_mem>>) src(%arg11 : memref<80x128xf32, #tpu.memory_space<vmem>>) dst(%dma_wait3A_249 : memref<80x128xf32, #tpu.memory_space<hbm>>)
    %mul3A_250 = arith.constant 640 : i32
    %mul3A_251 = arith.muli %arg1, %mul3A_250 : i32
    %add3A_252 = arith.constant 320 : i32
    %add3A_253 = arith.addi %mul3A_251, %add3A_252 : i32
    "tpu.region"() ({
      %run_scoped3A = tpu.sem_alloc : memref<!tpu.dma_semaphore, #tpu.memory_space<semaphore_mem>>
      %dma_start3A_356 = arith.constant 0 : i32
      %dma_start3A_357 = tpu.memref_slice %arg13[%add3A_253, %dma_start3A_356] : memref<10240x128xf32, #tpu.memory_space<vmem_shared>> -> memref<80x128xf32, #tpu.memory_space<vmem_shared>>
      %dma_start3A_358 = arith.constant 0 : i32
      %dma_start3A_359 = tpu.memref_slice %arg13[%add3A_253, %dma_start3A_358] : memref<10240x128xf32, #tpu.memory_space<vmem_shared>> -> memref<80x128xf32, #tpu.memory_space<vmem_shared>>
      tpu.enqueue_dma source(%dma_start3A_359 : memref<80x128xf32, #tpu.memory_space<vmem_shared>>) target(%arg11 : memref<80x128xf32, #tpu.memory_space<vmem>>) target_semaphore(%run_scoped3A : memref<!tpu.dma_semaphore, #tpu.memory_space<semaphore_mem>>)
      %dma_wait3A_360 = arith.constant 0 : i32
      %dma_wait3A_361 = tpu.memref_slice %arg13[%add3A_253, %dma_wait3A_360] : memref<10240x128xf32, #tpu.memory_space<vmem_shared>> -> memref<80x128xf32, #tpu.memory_space<vmem_shared>>
      %dma_wait3A_362 = arith.constant 0 : i32
      %dma_wait3A_363 = tpu.memref_slice %arg13[%add3A_253, %dma_wait3A_362] : memref<10240x128xf32, #tpu.memory_space<vmem_shared>> -> memref<80x128xf32, #tpu.memory_space<vmem_shared>>
      tpu.wait_dma2 semaphore(%run_scoped3A : memref<!tpu.dma_semaphore, #tpu.memory_space<semaphore_mem>>) src(%dma_wait3A_363 : memref<80x128xf32, #tpu.memory_space<vmem_shared>>) dst(%arg11 : memref<80x128xf32, #tpu.memory_space<vmem>>)
      tpu.yield
    }) : () -> ()
    %mul3A_254 = arith.constant 640 : i32
    %mul3A_255 = arith.muli %arg1, %mul3A_254 : i32
    %add3A_256 = arith.constant 320 : i32
    %add3A_257 = arith.addi %mul3A_255, %add3A_256 : i32
    %dma_start3A_258 = arith.constant 0 : i32
    %dma_start3A_259 = tpu.memref_slice %arg6[%arg0, %add3A_257, %dma_start3A_258] : memref<2x10240x128xf32, #tpu.memory_space<hbm>> -> memref<1x80x128xf32, #tpu.memory_space<hbm>>
    %dma_start3A_260 = tpu.memref_squeeze %dma_start3A_259 : memref<1x80x128xf32, #tpu.memory_space<hbm>> -> memref<80x128xf32, #tpu.memory_space<hbm>>
    %dma_start3A_261 = arith.constant 0 : i32
    %dma_start3A_262 = tpu.memref_slice %arg6[%arg0, %add3A_257, %dma_start3A_261] : memref<2x10240x128xf32, #tpu.memory_space<hbm>> -> memref<1x80x128xf32, #tpu.memory_space<hbm>>
    %dma_start3A_263 = tpu.memref_squeeze %dma_start3A_262 : memref<1x80x128xf32, #tpu.memory_space<hbm>> -> memref<80x128xf32, #tpu.memory_space<hbm>>
    tpu.enqueue_dma source(%arg11 : memref<80x128xf32, #tpu.memory_space<vmem>>) target(%dma_start3A_263 : memref<80x128xf32, #tpu.memory_space<hbm>>) target_semaphore(%arg14 : memref<!tpu.dma_semaphore, #tpu.memory_space<semaphore_mem>>)
    %mul3A_264 = arith.constant 640 : i32
    %mul3A_265 = arith.muli %arg1, %mul3A_264 : i32
    %add3A_266 = arith.constant 240 : i32
    %add3A_267 = arith.addi %mul3A_265, %add3A_266 : i32
    %dma_wait3A_268 = arith.constant 0 : i32
    %dma_wait3A_269 = tpu.memref_slice %arg6[%arg0, %add3A_267, %dma_wait3A_268] : memref<2x10240x128xf32, #tpu.memory_space<hbm>> -> memref<1x80x128xf32, #tpu.memory_space<hbm>>
    %dma_wait3A_270 = tpu.memref_squeeze %dma_wait3A_269 : memref<1x80x128xf32, #tpu.memory_space<hbm>> -> memref<80x128xf32, #tpu.memory_space<hbm>>
    %dma_wait3A_271 = arith.constant 0 : i32
    %dma_wait3A_272 = tpu.memref_slice %arg6[%arg0, %add3A_267, %dma_wait3A_271] : memref<2x10240x128xf32, #tpu.memory_space<hbm>> -> memref<1x80x128xf32, #tpu.memory_space<hbm>>
    %dma_wait3A_273 = tpu.memref_squeeze %dma_wait3A_272 : memref<1x80x128xf32, #tpu.memory_space<hbm>> -> memref<80x128xf32, #tpu.memory_space<hbm>>
    tpu.wait_dma2 semaphore(%arg15 : memref<!tpu.dma_semaphore, #tpu.memory_space<semaphore_mem>>) src(%arg12 : memref<80x128xf32, #tpu.memory_space<vmem>>) dst(%dma_wait3A_273 : memref<80x128xf32, #tpu.memory_space<hbm>>)
    %mul3A_274 = arith.constant 640 : i32
    %mul3A_275 = arith.muli %arg1, %mul3A_274 : i32
    %add3A_276 = arith.constant 400 : i32
    %add3A_277 = arith.addi %mul3A_275, %add3A_276 : i32
    "tpu.region"() ({
      %run_scoped3A = tpu.sem_alloc : memref<!tpu.dma_semaphore, #tpu.memory_space<semaphore_mem>>
      %dma_start3A_356 = arith.constant 0 : i32
      %dma_start3A_357 = tpu.memref_slice %arg13[%add3A_277, %dma_start3A_356] : memref<10240x128xf32, #tpu.memory_space<vmem_shared>> -> memref<80x128xf32, #tpu.memory_space<vmem_shared>>
      %dma_start3A_358 = arith.constant 0 : i32
      %dma_start3A_359 = tpu.memref_slice %arg13[%add3A_277, %dma_start3A_358] : memref<10240x128xf32, #tpu.memory_space<vmem_shared>> -> memref<80x128xf32, #tpu.memory_space<vmem_shared>>
      tpu.enqueue_dma source(%dma_start3A_359 : memref<80x128xf32, #tpu.memory_space<vmem_shared>>) target(%arg12 : memref<80x128xf32, #tpu.memory_space<vmem>>) target_semaphore(%run_scoped3A : memref<!tpu.dma_semaphore, #tpu.memory_space<semaphore_mem>>)
      %dma_wait3A_360 = arith.constant 0 : i32
      %dma_wait3A_361 = tpu.memref_slice %arg13[%add3A_277, %dma_wait3A_360] : memref<10240x128xf32, #tpu.memory_space<vmem_shared>> -> memref<80x128xf32, #tpu.memory_space<vmem_shared>>
      %dma_wait3A_362 = arith.constant 0 : i32
      %dma_wait3A_363 = tpu.memref_slice %arg13[%add3A_277, %dma_wait3A_362] : memref<10240x128xf32, #tpu.memory_space<vmem_shared>> -> memref<80x128xf32, #tpu.memory_space<vmem_shared>>
      tpu.wait_dma2 semaphore(%run_scoped3A : memref<!tpu.dma_semaphore, #tpu.memory_space<semaphore_mem>>) src(%dma_wait3A_363 : memref<80x128xf32, #tpu.memory_space<vmem_shared>>) dst(%arg12 : memref<80x128xf32, #tpu.memory_space<vmem>>)
      tpu.yield
    }) : () -> ()
    %mul3A_278 = arith.constant 640 : i32
    %mul3A_279 = arith.muli %arg1, %mul3A_278 : i32
    %add3A_280 = arith.constant 400 : i32
    %add3A_281 = arith.addi %mul3A_279, %add3A_280 : i32
    %dma_start3A_282 = arith.constant 0 : i32
    %dma_start3A_283 = tpu.memref_slice %arg6[%arg0, %add3A_281, %dma_start3A_282] : memref<2x10240x128xf32, #tpu.memory_space<hbm>> -> memref<1x80x128xf32, #tpu.memory_space<hbm>>
    %dma_start3A_284 = tpu.memref_squeeze %dma_start3A_283 : memref<1x80x128xf32, #tpu.memory_space<hbm>> -> memref<80x128xf32, #tpu.memory_space<hbm>>
    %dma_start3A_285 = arith.constant 0 : i32
    %dma_start3A_286 = tpu.memref_slice %arg6[%arg0, %add3A_281, %dma_start3A_285] : memref<2x10240x128xf32, #tpu.memory_space<hbm>> -> memref<1x80x128xf32, #tpu.memory_space<hbm>>
    %dma_start3A_287 = tpu.memref_squeeze %dma_start3A_286 : memref<1x80x128xf32, #tpu.memory_space<hbm>> -> memref<80x128xf32, #tpu.memory_space<hbm>>
    tpu.enqueue_dma source(%arg12 : memref<80x128xf32, #tpu.memory_space<vmem>>) target(%dma_start3A_287 : memref<80x128xf32, #tpu.memory_space<hbm>>) target_semaphore(%arg15 : memref<!tpu.dma_semaphore, #tpu.memory_space<semaphore_mem>>)
    %mul3A_288 = arith.constant 640 : i32
    %mul3A_289 = arith.muli %arg1, %mul3A_288 : i32
    %add3A_290 = arith.constant 320 : i32
    %add3A_291 = arith.addi %mul3A_289, %add3A_290 : i32
    %dma_wait3A_292 = arith.constant 0 : i32
    %dma_wait3A_293 = tpu.memref_slice %arg6[%arg0, %add3A_291, %dma_wait3A_292] : memref<2x10240x128xf32, #tpu.memory_space<hbm>> -> memref<1x80x128xf32, #tpu.memory_space<hbm>>
    %dma_wait3A_294 = tpu.memref_squeeze %dma_wait3A_293 : memref<1x80x128xf32, #tpu.memory_space<hbm>> -> memref<80x128xf32, #tpu.memory_space<hbm>>
    %dma_wait3A_295 = arith.constant 0 : i32
    %dma_wait3A_296 = tpu.memref_slice %arg6[%arg0, %add3A_291, %dma_wait3A_295] : memref<2x10240x128xf32, #tpu.memory_space<hbm>> -> memref<1x80x128xf32, #tpu.memory_space<hbm>>
    %dma_wait3A_297 = tpu.memref_squeeze %dma_wait3A_296 : memref<1x80x128xf32, #tpu.memory_space<hbm>> -> memref<80x128xf32, #tpu.memory_space<hbm>>
    tpu.wait_dma2 semaphore(%arg14 : memref<!tpu.dma_semaphore, #tpu.memory_space<semaphore_mem>>) src(%arg11 : memref<80x128xf32, #tpu.memory_space<vmem>>) dst(%dma_wait3A_297 : memref<80x128xf32, #tpu.memory_space<hbm>>)
    %mul3A_298 = arith.constant 640 : i32
    %mul3A_299 = arith.muli %arg1, %mul3A_298 : i32
    %add3A_300 = arith.constant 480 : i32
    %add3A_301 = arith.addi %mul3A_299, %add3A_300 : i32
    "tpu.region"() ({
      %run_scoped3A = tpu.sem_alloc : memref<!tpu.dma_semaphore, #tpu.memory_space<semaphore_mem>>
      %dma_start3A_356 = arith.constant 0 : i32
      %dma_start3A_357 = tpu.memref_slice %arg13[%add3A_301, %dma_start3A_356] : memref<10240x128xf32, #tpu.memory_space<vmem_shared>> -> memref<80x128xf32, #tpu.memory_space<vmem_shared>>
      %dma_start3A_358 = arith.constant 0 : i32
      %dma_start3A_359 = tpu.memref_slice %arg13[%add3A_301, %dma_start3A_358] : memref<10240x128xf32, #tpu.memory_space<vmem_shared>> -> memref<80x128xf32, #tpu.memory_space<vmem_shared>>
      tpu.enqueue_dma source(%dma_start3A_359 : memref<80x128xf32, #tpu.memory_space<vmem_shared>>) target(%arg11 : memref<80x128xf32, #tpu.memory_space<vmem>>) target_semaphore(%run_scoped3A : memref<!tpu.dma_semaphore, #tpu.memory_space<semaphore_mem>>)
      %dma_wait3A_360 = arith.constant 0 : i32
      %dma_wait3A_361 = tpu.memref_slice %arg13[%add3A_301, %dma_wait3A_360] : memref<10240x128xf32, #tpu.memory_space<vmem_shared>> -> memref<80x128xf32, #tpu.memory_space<vmem_shared>>
      %dma_wait3A_362 = arith.constant 0 : i32
      %dma_wait3A_363 = tpu.memref_slice %arg13[%add3A_301, %dma_wait3A_362] : memref<10240x128xf32, #tpu.memory_space<vmem_shared>> -> memref<80x128xf32, #tpu.memory_space<vmem_shared>>
      tpu.wait_dma2 semaphore(%run_scoped3A : memref<!tpu.dma_semaphore, #tpu.memory_space<semaphore_mem>>) src(%dma_wait3A_363 : memref<80x128xf32, #tpu.memory_space<vmem_shared>>) dst(%arg11 : memref<80x128xf32, #tpu.memory_space<vmem>>)
      tpu.yield
    }) : () -> ()
    %mul3A_302 = arith.constant 640 : i32
    %mul3A_303 = arith.muli %arg1, %mul3A_302 : i32
    %add3A_304 = arith.constant 480 : i32
    %add3A_305 = arith.addi %mul3A_303, %add3A_304 : i32
    %dma_start3A_306 = arith.constant 0 : i32
    %dma_start3A_307 = tpu.memref_slice %arg6[%arg0, %add3A_305, %dma_start3A_306] : memref<2x10240x128xf32, #tpu.memory_space<hbm>> -> memref<1x80x128xf32, #tpu.memory_space<hbm>>
    %dma_start3A_308 = tpu.memref_squeeze %dma_start3A_307 : memref<1x80x128xf32, #tpu.memory_space<hbm>> -> memref<80x128xf32, #tpu.memory_space<hbm>>
    %dma_start3A_309 = arith.constant 0 : i32
    %dma_start3A_310 = tpu.memref_slice %arg6[%arg0, %add3A_305, %dma_start3A_309] : memref<2x10240x128xf32, #tpu.memory_space<hbm>> -> memref<1x80x128xf32, #tpu.memory_space<hbm>>
    %dma_start3A_311 = tpu.memref_squeeze %dma_start3A_310 : memref<1x80x128xf32, #tpu.memory_space<hbm>> -> memref<80x128xf32, #tpu.memory_space<hbm>>
    tpu.enqueue_dma source(%arg11 : memref<80x128xf32, #tpu.memory_space<vmem>>) target(%dma_start3A_311 : memref<80x128xf32, #tpu.memory_space<hbm>>) target_semaphore(%arg14 : memref<!tpu.dma_semaphore, #tpu.memory_space<semaphore_mem>>)
    %mul3A_312 = arith.constant 640 : i32
    %mul3A_313 = arith.muli %arg1, %mul3A_312 : i32
    %add3A_314 = arith.constant 400 : i32
    %add3A_315 = arith.addi %mul3A_313, %add3A_314 : i32
    %dma_wait3A_316 = arith.constant 0 : i32
    %dma_wait3A_317 = tpu.memref_slice %arg6[%arg0, %add3A_315, %dma_wait3A_316] : memref<2x10240x128xf32, #tpu.memory_space<hbm>> -> memref<1x80x128xf32, #tpu.memory_space<hbm>>
    %dma_wait3A_318 = tpu.memref_squeeze %dma_wait3A_317 : memref<1x80x128xf32, #tpu.memory_space<hbm>> -> memref<80x128xf32, #tpu.memory_space<hbm>>
    %dma_wait3A_319 = arith.constant 0 : i32
    %dma_wait3A_320 = tpu.memref_slice %arg6[%arg0, %add3A_315, %dma_wait3A_319] : memref<2x10240x128xf32, #tpu.memory_space<hbm>> -> memref<1x80x128xf32, #tpu.memory_space<hbm>>
    %dma_wait3A_321 = tpu.memref_squeeze %dma_wait3A_320 : memref<1x80x128xf32, #tpu.memory_space<hbm>> -> memref<80x128xf32, #tpu.memory_space<hbm>>
    tpu.wait_dma2 semaphore(%arg15 : memref<!tpu.dma_semaphore, #tpu.memory_space<semaphore_mem>>) src(%arg12 : memref<80x128xf32, #tpu.memory_space<vmem>>) dst(%dma_wait3A_321 : memref<80x128xf32, #tpu.memory_space<hbm>>)
    %mul3A_322 = arith.constant 640 : i32
    %mul3A_323 = arith.muli %arg1, %mul3A_322 : i32
    %add3A_324 = arith.constant 560 : i32
    %add3A_325 = arith.addi %mul3A_323, %add3A_324 : i32
    "tpu.region"() ({
      %run_scoped3A = tpu.sem_alloc : memref<!tpu.dma_semaphore, #tpu.memory_space<semaphore_mem>>
      %dma_start3A_356 = arith.constant 0 : i32
      %dma_start3A_357 = tpu.memref_slice %arg13[%add3A_325, %dma_start3A_356] : memref<10240x128xf32, #tpu.memory_space<vmem_shared>> -> memref<80x128xf32, #tpu.memory_space<vmem_shared>>
      %dma_start3A_358 = arith.constant 0 : i32
      %dma_start3A_359 = tpu.memref_slice %arg13[%add3A_325, %dma_start3A_358] : memref<10240x128xf32, #tpu.memory_space<vmem_shared>> -> memref<80x128xf32, #tpu.memory_space<vmem_shared>>
      tpu.enqueue_dma source(%dma_start3A_359 : memref<80x128xf32, #tpu.memory_space<vmem_shared>>) target(%arg12 : memref<80x128xf32, #tpu.memory_space<vmem>>) target_semaphore(%run_scoped3A : memref<!tpu.dma_semaphore, #tpu.memory_space<semaphore_mem>>)
      %dma_wait3A_360 = arith.constant 0 : i32
      %dma_wait3A_361 = tpu.memref_slice %arg13[%add3A_325, %dma_wait3A_360] : memref<10240x128xf32, #tpu.memory_space<vmem_shared>> -> memref<80x128xf32, #tpu.memory_space<vmem_shared>>
      %dma_wait3A_362 = arith.constant 0 : i32
      %dma_wait3A_363 = tpu.memref_slice %arg13[%add3A_325, %dma_wait3A_362] : memref<10240x128xf32, #tpu.memory_space<vmem_shared>> -> memref<80x128xf32, #tpu.memory_space<vmem_shared>>
      tpu.wait_dma2 semaphore(%run_scoped3A : memref<!tpu.dma_semaphore, #tpu.memory_space<semaphore_mem>>) src(%dma_wait3A_363 : memref<80x128xf32, #tpu.memory_space<vmem_shared>>) dst(%arg12 : memref<80x128xf32, #tpu.memory_space<vmem>>)
      tpu.yield
    }) : () -> ()
    %mul3A_326 = arith.constant 640 : i32
    %mul3A_327 = arith.muli %arg1, %mul3A_326 : i32
    %add3A_328 = arith.constant 560 : i32
    %add3A_329 = arith.addi %mul3A_327, %add3A_328 : i32
    %dma_start3A_330 = arith.constant 0 : i32
    %dma_start3A_331 = tpu.memref_slice %arg6[%arg0, %add3A_329, %dma_start3A_330] : memref<2x10240x128xf32, #tpu.memory_space<hbm>> -> memref<1x80x128xf32, #tpu.memory_space<hbm>>
    %dma_start3A_332 = tpu.memref_squeeze %dma_start3A_331 : memref<1x80x128xf32, #tpu.memory_space<hbm>> -> memref<80x128xf32, #tpu.memory_space<hbm>>
    %dma_start3A_333 = arith.constant 0 : i32
    %dma_start3A_334 = tpu.memref_slice %arg6[%arg0, %add3A_329, %dma_start3A_333] : memref<2x10240x128xf32, #tpu.memory_space<hbm>> -> memref<1x80x128xf32, #tpu.memory_space<hbm>>
    %dma_start3A_335 = tpu.memref_squeeze %dma_start3A_334 : memref<1x80x128xf32, #tpu.memory_space<hbm>> -> memref<80x128xf32, #tpu.memory_space<hbm>>
    tpu.enqueue_dma source(%arg12 : memref<80x128xf32, #tpu.memory_space<vmem>>) target(%dma_start3A_335 : memref<80x128xf32, #tpu.memory_space<hbm>>) target_semaphore(%arg15 : memref<!tpu.dma_semaphore, #tpu.memory_space<semaphore_mem>>)
    %mul3A_336 = arith.constant 640 : i32
    %mul3A_337 = arith.muli %arg1, %mul3A_336 : i32
    %add3A_338 = arith.constant 480 : i32
    %add3A_339 = arith.addi %mul3A_337, %add3A_338 : i32
    %dma_wait3A_340 = arith.constant 0 : i32
    %dma_wait3A_341 = tpu.memref_slice %arg6[%arg0, %add3A_339, %dma_wait3A_340] : memref<2x10240x128xf32, #tpu.memory_space<hbm>> -> memref<1x80x128xf32, #tpu.memory_space<hbm>>
    %dma_wait3A_342 = tpu.memref_squeeze %dma_wait3A_341 : memref<1x80x128xf32, #tpu.memory_space<hbm>> -> memref<80x128xf32, #tpu.memory_space<hbm>>
    %dma_wait3A_343 = arith.constant 0 : i32
    %dma_wait3A_344 = tpu.memref_slice %arg6[%arg0, %add3A_339, %dma_wait3A_343] : memref<2x10240x128xf32, #tpu.memory_space<hbm>> -> memref<1x80x128xf32, #tpu.memory_space<hbm>>
    %dma_wait3A_345 = tpu.memref_squeeze %dma_wait3A_344 : memref<1x80x128xf32, #tpu.memory_space<hbm>> -> memref<80x128xf32, #tpu.memory_space<hbm>>
    tpu.wait_dma2 semaphore(%arg14 : memref<!tpu.dma_semaphore, #tpu.memory_space<semaphore_mem>>) src(%arg11 : memref<80x128xf32, #tpu.memory_space<vmem>>) dst(%dma_wait3A_345 : memref<80x128xf32, #tpu.memory_space<hbm>>)
    %mul3A_346 = arith.constant 640 : i32
    %mul3A_347 = arith.muli %arg1, %mul3A_346 : i32
    %add3A_348 = arith.constant 560 : i32
    %add3A_349 = arith.addi %mul3A_347, %add3A_348 : i32
    %dma_wait3A_350 = arith.constant 0 : i32
    %dma_wait3A_351 = tpu.memref_slice %arg6[%arg0, %add3A_349, %dma_wait3A_350] : memref<2x10240x128xf32, #tpu.memory_space<hbm>> -> memref<1x80x128xf32, #tpu.memory_space<hbm>>
    %dma_wait3A_352 = tpu.memref_squeeze %dma_wait3A_351 : memref<1x80x128xf32, #tpu.memory_space<hbm>> -> memref<80x128xf32, #tpu.memory_space<hbm>>
    %dma_wait3A_353 = arith.constant 0 : i32
    %dma_wait3A_354 = tpu.memref_slice %arg6[%arg0, %add3A_349, %dma_wait3A_353] : memref<2x10240x128xf32, #tpu.memory_space<hbm>> -> memref<1x80x128xf32, #tpu.memory_space<hbm>>
    %dma_wait3A_355 = tpu.memref_squeeze %dma_wait3A_354 : memref<1x80x128xf32, #tpu.memory_space<hbm>> -> memref<80x128xf32, #tpu.memory_space<hbm>>
    tpu.wait_dma2 semaphore(%arg15 : memref<!tpu.dma_semaphore, #tpu.memory_space<semaphore_mem>>) src(%arg12 : memref<80x128xf32, #tpu.memory_space<vmem>>) dst(%dma_wait3A_355 : memref<80x128xf32, #tpu.memory_space<hbm>>)
    return
  }
}

#map = affine_map<(d0, d1) -> (0, 0)>
#map1 = affine_map<(d0, d1) -> (0)>
#map2 = affine_map<(d0, d1) -> (0, 0, 0)>
module attributes {stable_mosaic.version = 14 : i64} {
  func.func @_seg_body(%arg0: i32, %arg1: i32, %arg2: memref<10000x128xf32, #tpu.memory_space<hbm>>, %arg3: memref<320000xi32, #tpu.memory_space<hbm>>, %arg4: memref<320000xi32, #tpu.memory_space<hbm>>, %arg5: memref<80x128xf32, #tpu.memory_space<hbm>>, %arg6: memref<640xf32, #tpu.memory_space<hbm>>, %arg7: memref<80xf32, #tpu.memory_space<hbm>>, %arg8: memref<2x10240x128xf32, #tpu.memory_space<hbm>>, %arg9: memref<20480xf32, #tpu.memory_space<hbm>>, %arg10: memref<80xi32, #tpu.memory_space<vmem>>, %arg11: memref<80xi32, #tpu.memory_space<vmem>>, %arg12: memref<80xi32, #tpu.memory_space<vmem>>, %arg13: memref<80xi32, #tpu.memory_space<vmem>>, %arg14: memref<80x128xf32, #tpu.memory_space<vmem>>, %arg15: memref<80x128xf32, #tpu.memory_space<vmem>>, %arg16: memref<80xf32, #tpu.memory_space<vmem>>, %arg17: memref<640xf32, #tpu.memory_space<vmem>>, %arg18: memref<10240x128xf32, #tpu.memory_space<vmem_shared>>, %arg19: memref<10240xf32, #tpu.memory_space<vmem_shared>>, %arg20: memref<!tpu.dma_semaphore, #tpu.memory_space<semaphore_mem>>, %arg21: memref<!tpu.dma_semaphore, #tpu.memory_space<semaphore_mem>>, %arg22: memref<!tpu.dma_semaphore, #tpu.memory_space<semaphore_mem>>, %arg23: memref<!tpu.dma_semaphore, #tpu.memory_space<semaphore_mem>>, %arg24: memref<!tpu.dma_semaphore, #tpu.memory_space<semaphore_mem>>, %arg25: memref<!tpu.dma_semaphore, #tpu.memory_space<semaphore_mem>>, %arg26: memref<!tpu.dma_semaphore, #tpu.memory_space<semaphore_mem>>) attributes {dimension_semantics = [#tpu.dimension_semantics<core_parallel>, #tpu.dimension_semantics<subcore_parallel>], iteration_bounds = array<i64: 2, 16>, scalar_prefetch = 0 : i64, scratch_operands = 17 : i64, tpu.core_type = #tpu.core_type<sc_vector_subcore>, window_params = [{transform_indices = #map}, {transform_indices = #map1}, {transform_indices = #map1}, {transform_indices = #map}, {transform_indices = #map1}, {transform_indices = #map1}, {transform_indices = #map2}, {transform_indices = #map1}]} {
    "tpu.region"() ({
      %run_scoped3A = tpu.sem_alloc : memref<!tpu.dma_semaphore, #tpu.memory_space<semaphore_mem>>
      tpu.enqueue_dma source(%arg5 : memref<80x128xf32, #tpu.memory_space<hbm>>) target(%arg14 : memref<80x128xf32, #tpu.memory_space<vmem>>) target_semaphore(%run_scoped3A : memref<!tpu.dma_semaphore, #tpu.memory_space<semaphore_mem>>)
      tpu.wait_dma2 semaphore(%run_scoped3A : memref<!tpu.dma_semaphore, #tpu.memory_space<semaphore_mem>>) src(%arg5 : memref<80x128xf32, #tpu.memory_space<hbm>>) dst(%arg14 : memref<80x128xf32, #tpu.memory_space<vmem>>)
      tpu.yield
    }) : () -> ()
    "tpu.region"() ({
      %run_scoped3A = tpu.sem_alloc : memref<!tpu.dma_semaphore, #tpu.memory_space<semaphore_mem>>
      tpu.enqueue_dma source(%arg7 : memref<80xf32, #tpu.memory_space<hbm>>) target(%arg16 : memref<80xf32, #tpu.memory_space<vmem>>) target_semaphore(%run_scoped3A : memref<!tpu.dma_semaphore, #tpu.memory_space<semaphore_mem>>)
      tpu.wait_dma2 semaphore(%run_scoped3A : memref<!tpu.dma_semaphore, #tpu.memory_space<semaphore_mem>>) src(%arg7 : memref<80xf32, #tpu.memory_space<hbm>>) dst(%arg16 : memref<80xf32, #tpu.memory_space<vmem>>)
      tpu.yield
    }) : () -> ()
    "tpu.region"() ({
      %run_scoped3A = tpu.sem_alloc : memref<!tpu.dma_semaphore, #tpu.memory_space<semaphore_mem>>
      tpu.enqueue_dma source(%arg6 : memref<640xf32, #tpu.memory_space<hbm>>) target(%arg17 : memref<640xf32, #tpu.memory_space<vmem>>) target_semaphore(%run_scoped3A : memref<!tpu.dma_semaphore, #tpu.memory_space<semaphore_mem>>)
      tpu.wait_dma2 semaphore(%run_scoped3A : memref<!tpu.dma_semaphore, #tpu.memory_space<semaphore_mem>>) src(%arg6 : memref<640xf32, #tpu.memory_space<hbm>>) dst(%arg17 : memref<640xf32, #tpu.memory_space<vmem>>)
      tpu.yield
    }) : () -> ()
    %mul3A = arith.constant 640 : i32
    %mul3A_0 = arith.muli %arg1, %mul3A : i32
    "tpu.region"() ({
      %run_scoped3A = tpu.sem_alloc : memref<!tpu.dma_semaphore, #tpu.memory_space<semaphore_mem>>
      %dma_start3A_369 = tpu.memref_slice %arg19[%mul3A_0] : memref<10240xf32, #tpu.memory_space<vmem_shared>> -> memref<640xf32, #tpu.memory_space<vmem_shared>>
      %dma_start3A_370 = tpu.memref_slice %arg19[%mul3A_0] : memref<10240xf32, #tpu.memory_space<vmem_shared>> -> memref<640xf32, #tpu.memory_space<vmem_shared>>
      tpu.enqueue_dma source(%arg17 : memref<640xf32, #tpu.memory_space<vmem>>) target(%dma_start3A_370 : memref<640xf32, #tpu.memory_space<vmem_shared>>) target_semaphore(%run_scoped3A : memref<!tpu.dma_semaphore, #tpu.memory_space<semaphore_mem>>)
      %dma_wait3A_371 = tpu.memref_slice %arg19[%mul3A_0] : memref<10240xf32, #tpu.memory_space<vmem_shared>> -> memref<640xf32, #tpu.memory_space<vmem_shared>>
      %dma_wait3A_372 = tpu.memref_slice %arg19[%mul3A_0] : memref<10240xf32, #tpu.memory_space<vmem_shared>> -> memref<640xf32, #tpu.memory_space<vmem_shared>>
      tpu.wait_dma2 semaphore(%run_scoped3A : memref<!tpu.dma_semaphore, #tpu.memory_space<semaphore_mem>>) src(%arg17 : memref<640xf32, #tpu.memory_space<vmem>>) dst(%dma_wait3A_372 : memref<640xf32, #tpu.memory_space<vmem_shared>>)
      tpu.yield
    }) : () -> ()
    %mul3A_1 = arith.constant 640 : i32
    %mul3A_2 = arith.muli %arg1, %mul3A_1 : i32
    %add3A = arith.constant 0 : i32
    %add3A_3 = arith.addi %mul3A_2, %add3A : i32
    %dma_start3A = arith.constant 0 : i32
    %dma_start3A_4 = tpu.memref_slice %arg18[%add3A_3, %dma_start3A] : memref<10240x128xf32, #tpu.memory_space<vmem_shared>> -> memref<80x128xf32, #tpu.memory_space<vmem_shared>>
    %dma_start3A_5 = arith.constant 0 : i32
    %dma_start3A_6 = tpu.memref_slice %arg18[%add3A_3, %dma_start3A_5] : memref<10240x128xf32, #tpu.memory_space<vmem_shared>> -> memref<80x128xf32, #tpu.memory_space<vmem_shared>>
    tpu.enqueue_dma source(%arg14 : memref<80x128xf32, #tpu.memory_space<vmem>>) target(%dma_start3A_6 : memref<80x128xf32, #tpu.memory_space<vmem_shared>>) target_semaphore(%arg20 : memref<!tpu.dma_semaphore, #tpu.memory_space<semaphore_mem>>)
    %mul3A_7 = arith.constant 640 : i32
    %mul3A_8 = arith.muli %arg1, %mul3A_7 : i32
    %add3A_9 = arith.constant 80 : i32
    %add3A_10 = arith.addi %mul3A_8, %add3A_9 : i32
    %dma_start3A_11 = arith.constant 0 : i32
    %dma_start3A_12 = tpu.memref_slice %arg18[%add3A_10, %dma_start3A_11] : memref<10240x128xf32, #tpu.memory_space<vmem_shared>> -> memref<80x128xf32, #tpu.memory_space<vmem_shared>>
    %dma_start3A_13 = arith.constant 0 : i32
    %dma_start3A_14 = tpu.memref_slice %arg18[%add3A_10, %dma_start3A_13] : memref<10240x128xf32, #tpu.memory_space<vmem_shared>> -> memref<80x128xf32, #tpu.memory_space<vmem_shared>>
    tpu.enqueue_dma source(%arg14 : memref<80x128xf32, #tpu.memory_space<vmem>>) target(%dma_start3A_14 : memref<80x128xf32, #tpu.memory_space<vmem_shared>>) target_semaphore(%arg20 : memref<!tpu.dma_semaphore, #tpu.memory_space<semaphore_mem>>)
    %mul3A_15 = arith.constant 640 : i32
    %mul3A_16 = arith.muli %arg1, %mul3A_15 : i32
    %add3A_17 = arith.constant 160 : i32
    %add3A_18 = arith.addi %mul3A_16, %add3A_17 : i32
    %dma_start3A_19 = arith.constant 0 : i32
    %dma_start3A_20 = tpu.memref_slice %arg18[%add3A_18, %dma_start3A_19] : memref<10240x128xf32, #tpu.memory_space<vmem_shared>> -> memref<80x128xf32, #tpu.memory_space<vmem_shared>>
    %dma_start3A_21 = arith.constant 0 : i32
    %dma_start3A_22 = tpu.memref_slice %arg18[%add3A_18, %dma_start3A_21] : memref<10240x128xf32, #tpu.memory_space<vmem_shared>> -> memref<80x128xf32, #tpu.memory_space<vmem_shared>>
    tpu.enqueue_dma source(%arg14 : memref<80x128xf32, #tpu.memory_space<vmem>>) target(%dma_start3A_22 : memref<80x128xf32, #tpu.memory_space<vmem_shared>>) target_semaphore(%arg20 : memref<!tpu.dma_semaphore, #tpu.memory_space<semaphore_mem>>)
    %mul3A_23 = arith.constant 640 : i32
    %mul3A_24 = arith.muli %arg1, %mul3A_23 : i32
    %add3A_25 = arith.constant 240 : i32
    %add3A_26 = arith.addi %mul3A_24, %add3A_25 : i32
    %dma_start3A_27 = arith.constant 0 : i32
    %dma_start3A_28 = tpu.memref_slice %arg18[%add3A_26, %dma_start3A_27] : memref<10240x128xf32, #tpu.memory_space<vmem_shared>> -> memref<80x128xf32, #tpu.memory_space<vmem_shared>>
    %dma_start3A_29 = arith.constant 0 : i32
    %dma_start3A_30 = tpu.memref_slice %arg18[%add3A_26, %dma_start3A_29] : memref<10240x128xf32, #tpu.memory_space<vmem_shared>> -> memref<80x128xf32, #tpu.memory_space<vmem_shared>>
    tpu.enqueue_dma source(%arg14 : memref<80x128xf32, #tpu.memory_space<vmem>>) target(%dma_start3A_30 : memref<80x128xf32, #tpu.memory_space<vmem_shared>>) target_semaphore(%arg20 : memref<!tpu.dma_semaphore, #tpu.memory_space<semaphore_mem>>)
    %mul3A_31 = arith.constant 640 : i32
    %mul3A_32 = arith.muli %arg1, %mul3A_31 : i32
    %add3A_33 = arith.constant 320 : i32
    %add3A_34 = arith.addi %mul3A_32, %add3A_33 : i32
    %dma_start3A_35 = arith.constant 0 : i32
    %dma_start3A_36 = tpu.memref_slice %arg18[%add3A_34, %dma_start3A_35] : memref<10240x128xf32, #tpu.memory_space<vmem_shared>> -> memref<80x128xf32, #tpu.memory_space<vmem_shared>>
    %dma_start3A_37 = arith.constant 0 : i32
    %dma_start3A_38 = tpu.memref_slice %arg18[%add3A_34, %dma_start3A_37] : memref<10240x128xf32, #tpu.memory_space<vmem_shared>> -> memref<80x128xf32, #tpu.memory_space<vmem_shared>>
    tpu.enqueue_dma source(%arg14 : memref<80x128xf32, #tpu.memory_space<vmem>>) target(%dma_start3A_38 : memref<80x128xf32, #tpu.memory_space<vmem_shared>>) target_semaphore(%arg20 : memref<!tpu.dma_semaphore, #tpu.memory_space<semaphore_mem>>)
    %mul3A_39 = arith.constant 640 : i32
    %mul3A_40 = arith.muli %arg1, %mul3A_39 : i32
    %add3A_41 = arith.constant 400 : i32
    %add3A_42 = arith.addi %mul3A_40, %add3A_41 : i32
    %dma_start3A_43 = arith.constant 0 : i32
    %dma_start3A_44 = tpu.memref_slice %arg18[%add3A_42, %dma_start3A_43] : memref<10240x128xf32, #tpu.memory_space<vmem_shared>> -> memref<80x128xf32, #tpu.memory_space<vmem_shared>>
    %dma_start3A_45 = arith.constant 0 : i32
    %dma_start3A_46 = tpu.memref_slice %arg18[%add3A_42, %dma_start3A_45] : memref<10240x128xf32, #tpu.memory_space<vmem_shared>> -> memref<80x128xf32, #tpu.memory_space<vmem_shared>>
    tpu.enqueue_dma source(%arg14 : memref<80x128xf32, #tpu.memory_space<vmem>>) target(%dma_start3A_46 : memref<80x128xf32, #tpu.memory_space<vmem_shared>>) target_semaphore(%arg20 : memref<!tpu.dma_semaphore, #tpu.memory_space<semaphore_mem>>)
    %mul3A_47 = arith.constant 640 : i32
    %mul3A_48 = arith.muli %arg1, %mul3A_47 : i32
    %add3A_49 = arith.constant 480 : i32
    %add3A_50 = arith.addi %mul3A_48, %add3A_49 : i32
    %dma_start3A_51 = arith.constant 0 : i32
    %dma_start3A_52 = tpu.memref_slice %arg18[%add3A_50, %dma_start3A_51] : memref<10240x128xf32, #tpu.memory_space<vmem_shared>> -> memref<80x128xf32, #tpu.memory_space<vmem_shared>>
    %dma_start3A_53 = arith.constant 0 : i32
    %dma_start3A_54 = tpu.memref_slice %arg18[%add3A_50, %dma_start3A_53] : memref<10240x128xf32, #tpu.memory_space<vmem_shared>> -> memref<80x128xf32, #tpu.memory_space<vmem_shared>>
    tpu.enqueue_dma source(%arg14 : memref<80x128xf32, #tpu.memory_space<vmem>>) target(%dma_start3A_54 : memref<80x128xf32, #tpu.memory_space<vmem_shared>>) target_semaphore(%arg20 : memref<!tpu.dma_semaphore, #tpu.memory_space<semaphore_mem>>)
    %mul3A_55 = arith.constant 640 : i32
    %mul3A_56 = arith.muli %arg1, %mul3A_55 : i32
    %add3A_57 = arith.constant 560 : i32
    %add3A_58 = arith.addi %mul3A_56, %add3A_57 : i32
    %dma_start3A_59 = arith.constant 0 : i32
    %dma_start3A_60 = tpu.memref_slice %arg18[%add3A_58, %dma_start3A_59] : memref<10240x128xf32, #tpu.memory_space<vmem_shared>> -> memref<80x128xf32, #tpu.memory_space<vmem_shared>>
    %dma_start3A_61 = arith.constant 0 : i32
    %dma_start3A_62 = tpu.memref_slice %arg18[%add3A_58, %dma_start3A_61] : memref<10240x128xf32, #tpu.memory_space<vmem_shared>> -> memref<80x128xf32, #tpu.memory_space<vmem_shared>>
    tpu.enqueue_dma source(%arg14 : memref<80x128xf32, #tpu.memory_space<vmem>>) target(%dma_start3A_62 : memref<80x128xf32, #tpu.memory_space<vmem_shared>>) target_semaphore(%arg20 : memref<!tpu.dma_semaphore, #tpu.memory_space<semaphore_mem>>)
    %mul3A_63 = arith.constant 640 : i32
    %mul3A_64 = arith.muli %arg1, %mul3A_63 : i32
    %add3A_65 = arith.constant 0 : i32
    %add3A_66 = arith.addi %mul3A_64, %add3A_65 : i32
    %dma_wait3A = arith.constant 0 : i32
    %dma_wait3A_67 = tpu.memref_slice %arg18[%add3A_66, %dma_wait3A] : memref<10240x128xf32, #tpu.memory_space<vmem_shared>> -> memref<80x128xf32, #tpu.memory_space<vmem_shared>>
    %dma_wait3A_68 = arith.constant 0 : i32
    %dma_wait3A_69 = tpu.memref_slice %arg18[%add3A_66, %dma_wait3A_68] : memref<10240x128xf32, #tpu.memory_space<vmem_shared>> -> memref<80x128xf32, #tpu.memory_space<vmem_shared>>
    tpu.wait_dma2 semaphore(%arg20 : memref<!tpu.dma_semaphore, #tpu.memory_space<semaphore_mem>>) src(%arg14 : memref<80x128xf32, #tpu.memory_space<vmem>>) dst(%dma_wait3A_69 : memref<80x128xf32, #tpu.memory_space<vmem_shared>>)
    %mul3A_70 = arith.constant 640 : i32
    %mul3A_71 = arith.muli %arg1, %mul3A_70 : i32
    %add3A_72 = arith.constant 80 : i32
    %add3A_73 = arith.addi %mul3A_71, %add3A_72 : i32
    %dma_wait3A_74 = arith.constant 0 : i32
    %dma_wait3A_75 = tpu.memref_slice %arg18[%add3A_73, %dma_wait3A_74] : memref<10240x128xf32, #tpu.memory_space<vmem_shared>> -> memref<80x128xf32, #tpu.memory_space<vmem_shared>>
    %dma_wait3A_76 = arith.constant 0 : i32
    %dma_wait3A_77 = tpu.memref_slice %arg18[%add3A_73, %dma_wait3A_76] : memref<10240x128xf32, #tpu.memory_space<vmem_shared>> -> memref<80x128xf32, #tpu.memory_space<vmem_shared>>
    tpu.wait_dma2 semaphore(%arg20 : memref<!tpu.dma_semaphore, #tpu.memory_space<semaphore_mem>>) src(%arg14 : memref<80x128xf32, #tpu.memory_space<vmem>>) dst(%dma_wait3A_77 : memref<80x128xf32, #tpu.memory_space<vmem_shared>>)
    %mul3A_78 = arith.constant 640 : i32
    %mul3A_79 = arith.muli %arg1, %mul3A_78 : i32
    %add3A_80 = arith.constant 160 : i32
    %add3A_81 = arith.addi %mul3A_79, %add3A_80 : i32
    %dma_wait3A_82 = arith.constant 0 : i32
    %dma_wait3A_83 = tpu.memref_slice %arg18[%add3A_81, %dma_wait3A_82] : memref<10240x128xf32, #tpu.memory_space<vmem_shared>> -> memref<80x128xf32, #tpu.memory_space<vmem_shared>>
    %dma_wait3A_84 = arith.constant 0 : i32
    %dma_wait3A_85 = tpu.memref_slice %arg18[%add3A_81, %dma_wait3A_84] : memref<10240x128xf32, #tpu.memory_space<vmem_shared>> -> memref<80x128xf32, #tpu.memory_space<vmem_shared>>
    tpu.wait_dma2 semaphore(%arg20 : memref<!tpu.dma_semaphore, #tpu.memory_space<semaphore_mem>>) src(%arg14 : memref<80x128xf32, #tpu.memory_space<vmem>>) dst(%dma_wait3A_85 : memref<80x128xf32, #tpu.memory_space<vmem_shared>>)
    %mul3A_86 = arith.constant 640 : i32
    %mul3A_87 = arith.muli %arg1, %mul3A_86 : i32
    %add3A_88 = arith.constant 240 : i32
    %add3A_89 = arith.addi %mul3A_87, %add3A_88 : i32
    %dma_wait3A_90 = arith.constant 0 : i32
    %dma_wait3A_91 = tpu.memref_slice %arg18[%add3A_89, %dma_wait3A_90] : memref<10240x128xf32, #tpu.memory_space<vmem_shared>> -> memref<80x128xf32, #tpu.memory_space<vmem_shared>>
    %dma_wait3A_92 = arith.constant 0 : i32
    %dma_wait3A_93 = tpu.memref_slice %arg18[%add3A_89, %dma_wait3A_92] : memref<10240x128xf32, #tpu.memory_space<vmem_shared>> -> memref<80x128xf32, #tpu.memory_space<vmem_shared>>
    tpu.wait_dma2 semaphore(%arg20 : memref<!tpu.dma_semaphore, #tpu.memory_space<semaphore_mem>>) src(%arg14 : memref<80x128xf32, #tpu.memory_space<vmem>>) dst(%dma_wait3A_93 : memref<80x128xf32, #tpu.memory_space<vmem_shared>>)
    %mul3A_94 = arith.constant 640 : i32
    %mul3A_95 = arith.muli %arg1, %mul3A_94 : i32
    %add3A_96 = arith.constant 320 : i32
    %add3A_97 = arith.addi %mul3A_95, %add3A_96 : i32
    %dma_wait3A_98 = arith.constant 0 : i32
    %dma_wait3A_99 = tpu.memref_slice %arg18[%add3A_97, %dma_wait3A_98] : memref<10240x128xf32, #tpu.memory_space<vmem_shared>> -> memref<80x128xf32, #tpu.memory_space<vmem_shared>>
    %dma_wait3A_100 = arith.constant 0 : i32
    %dma_wait3A_101 = tpu.memref_slice %arg18[%add3A_97, %dma_wait3A_100] : memref<10240x128xf32, #tpu.memory_space<vmem_shared>> -> memref<80x128xf32, #tpu.memory_space<vmem_shared>>
    tpu.wait_dma2 semaphore(%arg20 : memref<!tpu.dma_semaphore, #tpu.memory_space<semaphore_mem>>) src(%arg14 : memref<80x128xf32, #tpu.memory_space<vmem>>) dst(%dma_wait3A_101 : memref<80x128xf32, #tpu.memory_space<vmem_shared>>)
    %mul3A_102 = arith.constant 640 : i32
    %mul3A_103 = arith.muli %arg1, %mul3A_102 : i32
    %add3A_104 = arith.constant 400 : i32
    %add3A_105 = arith.addi %mul3A_103, %add3A_104 : i32
    %dma_wait3A_106 = arith.constant 0 : i32
    %dma_wait3A_107 = tpu.memref_slice %arg18[%add3A_105, %dma_wait3A_106] : memref<10240x128xf32, #tpu.memory_space<vmem_shared>> -> memref<80x128xf32, #tpu.memory_space<vmem_shared>>
    %dma_wait3A_108 = arith.constant 0 : i32
    %dma_wait3A_109 = tpu.memref_slice %arg18[%add3A_105, %dma_wait3A_108] : memref<10240x128xf32, #tpu.memory_space<vmem_shared>> -> memref<80x128xf32, #tpu.memory_space<vmem_shared>>
    tpu.wait_dma2 semaphore(%arg20 : memref<!tpu.dma_semaphore, #tpu.memory_space<semaphore_mem>>) src(%arg14 : memref<80x128xf32, #tpu.memory_space<vmem>>) dst(%dma_wait3A_109 : memref<80x128xf32, #tpu.memory_space<vmem_shared>>)
    %mul3A_110 = arith.constant 640 : i32
    %mul3A_111 = arith.muli %arg1, %mul3A_110 : i32
    %add3A_112 = arith.constant 480 : i32
    %add3A_113 = arith.addi %mul3A_111, %add3A_112 : i32
    %dma_wait3A_114 = arith.constant 0 : i32
    %dma_wait3A_115 = tpu.memref_slice %arg18[%add3A_113, %dma_wait3A_114] : memref<10240x128xf32, #tpu.memory_space<vmem_shared>> -> memref<80x128xf32, #tpu.memory_space<vmem_shared>>
    %dma_wait3A_116 = arith.constant 0 : i32
    %dma_wait3A_117 = tpu.memref_slice %arg18[%add3A_113, %dma_wait3A_116] : memref<10240x128xf32, #tpu.memory_space<vmem_shared>> -> memref<80x128xf32, #tpu.memory_space<vmem_shared>>
    tpu.wait_dma2 semaphore(%arg20 : memref<!tpu.dma_semaphore, #tpu.memory_space<semaphore_mem>>) src(%arg14 : memref<80x128xf32, #tpu.memory_space<vmem>>) dst(%dma_wait3A_117 : memref<80x128xf32, #tpu.memory_space<vmem_shared>>)
    %mul3A_118 = arith.constant 640 : i32
    %mul3A_119 = arith.muli %arg1, %mul3A_118 : i32
    %add3A_120 = arith.constant 560 : i32
    %add3A_121 = arith.addi %mul3A_119, %add3A_120 : i32
    %dma_wait3A_122 = arith.constant 0 : i32
    %dma_wait3A_123 = tpu.memref_slice %arg18[%add3A_121, %dma_wait3A_122] : memref<10240x128xf32, #tpu.memory_space<vmem_shared>> -> memref<80x128xf32, #tpu.memory_space<vmem_shared>>
    %dma_wait3A_124 = arith.constant 0 : i32
    %dma_wait3A_125 = tpu.memref_slice %arg18[%add3A_121, %dma_wait3A_124] : memref<10240x128xf32, #tpu.memory_space<vmem_shared>> -> memref<80x128xf32, #tpu.memory_space<vmem_shared>>
    tpu.wait_dma2 semaphore(%arg20 : memref<!tpu.dma_semaphore, #tpu.memory_space<semaphore_mem>>) src(%arg14 : memref<80x128xf32, #tpu.memory_space<vmem>>) dst(%dma_wait3A_125 : memref<80x128xf32, #tpu.memory_space<vmem_shared>>)
    %barrier3A = arith.constant 0 : index
    tpu.barrier barrier_id(%barrier3A)
    %mul3A_126 = arith.constant 16 : i32
    %mul3A_127 = arith.muli %arg0, %mul3A_126 : i32
    %add3A_128 = arith.addi %mul3A_127, %arg1 : i32
    %mul3A_129 = arith.constant 10000 : i32
    %mul3A_130 = arith.muli %add3A_128, %mul3A_129 : i32
    "tpu.region"() ({
      %run_scoped3A = tpu.sem_alloc : memref<!tpu.dma_semaphore, #tpu.memory_space<semaphore_mem>>
      %dma_start3A_369 = tpu.memref_slice %arg3[%mul3A_130] : memref<320000xi32, #tpu.memory_space<hbm>> -> memref<80xi32, #tpu.memory_space<hbm>>
      %dma_start3A_370 = tpu.memref_slice %arg3[%mul3A_130] : memref<320000xi32, #tpu.memory_space<hbm>> -> memref<80xi32, #tpu.memory_space<hbm>>
      tpu.enqueue_dma source(%dma_start3A_370 : memref<80xi32, #tpu.memory_space<hbm>>) target(%arg10 : memref<80xi32, #tpu.memory_space<vmem>>) target_semaphore(%run_scoped3A : memref<!tpu.dma_semaphore, #tpu.memory_space<semaphore_mem>>)
      %dma_wait3A_371 = tpu.memref_slice %arg3[%mul3A_130] : memref<320000xi32, #tpu.memory_space<hbm>> -> memref<80xi32, #tpu.memory_space<hbm>>
      %dma_wait3A_372 = tpu.memref_slice %arg3[%mul3A_130] : memref<320000xi32, #tpu.memory_space<hbm>> -> memref<80xi32, #tpu.memory_space<hbm>>
      tpu.wait_dma2 semaphore(%run_scoped3A : memref<!tpu.dma_semaphore, #tpu.memory_space<semaphore_mem>>) src(%dma_wait3A_372 : memref<80xi32, #tpu.memory_space<hbm>>) dst(%arg10 : memref<80xi32, #tpu.memory_space<vmem>>)
      tpu.yield
    }) : () -> ()
    "tpu.region"() ({
      %run_scoped3A = tpu.sem_alloc : memref<!tpu.dma_semaphore, #tpu.memory_space<semaphore_mem>>
      %dma_start3A_369 = tpu.memref_slice %arg4[%mul3A_130] : memref<320000xi32, #tpu.memory_space<hbm>> -> memref<80xi32, #tpu.memory_space<hbm>>
      %dma_start3A_370 = tpu.memref_slice %arg4[%mul3A_130] : memref<320000xi32, #tpu.memory_space<hbm>> -> memref<80xi32, #tpu.memory_space<hbm>>
      tpu.enqueue_dma source(%dma_start3A_370 : memref<80xi32, #tpu.memory_space<hbm>>) target(%arg12 : memref<80xi32, #tpu.memory_space<vmem>>) target_semaphore(%run_scoped3A : memref<!tpu.dma_semaphore, #tpu.memory_space<semaphore_mem>>)
      %dma_wait3A_371 = tpu.memref_slice %arg4[%mul3A_130] : memref<320000xi32, #tpu.memory_space<hbm>> -> memref<80xi32, #tpu.memory_space<hbm>>
      %dma_wait3A_372 = tpu.memref_slice %arg4[%mul3A_130] : memref<320000xi32, #tpu.memory_space<hbm>> -> memref<80xi32, #tpu.memory_space<hbm>>
      tpu.wait_dma2 semaphore(%run_scoped3A : memref<!tpu.dma_semaphore, #tpu.memory_space<semaphore_mem>>) src(%dma_wait3A_372 : memref<80xi32, #tpu.memory_space<hbm>>) dst(%arg12 : memref<80xi32, #tpu.memory_space<vmem>>)
      tpu.yield
    }) : () -> ()
    %min3A = arith.constant 1 : i32
    %min3A_131 = arith.constant 124 : i32
    %min3A_132 = arith.minsi %min3A, %min3A_131 : i32
    %mul3A_133 = arith.constant 80 : i32
    %mul3A_134 = arith.muli %min3A_132, %mul3A_133 : i32
    %add3A_135 = arith.addi %mul3A_130, %mul3A_134 : i32
    %dma_start3A_136 = tpu.memref_slice %arg3[%add3A_135] : memref<320000xi32, #tpu.memory_space<hbm>> -> memref<80xi32, #tpu.memory_space<hbm>>
    %dma_start3A_137 = tpu.memref_slice %arg3[%add3A_135] : memref<320000xi32, #tpu.memory_space<hbm>> -> memref<80xi32, #tpu.memory_space<hbm>>
    tpu.enqueue_dma source(%dma_start3A_137 : memref<80xi32, #tpu.memory_space<hbm>>) target(%arg11 : memref<80xi32, #tpu.memory_space<vmem>>) target_semaphore(%arg23 : memref<!tpu.dma_semaphore, #tpu.memory_space<semaphore_mem>>)
    %min3A_138 = arith.constant 1 : i32
    %min3A_139 = arith.constant 124 : i32
    %min3A_140 = arith.minsi %min3A_138, %min3A_139 : i32
    %mul3A_141 = arith.constant 80 : i32
    %mul3A_142 = arith.muli %min3A_140, %mul3A_141 : i32
    %add3A_143 = arith.addi %mul3A_130, %mul3A_142 : i32
    %dma_start3A_144 = tpu.memref_slice %arg4[%add3A_143] : memref<320000xi32, #tpu.memory_space<hbm>> -> memref<80xi32, #tpu.memory_space<hbm>>
    %dma_start3A_145 = tpu.memref_slice %arg4[%add3A_143] : memref<320000xi32, #tpu.memory_space<hbm>> -> memref<80xi32, #tpu.memory_space<hbm>>
    tpu.enqueue_dma source(%dma_start3A_145 : memref<80xi32, #tpu.memory_space<hbm>>) target(%arg13 : memref<80xi32, #tpu.memory_space<vmem>>) target_semaphore(%arg25 : memref<!tpu.dma_semaphore, #tpu.memory_space<semaphore_mem>>)
    %dma_start3A_146 = arith.constant 0 : i32
    %dma_start3A_147 = arith.constant 0 : i32
    %dma_start3A_148 = tpu.memref_slice %arg2[%dma_start3A_146, %dma_start3A_147] : memref<10000x128xf32, #tpu.memory_space<hbm>> -> memref<10000x128xf32, #tpu.memory_space<hbm>>
    tpu.enqueue_indirect_dma source(%dma_start3A_148 : memref<10000x128xf32, #tpu.memory_space<hbm>>) target(%arg14 : memref<80x128xf32, #tpu.memory_space<vmem>>) offsets(%arg10 : memref<80xi32, #tpu.memory_space<vmem>>) semaphore(%arg20 : memref<!tpu.dma_semaphore, #tpu.memory_space<semaphore_mem>>)
    %scan3A = arith.constant 0 : i32
    %scan3A_149 = arith.constant 0 : i32
    %scan3A_150 = arith.constant 62 : i32
    %scan3A_151 = arith.addi %scan3A_149, %scan3A_150 : i32
    %scan3A_152 = arith.constant 1 : i32
    scf.for %scan3A_369 = %scan3A_149 to %scan3A_151 step %scan3A_152  : i32 {
      %mul3A_370 = arith.constant 2 : i32
      %mul3A_371 = arith.muli %mul3A_370, %scan3A_369 : i32
      %add3A_372 = arith.constant 0 : i32
      %add3A_373 = arith.addi %mul3A_371, %add3A_372 : i32
      %dma_wait3A_374 = arith.constant 0 : i32
      %dma_wait3A_375 = tpu.memref_slice %arg3[%dma_wait3A_374] : memref<320000xi32, #tpu.memory_space<hbm>> -> memref<80xi32, #tpu.memory_space<hbm>>
      %dma_wait3A_376 = arith.constant 0 : i32
      %dma_wait3A_377 = tpu.memref_slice %arg3[%dma_wait3A_376] : memref<320000xi32, #tpu.memory_space<hbm>> -> memref<80xi32, #tpu.memory_space<hbm>>
      tpu.wait_dma2 semaphore(%arg23 : memref<!tpu.dma_semaphore, #tpu.memory_space<semaphore_mem>>) src(%dma_wait3A_377 : memref<80xi32, #tpu.memory_space<hbm>>) dst(%arg11 : memref<80xi32, #tpu.memory_space<vmem>>)
      %dma_wait3A_378 = arith.constant 0 : i32
      %dma_wait3A_379 = tpu.memref_slice %arg4[%dma_wait3A_378] : memref<320000xi32, #tpu.memory_space<hbm>> -> memref<80xi32, #tpu.memory_space<hbm>>
      %dma_wait3A_380 = arith.constant 0 : i32
      %dma_wait3A_381 = tpu.memref_slice %arg4[%dma_wait3A_380] : memref<320000xi32, #tpu.memory_space<hbm>> -> memref<80xi32, #tpu.memory_space<hbm>>
      tpu.wait_dma2 semaphore(%arg25 : memref<!tpu.dma_semaphore, #tpu.memory_space<semaphore_mem>>) src(%dma_wait3A_381 : memref<80xi32, #tpu.memory_space<hbm>>) dst(%arg13 : memref<80xi32, #tpu.memory_space<vmem>>)
      %dma_start3A_382 = arith.constant 0 : i32
      %dma_start3A_383 = arith.constant 0 : i32
      %dma_start3A_384 = tpu.memref_slice %arg2[%dma_start3A_382, %dma_start3A_383] : memref<10000x128xf32, #tpu.memory_space<hbm>> -> memref<10000x128xf32, #tpu.memory_space<hbm>>
      tpu.enqueue_indirect_dma source(%dma_start3A_384 : memref<10000x128xf32, #tpu.memory_space<hbm>>) target(%arg15 : memref<80x128xf32, #tpu.memory_space<vmem>>) offsets(%arg11 : memref<80xi32, #tpu.memory_space<vmem>>) semaphore(%arg21 : memref<!tpu.dma_semaphore, #tpu.memory_space<semaphore_mem>>)
      %dma_wait3A_385 = arith.constant 0 : i32
      %dma_wait3A_386 = arith.constant 0 : i32
      %dma_wait3A_387 = tpu.memref_slice %arg2[%dma_wait3A_385, %dma_wait3A_386] : memref<10000x128xf32, #tpu.memory_space<hbm>> -> memref<10000x128xf32, #tpu.memory_space<hbm>>
      tpu.wait_indirect_dma semaphore(%arg20 : memref<!tpu.dma_semaphore, #tpu.memory_space<semaphore_mem>>) src(%dma_wait3A_387 : memref<10000x128xf32, #tpu.memory_space<hbm>>) dst(%arg14 : memref<80x128xf32, #tpu.memory_space<vmem>>)
      %dma_start3A_388 = arith.constant 0 : i32
      %dma_start3A_389 = tpu.memref_slice %arg19[%dma_start3A_388] : memref<10240xf32, #tpu.memory_space<vmem_shared>> -> memref<10240xf32, #tpu.memory_space<vmem_shared>>
      tpu.enqueue_indirect_dma source(%arg16 : memref<80xf32, #tpu.memory_space<vmem>>) target(%dma_start3A_389 : memref<10240xf32, #tpu.memory_space<vmem_shared>>) offsets(%arg12 : memref<80xi32, #tpu.memory_space<vmem>>) semaphore(%arg26 : memref<!tpu.dma_semaphore, #tpu.memory_space<semaphore_mem>>) {add = true}
      "tpu.region"() ({
        %run_scoped3A = tpu.sem_alloc : memref<!tpu.dma_semaphore, #tpu.memory_space<semaphore_mem>>
        %dma_start3A_446 = arith.constant 0 : i32
        %dma_start3A_447 = arith.constant 0 : i32
        %dma_start3A_448 = tpu.memref_slice %arg18[%dma_start3A_446, %dma_start3A_447] : memref<10240x128xf32, #tpu.memory_space<vmem_shared>> -> memref<10240x128xf32, #tpu.memory_space<vmem_shared>>
        tpu.enqueue_indirect_dma source(%arg14 : memref<80x128xf32, #tpu.memory_space<vmem>>) target(%dma_start3A_448 : memref<10240x128xf32, #tpu.memory_space<vmem_shared>>) offsets(%arg12 : memref<80xi32, #tpu.memory_space<vmem>>) semaphore(%run_scoped3A : memref<!tpu.dma_semaphore, #tpu.memory_space<semaphore_mem>>) {add = true}
        %dma_wait3A_449 = arith.constant 0 : i32
        %dma_wait3A_450 = arith.constant 0 : i32
        %dma_wait3A_451 = tpu.memref_slice %arg18[%dma_wait3A_449, %dma_wait3A_450] : memref<10240x128xf32, #tpu.memory_space<vmem_shared>> -> memref<10240x128xf32, #tpu.memory_space<vmem_shared>>
        tpu.wait_indirect_dma semaphore(%run_scoped3A : memref<!tpu.dma_semaphore, #tpu.memory_space<semaphore_mem>>) src(%arg14 : memref<80x128xf32, #tpu.memory_space<vmem>>) dst(%dma_wait3A_451 : memref<10240x128xf32, #tpu.memory_space<vmem_shared>>)
        tpu.yield
      }) : () -> ()
      %dma_wait3A_390 = arith.constant 0 : i32
      %dma_wait3A_391 = tpu.memref_slice %arg19[%dma_wait3A_390] : memref<10240xf32, #tpu.memory_space<vmem_shared>> -> memref<10240xf32, #tpu.memory_space<vmem_shared>>
      tpu.wait_indirect_dma semaphore(%arg26 : memref<!tpu.dma_semaphore, #tpu.memory_space<semaphore_mem>>) src(%arg16 : memref<80xf32, #tpu.memory_space<vmem>>) dst(%dma_wait3A_391 : memref<10240xf32, #tpu.memory_space<vmem_shared>>)
      %add3A_392 = arith.constant 2 : i32
      %add3A_393 = arith.addi %add3A_373, %add3A_392 : i32
      %min3A_394 = arith.constant 124 : i32
      %min3A_395 = arith.minsi %add3A_393, %min3A_394 : i32
      %mul3A_396 = arith.constant 80 : i32
      %mul3A_397 = arith.muli %min3A_395, %mul3A_396 : i32
      %add3A_398 = arith.addi %mul3A_130, %mul3A_397 : i32
      %dma_start3A_399 = tpu.memref_slice %arg3[%add3A_398] : memref<320000xi32, #tpu.memory_space<hbm>> -> memref<80xi32, #tpu.memory_space<hbm>>
      %dma_start3A_400 = tpu.memref_slice %arg3[%add3A_398] : memref<320000xi32, #tpu.memory_space<hbm>> -> memref<80xi32, #tpu.memory_space<hbm>>
      tpu.enqueue_dma source(%dma_start3A_400 : memref<80xi32, #tpu.memory_space<hbm>>) target(%arg10 : memref<80xi32, #tpu.memory_space<vmem>>) target_semaphore(%arg22 : memref<!tpu.dma_semaphore, #tpu.memory_space<semaphore_mem>>)
      %min3A_401 = arith.constant 124 : i32
      %min3A_402 = arith.minsi %add3A_393, %min3A_401 : i32
      %mul3A_403 = arith.constant 80 : i32
      %mul3A_404 = arith.muli %min3A_402, %mul3A_403 : i32
      %add3A_405 = arith.addi %mul3A_130, %mul3A_404 : i32
      %dma_start3A_406 = tpu.memref_slice %arg4[%add3A_405] : memref<320000xi32, #tpu.memory_space<hbm>> -> memref<80xi32, #tpu.memory_space<hbm>>
      %dma_start3A_407 = tpu.memref_slice %arg4[%add3A_405] : memref<320000xi32, #tpu.memory_space<hbm>> -> memref<80xi32, #tpu.memory_space<hbm>>
      tpu.enqueue_dma source(%dma_start3A_407 : memref<80xi32, #tpu.memory_space<hbm>>) target(%arg12 : memref<80xi32, #tpu.memory_space<vmem>>) target_semaphore(%arg24 : memref<!tpu.dma_semaphore, #tpu.memory_space<semaphore_mem>>)
      %mul3A_408 = arith.constant 2 : i32
      %mul3A_409 = arith.muli %mul3A_408, %scan3A_369 : i32
      %add3A_410 = arith.constant 1 : i32
      %add3A_411 = arith.addi %mul3A_409, %add3A_410 : i32
      %dma_wait3A_412 = arith.constant 0 : i32
      %dma_wait3A_413 = tpu.memref_slice %arg3[%dma_wait3A_412] : memref<320000xi32, #tpu.memory_space<hbm>> -> memref<80xi32, #tpu.memory_space<hbm>>
      %dma_wait3A_414 = arith.constant 0 : i32
      %dma_wait3A_415 = tpu.memref_slice %arg3[%dma_wait3A_414] : memref<320000xi32, #tpu.memory_space<hbm>> -> memref<80xi32, #tpu.memory_space<hbm>>
      tpu.wait_dma2 semaphore(%arg22 : memref<!tpu.dma_semaphore, #tpu.memory_space<semaphore_mem>>) src(%dma_wait3A_415 : memref<80xi32, #tpu.memory_space<hbm>>) dst(%arg10 : memref<80xi32, #tpu.memory_space<vmem>>)
      %dma_wait3A_416 = arith.constant 0 : i32
      %dma_wait3A_417 = tpu.memref_slice %arg4[%dma_wait3A_416] : memref<320000xi32, #tpu.memory_space<hbm>> -> memref<80xi32, #tpu.memory_space<hbm>>
      %dma_wait3A_418 = arith.constant 0 : i32
      %dma_wait3A_419 = tpu.memref_slice %arg4[%dma_wait3A_418] : memref<320000xi32, #tpu.memory_space<hbm>> -> memref<80xi32, #tpu.memory_space<hbm>>
      tpu.wait_dma2 semaphore(%arg24 : memref<!tpu.dma_semaphore, #tpu.memory_space<semaphore_mem>>) src(%dma_wait3A_419 : memref<80xi32, #tpu.memory_space<hbm>>) dst(%arg12 : memref<80xi32, #tpu.memory_space<vmem>>)
      %dma_start3A_420 = arith.constant 0 : i32
      %dma_start3A_421 = arith.constant 0 : i32
      %dma_start3A_422 = tpu.memref_slice %arg2[%dma_start3A_420, %dma_start3A_421] : memref<10000x128xf32, #tpu.memory_space<hbm>> -> memref<10000x128xf32, #tpu.memory_space<hbm>>
      tpu.enqueue_indirect_dma source(%dma_start3A_422 : memref<10000x128xf32, #tpu.memory_space<hbm>>) target(%arg14 : memref<80x128xf32, #tpu.memory_space<vmem>>) offsets(%arg10 : memref<80xi32, #tpu.memory_space<vmem>>) semaphore(%arg20 : memref<!tpu.dma_semaphore, #tpu.memory_space<semaphore_mem>>)
      %dma_wait3A_423 = arith.constant 0 : i32
      %dma_wait3A_424 = arith.constant 0 : i32
      %dma_wait3A_425 = tpu.memref_slice %arg2[%dma_wait3A_423, %dma_wait3A_424] : memref<10000x128xf32, #tpu.memory_space<hbm>> -> memref<10000x128xf32, #tpu.memory_space<hbm>>
      tpu.wait_indirect_dma semaphore(%arg21 : memref<!tpu.dma_semaphore, #tpu.memory_space<semaphore_mem>>) src(%dma_wait3A_425 : memref<10000x128xf32, #tpu.memory_space<hbm>>) dst(%arg15 : memref<80x128xf32, #tpu.memory_space<vmem>>)
      %dma_start3A_426 = arith.constant 0 : i32
      %dma_start3A_427 = tpu.memref_slice %arg19[%dma_start3A_426] : memref<10240xf32, #tpu.memory_space<vmem_shared>> -> memref<10240xf32, #tpu.memory_space<vmem_shared>>
      tpu.enqueue_indirect_dma source(%arg16 : memref<80xf32, #tpu.memory_space<vmem>>) target(%dma_start3A_427 : memref<10240xf32, #tpu.memory_space<vmem_shared>>) offsets(%arg13 : memref<80xi32, #tpu.memory_space<vmem>>) semaphore(%arg26 : memref<!tpu.dma_semaphore, #tpu.memory_space<semaphore_mem>>) {add = true}
      "tpu.region"() ({
        %run_scoped3A = tpu.sem_alloc : memref<!tpu.dma_semaphore, #tpu.memory_space<semaphore_mem>>
        %dma_start3A_446 = arith.constant 0 : i32
        %dma_start3A_447 = arith.constant 0 : i32
        %dma_start3A_448 = tpu.memref_slice %arg18[%dma_start3A_446, %dma_start3A_447] : memref<10240x128xf32, #tpu.memory_space<vmem_shared>> -> memref<10240x128xf32, #tpu.memory_space<vmem_shared>>
        tpu.enqueue_indirect_dma source(%arg15 : memref<80x128xf32, #tpu.memory_space<vmem>>) target(%dma_start3A_448 : memref<10240x128xf32, #tpu.memory_space<vmem_shared>>) offsets(%arg13 : memref<80xi32, #tpu.memory_space<vmem>>) semaphore(%run_scoped3A : memref<!tpu.dma_semaphore, #tpu.memory_space<semaphore_mem>>) {add = true}
        %dma_wait3A_449 = arith.constant 0 : i32
        %dma_wait3A_450 = arith.constant 0 : i32
        %dma_wait3A_451 = tpu.memref_slice %arg18[%dma_wait3A_449, %dma_wait3A_450] : memref<10240x128xf32, #tpu.memory_space<vmem_shared>> -> memref<10240x128xf32, #tpu.memory_space<vmem_shared>>
        tpu.wait_indirect_dma semaphore(%run_scoped3A : memref<!tpu.dma_semaphore, #tpu.memory_space<semaphore_mem>>) src(%arg15 : memref<80x128xf32, #tpu.memory_space<vmem>>) dst(%dma_wait3A_451 : memref<10240x128xf32, #tpu.memory_space<vmem_shared>>)
        tpu.yield
      }) : () -> ()
      %dma_wait3A_428 = arith.constant 0 : i32
      %dma_wait3A_429 = tpu.memref_slice %arg19[%dma_wait3A_428] : memref<10240xf32, #tpu.memory_space<vmem_shared>> -> memref<10240xf32, #tpu.memory_space<vmem_shared>>
      tpu.wait_indirect_dma semaphore(%arg26 : memref<!tpu.dma_semaphore, #tpu.memory_space<semaphore_mem>>) src(%arg16 : memref<80xf32, #tpu.memory_space<vmem>>) dst(%dma_wait3A_429 : memref<10240xf32, #tpu.memory_space<vmem_shared>>)
      %add3A_430 = arith.constant 2 : i32
      %add3A_431 = arith.addi %add3A_411, %add3A_430 : i32
      %min3A_432 = arith.constant 124 : i32
      %min3A_433 = arith.minsi %add3A_431, %min3A_432 : i32
      %mul3A_434 = arith.constant 80 : i32
      %mul3A_435 = arith.muli %min3A_433, %mul3A_434 : i32
      %add3A_436 = arith.addi %mul3A_130, %mul3A_435 : i32
      %dma_start3A_437 = tpu.memref_slice %arg3[%add3A_436] : memref<320000xi32, #tpu.memory_space<hbm>> -> memref<80xi32, #tpu.memory_space<hbm>>
      %dma_start3A_438 = tpu.memref_slice %arg3[%add3A_436] : memref<320000xi32, #tpu.memory_space<hbm>> -> memref<80xi32, #tpu.memory_space<hbm>>
      tpu.enqueue_dma source(%dma_start3A_438 : memref<80xi32, #tpu.memory_space<hbm>>) target(%arg11 : memref<80xi32, #tpu.memory_space<vmem>>) target_semaphore(%arg23 : memref<!tpu.dma_semaphore, #tpu.memory_space<semaphore_mem>>)
      %min3A_439 = arith.constant 124 : i32
      %min3A_440 = arith.minsi %add3A_431, %min3A_439 : i32
      %mul3A_441 = arith.constant 80 : i32
      %mul3A_442 = arith.muli %min3A_440, %mul3A_441 : i32
      %add3A_443 = arith.addi %mul3A_130, %mul3A_442 : i32
      %dma_start3A_444 = tpu.memref_slice %arg4[%add3A_443] : memref<320000xi32, #tpu.memory_space<hbm>> -> memref<80xi32, #tpu.memory_space<hbm>>
      %dma_start3A_445 = tpu.memref_slice %arg4[%add3A_443] : memref<320000xi32, #tpu.memory_space<hbm>> -> memref<80xi32, #tpu.memory_space<hbm>>
      tpu.enqueue_dma source(%dma_start3A_445 : memref<80xi32, #tpu.memory_space<hbm>>) target(%arg13 : memref<80xi32, #tpu.memory_space<vmem>>) target_semaphore(%arg25 : memref<!tpu.dma_semaphore, #tpu.memory_space<semaphore_mem>>)
    }
    %scan3A_153 = arith.constant 62 : i32
    %dma_wait3A_154 = arith.constant 0 : i32
    %dma_wait3A_155 = arith.constant 0 : i32
    %dma_wait3A_156 = tpu.memref_slice %arg2[%dma_wait3A_154, %dma_wait3A_155] : memref<10000x128xf32, #tpu.memory_space<hbm>> -> memref<10000x128xf32, #tpu.memory_space<hbm>>
    tpu.wait_indirect_dma semaphore(%arg20 : memref<!tpu.dma_semaphore, #tpu.memory_space<semaphore_mem>>) src(%dma_wait3A_156 : memref<10000x128xf32, #tpu.memory_space<hbm>>) dst(%arg14 : memref<80x128xf32, #tpu.memory_space<vmem>>)
    %dma_start3A_157 = arith.constant 0 : i32
    %dma_start3A_158 = tpu.memref_slice %arg19[%dma_start3A_157] : memref<10240xf32, #tpu.memory_space<vmem_shared>> -> memref<10240xf32, #tpu.memory_space<vmem_shared>>
    tpu.enqueue_indirect_dma source(%arg16 : memref<80xf32, #tpu.memory_space<vmem>>) target(%dma_start3A_158 : memref<10240xf32, #tpu.memory_space<vmem_shared>>) offsets(%arg12 : memref<80xi32, #tpu.memory_space<vmem>>) semaphore(%arg26 : memref<!tpu.dma_semaphore, #tpu.memory_space<semaphore_mem>>) {add = true}
    "tpu.region"() ({
      %run_scoped3A = tpu.sem_alloc : memref<!tpu.dma_semaphore, #tpu.memory_space<semaphore_mem>>
      %dma_start3A_369 = arith.constant 0 : i32
      %dma_start3A_370 = arith.constant 0 : i32
      %dma_start3A_371 = tpu.memref_slice %arg18[%dma_start3A_369, %dma_start3A_370] : memref<10240x128xf32, #tpu.memory_space<vmem_shared>> -> memref<10240x128xf32, #tpu.memory_space<vmem_shared>>
      tpu.enqueue_indirect_dma source(%arg14 : memref<80x128xf32, #tpu.memory_space<vmem>>) target(%dma_start3A_371 : memref<10240x128xf32, #tpu.memory_space<vmem_shared>>) offsets(%arg12 : memref<80xi32, #tpu.memory_space<vmem>>) semaphore(%run_scoped3A : memref<!tpu.dma_semaphore, #tpu.memory_space<semaphore_mem>>) {add = true}
      %dma_wait3A_372 = arith.constant 0 : i32
      %dma_wait3A_373 = arith.constant 0 : i32
      %dma_wait3A_374 = tpu.memref_slice %arg18[%dma_wait3A_372, %dma_wait3A_373] : memref<10240x128xf32, #tpu.memory_space<vmem_shared>> -> memref<10240x128xf32, #tpu.memory_space<vmem_shared>>
      tpu.wait_indirect_dma semaphore(%run_scoped3A : memref<!tpu.dma_semaphore, #tpu.memory_space<semaphore_mem>>) src(%arg14 : memref<80x128xf32, #tpu.memory_space<vmem>>) dst(%dma_wait3A_374 : memref<10240x128xf32, #tpu.memory_space<vmem_shared>>)
      tpu.yield
    }) : () -> ()
    %dma_wait3A_159 = arith.constant 0 : i32
    %dma_wait3A_160 = tpu.memref_slice %arg19[%dma_wait3A_159] : memref<10240xf32, #tpu.memory_space<vmem_shared>> -> memref<10240xf32, #tpu.memory_space<vmem_shared>>
    tpu.wait_indirect_dma semaphore(%arg26 : memref<!tpu.dma_semaphore, #tpu.memory_space<semaphore_mem>>) src(%arg16 : memref<80xf32, #tpu.memory_space<vmem>>) dst(%dma_wait3A_160 : memref<10240xf32, #tpu.memory_space<vmem_shared>>)
    %dma_wait3A_161 = arith.constant 0 : i32
    %dma_wait3A_162 = tpu.memref_slice %arg3[%dma_wait3A_161] : memref<320000xi32, #tpu.memory_space<hbm>> -> memref<80xi32, #tpu.memory_space<hbm>>
    %dma_wait3A_163 = arith.constant 0 : i32
    %dma_wait3A_164 = tpu.memref_slice %arg3[%dma_wait3A_163] : memref<320000xi32, #tpu.memory_space<hbm>> -> memref<80xi32, #tpu.memory_space<hbm>>
    tpu.wait_dma2 semaphore(%arg23 : memref<!tpu.dma_semaphore, #tpu.memory_space<semaphore_mem>>) src(%dma_wait3A_164 : memref<80xi32, #tpu.memory_space<hbm>>) dst(%arg11 : memref<80xi32, #tpu.memory_space<vmem>>)
    %dma_wait3A_165 = arith.constant 0 : i32
    %dma_wait3A_166 = tpu.memref_slice %arg4[%dma_wait3A_165] : memref<320000xi32, #tpu.memory_space<hbm>> -> memref<80xi32, #tpu.memory_space<hbm>>
    %dma_wait3A_167 = arith.constant 0 : i32
    %dma_wait3A_168 = tpu.memref_slice %arg4[%dma_wait3A_167] : memref<320000xi32, #tpu.memory_space<hbm>> -> memref<80xi32, #tpu.memory_space<hbm>>
    tpu.wait_dma2 semaphore(%arg25 : memref<!tpu.dma_semaphore, #tpu.memory_space<semaphore_mem>>) src(%dma_wait3A_168 : memref<80xi32, #tpu.memory_space<hbm>>) dst(%arg13 : memref<80xi32, #tpu.memory_space<vmem>>)
    %barrier3A_169 = arith.constant 0 : index
    tpu.barrier barrier_id(%barrier3A_169)
    %mul3A_170 = arith.constant 640 : i32
    %mul3A_171 = arith.muli %arg1, %mul3A_170 : i32
    %add3A_172 = arith.constant 0 : i32
    %add3A_173 = arith.addi %mul3A_171, %add3A_172 : i32
    "tpu.region"() ({
      %run_scoped3A = tpu.sem_alloc : memref<!tpu.dma_semaphore, #tpu.memory_space<semaphore_mem>>
      %dma_start3A_369 = arith.constant 0 : i32
      %dma_start3A_370 = tpu.memref_slice %arg18[%add3A_173, %dma_start3A_369] : memref<10240x128xf32, #tpu.memory_space<vmem_shared>> -> memref<80x128xf32, #tpu.memory_space<vmem_shared>>
      %dma_start3A_371 = arith.constant 0 : i32
      %dma_start3A_372 = tpu.memref_slice %arg18[%add3A_173, %dma_start3A_371] : memref<10240x128xf32, #tpu.memory_space<vmem_shared>> -> memref<80x128xf32, #tpu.memory_space<vmem_shared>>
      tpu.enqueue_dma source(%dma_start3A_372 : memref<80x128xf32, #tpu.memory_space<vmem_shared>>) target(%arg14 : memref<80x128xf32, #tpu.memory_space<vmem>>) target_semaphore(%run_scoped3A : memref<!tpu.dma_semaphore, #tpu.memory_space<semaphore_mem>>)
      %dma_wait3A_373 = arith.constant 0 : i32
      %dma_wait3A_374 = tpu.memref_slice %arg18[%add3A_173, %dma_wait3A_373] : memref<10240x128xf32, #tpu.memory_space<vmem_shared>> -> memref<80x128xf32, #tpu.memory_space<vmem_shared>>
      %dma_wait3A_375 = arith.constant 0 : i32
      %dma_wait3A_376 = tpu.memref_slice %arg18[%add3A_173, %dma_wait3A_375] : memref<10240x128xf32, #tpu.memory_space<vmem_shared>> -> memref<80x128xf32, #tpu.memory_space<vmem_shared>>
      tpu.wait_dma2 semaphore(%run_scoped3A : memref<!tpu.dma_semaphore, #tpu.memory_space<semaphore_mem>>) src(%dma_wait3A_376 : memref<80x128xf32, #tpu.memory_space<vmem_shared>>) dst(%arg14 : memref<80x128xf32, #tpu.memory_space<vmem>>)
      tpu.yield
    }) : () -> ()
    %mul3A_174 = arith.constant 640 : i32
    %mul3A_175 = arith.muli %arg1, %mul3A_174 : i32
    %add3A_176 = arith.constant 0 : i32
    %add3A_177 = arith.addi %mul3A_175, %add3A_176 : i32
    %dma_start3A_178 = arith.constant 0 : i32
    %dma_start3A_179 = tpu.memref_slice %arg8[%arg0, %add3A_177, %dma_start3A_178] : memref<2x10240x128xf32, #tpu.memory_space<hbm>> -> memref<1x80x128xf32, #tpu.memory_space<hbm>>
    %dma_start3A_180 = tpu.memref_squeeze %dma_start3A_179 : memref<1x80x128xf32, #tpu.memory_space<hbm>> -> memref<80x128xf32, #tpu.memory_space<hbm>>
    %dma_start3A_181 = arith.constant 0 : i32
    %dma_start3A_182 = tpu.memref_slice %arg8[%arg0, %add3A_177, %dma_start3A_181] : memref<2x10240x128xf32, #tpu.memory_space<hbm>> -> memref<1x80x128xf32, #tpu.memory_space<hbm>>
    %dma_start3A_183 = tpu.memref_squeeze %dma_start3A_182 : memref<1x80x128xf32, #tpu.memory_space<hbm>> -> memref<80x128xf32, #tpu.memory_space<hbm>>
    tpu.enqueue_dma source(%arg14 : memref<80x128xf32, #tpu.memory_space<vmem>>) target(%dma_start3A_183 : memref<80x128xf32, #tpu.memory_space<hbm>>) target_semaphore(%arg20 : memref<!tpu.dma_semaphore, #tpu.memory_space<semaphore_mem>>)
    %mul3A_184 = arith.constant 640 : i32
    %mul3A_185 = arith.muli %arg1, %mul3A_184 : i32
    %add3A_186 = arith.constant 80 : i32
    %add3A_187 = arith.addi %mul3A_185, %add3A_186 : i32
    "tpu.region"() ({
      %run_scoped3A = tpu.sem_alloc : memref<!tpu.dma_semaphore, #tpu.memory_space<semaphore_mem>>
      %dma_start3A_369 = arith.constant 0 : i32
      %dma_start3A_370 = tpu.memref_slice %arg18[%add3A_187, %dma_start3A_369] : memref<10240x128xf32, #tpu.memory_space<vmem_shared>> -> memref<80x128xf32, #tpu.memory_space<vmem_shared>>
      %dma_start3A_371 = arith.constant 0 : i32
      %dma_start3A_372 = tpu.memref_slice %arg18[%add3A_187, %dma_start3A_371] : memref<10240x128xf32, #tpu.memory_space<vmem_shared>> -> memref<80x128xf32, #tpu.memory_space<vmem_shared>>
      tpu.enqueue_dma source(%dma_start3A_372 : memref<80x128xf32, #tpu.memory_space<vmem_shared>>) target(%arg15 : memref<80x128xf32, #tpu.memory_space<vmem>>) target_semaphore(%run_scoped3A : memref<!tpu.dma_semaphore, #tpu.memory_space<semaphore_mem>>)
      %dma_wait3A_373 = arith.constant 0 : i32
      %dma_wait3A_374 = tpu.memref_slice %arg18[%add3A_187, %dma_wait3A_373] : memref<10240x128xf32, #tpu.memory_space<vmem_shared>> -> memref<80x128xf32, #tpu.memory_space<vmem_shared>>
      %dma_wait3A_375 = arith.constant 0 : i32
      %dma_wait3A_376 = tpu.memref_slice %arg18[%add3A_187, %dma_wait3A_375] : memref<10240x128xf32, #tpu.memory_space<vmem_shared>> -> memref<80x128xf32, #tpu.memory_space<vmem_shared>>
      tpu.wait_dma2 semaphore(%run_scoped3A : memref<!tpu.dma_semaphore, #tpu.memory_space<semaphore_mem>>) src(%dma_wait3A_376 : memref<80x128xf32, #tpu.memory_space<vmem_shared>>) dst(%arg15 : memref<80x128xf32, #tpu.memory_space<vmem>>)
      tpu.yield
    }) : () -> ()
    %mul3A_188 = arith.constant 640 : i32
    %mul3A_189 = arith.muli %arg1, %mul3A_188 : i32
    %add3A_190 = arith.constant 80 : i32
    %add3A_191 = arith.addi %mul3A_189, %add3A_190 : i32
    %dma_start3A_192 = arith.constant 0 : i32
    %dma_start3A_193 = tpu.memref_slice %arg8[%arg0, %add3A_191, %dma_start3A_192] : memref<2x10240x128xf32, #tpu.memory_space<hbm>> -> memref<1x80x128xf32, #tpu.memory_space<hbm>>
    %dma_start3A_194 = tpu.memref_squeeze %dma_start3A_193 : memref<1x80x128xf32, #tpu.memory_space<hbm>> -> memref<80x128xf32, #tpu.memory_space<hbm>>
    %dma_start3A_195 = arith.constant 0 : i32
    %dma_start3A_196 = tpu.memref_slice %arg8[%arg0, %add3A_191, %dma_start3A_195] : memref<2x10240x128xf32, #tpu.memory_space<hbm>> -> memref<1x80x128xf32, #tpu.memory_space<hbm>>
    %dma_start3A_197 = tpu.memref_squeeze %dma_start3A_196 : memref<1x80x128xf32, #tpu.memory_space<hbm>> -> memref<80x128xf32, #tpu.memory_space<hbm>>
    tpu.enqueue_dma source(%arg15 : memref<80x128xf32, #tpu.memory_space<vmem>>) target(%dma_start3A_197 : memref<80x128xf32, #tpu.memory_space<hbm>>) target_semaphore(%arg21 : memref<!tpu.dma_semaphore, #tpu.memory_space<semaphore_mem>>)
    %mul3A_198 = arith.constant 640 : i32
    %mul3A_199 = arith.muli %arg1, %mul3A_198 : i32
    %add3A_200 = arith.constant 0 : i32
    %add3A_201 = arith.addi %mul3A_199, %add3A_200 : i32
    %dma_wait3A_202 = arith.constant 0 : i32
    %dma_wait3A_203 = tpu.memref_slice %arg8[%arg0, %add3A_201, %dma_wait3A_202] : memref<2x10240x128xf32, #tpu.memory_space<hbm>> -> memref<1x80x128xf32, #tpu.memory_space<hbm>>
    %dma_wait3A_204 = tpu.memref_squeeze %dma_wait3A_203 : memref<1x80x128xf32, #tpu.memory_space<hbm>> -> memref<80x128xf32, #tpu.memory_space<hbm>>
    %dma_wait3A_205 = arith.constant 0 : i32
    %dma_wait3A_206 = tpu.memref_slice %arg8[%arg0, %add3A_201, %dma_wait3A_205] : memref<2x10240x128xf32, #tpu.memory_space<hbm>> -> memref<1x80x128xf32, #tpu.memory_space<hbm>>
    %dma_wait3A_207 = tpu.memref_squeeze %dma_wait3A_206 : memref<1x80x128xf32, #tpu.memory_space<hbm>> -> memref<80x128xf32, #tpu.memory_space<hbm>>
    tpu.wait_dma2 semaphore(%arg20 : memref<!tpu.dma_semaphore, #tpu.memory_space<semaphore_mem>>) src(%arg14 : memref<80x128xf32, #tpu.memory_space<vmem>>) dst(%dma_wait3A_207 : memref<80x128xf32, #tpu.memory_space<hbm>>)
    %mul3A_208 = arith.constant 640 : i32
    %mul3A_209 = arith.muli %arg1, %mul3A_208 : i32
    %add3A_210 = arith.constant 160 : i32
    %add3A_211 = arith.addi %mul3A_209, %add3A_210 : i32
    "tpu.region"() ({
      %run_scoped3A = tpu.sem_alloc : memref<!tpu.dma_semaphore, #tpu.memory_space<semaphore_mem>>
      %dma_start3A_369 = arith.constant 0 : i32
      %dma_start3A_370 = tpu.memref_slice %arg18[%add3A_211, %dma_start3A_369] : memref<10240x128xf32, #tpu.memory_space<vmem_shared>> -> memref<80x128xf32, #tpu.memory_space<vmem_shared>>
      %dma_start3A_371 = arith.constant 0 : i32
      %dma_start3A_372 = tpu.memref_slice %arg18[%add3A_211, %dma_start3A_371] : memref<10240x128xf32, #tpu.memory_space<vmem_shared>> -> memref<80x128xf32, #tpu.memory_space<vmem_shared>>
      tpu.enqueue_dma source(%dma_start3A_372 : memref<80x128xf32, #tpu.memory_space<vmem_shared>>) target(%arg14 : memref<80x128xf32, #tpu.memory_space<vmem>>) target_semaphore(%run_scoped3A : memref<!tpu.dma_semaphore, #tpu.memory_space<semaphore_mem>>)
      %dma_wait3A_373 = arith.constant 0 : i32
      %dma_wait3A_374 = tpu.memref_slice %arg18[%add3A_211, %dma_wait3A_373] : memref<10240x128xf32, #tpu.memory_space<vmem_shared>> -> memref<80x128xf32, #tpu.memory_space<vmem_shared>>
      %dma_wait3A_375 = arith.constant 0 : i32
      %dma_wait3A_376 = tpu.memref_slice %arg18[%add3A_211, %dma_wait3A_375] : memref<10240x128xf32, #tpu.memory_space<vmem_shared>> -> memref<80x128xf32, #tpu.memory_space<vmem_shared>>
      tpu.wait_dma2 semaphore(%run_scoped3A : memref<!tpu.dma_semaphore, #tpu.memory_space<semaphore_mem>>) src(%dma_wait3A_376 : memref<80x128xf32, #tpu.memory_space<vmem_shared>>) dst(%arg14 : memref<80x128xf32, #tpu.memory_space<vmem>>)
      tpu.yield
    }) : () -> ()
    %mul3A_212 = arith.constant 640 : i32
    %mul3A_213 = arith.muli %arg1, %mul3A_212 : i32
    %add3A_214 = arith.constant 160 : i32
    %add3A_215 = arith.addi %mul3A_213, %add3A_214 : i32
    %dma_start3A_216 = arith.constant 0 : i32
    %dma_start3A_217 = tpu.memref_slice %arg8[%arg0, %add3A_215, %dma_start3A_216] : memref<2x10240x128xf32, #tpu.memory_space<hbm>> -> memref<1x80x128xf32, #tpu.memory_space<hbm>>
    %dma_start3A_218 = tpu.memref_squeeze %dma_start3A_217 : memref<1x80x128xf32, #tpu.memory_space<hbm>> -> memref<80x128xf32, #tpu.memory_space<hbm>>
    %dma_start3A_219 = arith.constant 0 : i32
    %dma_start3A_220 = tpu.memref_slice %arg8[%arg0, %add3A_215, %dma_start3A_219] : memref<2x10240x128xf32, #tpu.memory_space<hbm>> -> memref<1x80x128xf32, #tpu.memory_space<hbm>>
    %dma_start3A_221 = tpu.memref_squeeze %dma_start3A_220 : memref<1x80x128xf32, #tpu.memory_space<hbm>> -> memref<80x128xf32, #tpu.memory_space<hbm>>
    tpu.enqueue_dma source(%arg14 : memref<80x128xf32, #tpu.memory_space<vmem>>) target(%dma_start3A_221 : memref<80x128xf32, #tpu.memory_space<hbm>>) target_semaphore(%arg20 : memref<!tpu.dma_semaphore, #tpu.memory_space<semaphore_mem>>)
    %mul3A_222 = arith.constant 640 : i32
    %mul3A_223 = arith.muli %arg1, %mul3A_222 : i32
    %add3A_224 = arith.constant 80 : i32
    %add3A_225 = arith.addi %mul3A_223, %add3A_224 : i32
    %dma_wait3A_226 = arith.constant 0 : i32
    %dma_wait3A_227 = tpu.memref_slice %arg8[%arg0, %add3A_225, %dma_wait3A_226] : memref<2x10240x128xf32, #tpu.memory_space<hbm>> -> memref<1x80x128xf32, #tpu.memory_space<hbm>>
    %dma_wait3A_228 = tpu.memref_squeeze %dma_wait3A_227 : memref<1x80x128xf32, #tpu.memory_space<hbm>> -> memref<80x128xf32, #tpu.memory_space<hbm>>
    %dma_wait3A_229 = arith.constant 0 : i32
    %dma_wait3A_230 = tpu.memref_slice %arg8[%arg0, %add3A_225, %dma_wait3A_229] : memref<2x10240x128xf32, #tpu.memory_space<hbm>> -> memref<1x80x128xf32, #tpu.memory_space<hbm>>
    %dma_wait3A_231 = tpu.memref_squeeze %dma_wait3A_230 : memref<1x80x128xf32, #tpu.memory_space<hbm>> -> memref<80x128xf32, #tpu.memory_space<hbm>>
    tpu.wait_dma2 semaphore(%arg21 : memref<!tpu.dma_semaphore, #tpu.memory_space<semaphore_mem>>) src(%arg15 : memref<80x128xf32, #tpu.memory_space<vmem>>) dst(%dma_wait3A_231 : memref<80x128xf32, #tpu.memory_space<hbm>>)
    %mul3A_232 = arith.constant 640 : i32
    %mul3A_233 = arith.muli %arg1, %mul3A_232 : i32
    %add3A_234 = arith.constant 240 : i32
    %add3A_235 = arith.addi %mul3A_233, %add3A_234 : i32
    "tpu.region"() ({
      %run_scoped3A = tpu.sem_alloc : memref<!tpu.dma_semaphore, #tpu.memory_space<semaphore_mem>>
      %dma_start3A_369 = arith.constant 0 : i32
      %dma_start3A_370 = tpu.memref_slice %arg18[%add3A_235, %dma_start3A_369] : memref<10240x128xf32, #tpu.memory_space<vmem_shared>> -> memref<80x128xf32, #tpu.memory_space<vmem_shared>>
      %dma_start3A_371 = arith.constant 0 : i32
      %dma_start3A_372 = tpu.memref_slice %arg18[%add3A_235, %dma_start3A_371] : memref<10240x128xf32, #tpu.memory_space<vmem_shared>> -> memref<80x128xf32, #tpu.memory_space<vmem_shared>>
      tpu.enqueue_dma source(%dma_start3A_372 : memref<80x128xf32, #tpu.memory_space<vmem_shared>>) target(%arg15 : memref<80x128xf32, #tpu.memory_space<vmem>>) target_semaphore(%run_scoped3A : memref<!tpu.dma_semaphore, #tpu.memory_space<semaphore_mem>>)
      %dma_wait3A_373 = arith.constant 0 : i32
      %dma_wait3A_374 = tpu.memref_slice %arg18[%add3A_235, %dma_wait3A_373] : memref<10240x128xf32, #tpu.memory_space<vmem_shared>> -> memref<80x128xf32, #tpu.memory_space<vmem_shared>>
      %dma_wait3A_375 = arith.constant 0 : i32
      %dma_wait3A_376 = tpu.memref_slice %arg18[%add3A_235, %dma_wait3A_375] : memref<10240x128xf32, #tpu.memory_space<vmem_shared>> -> memref<80x128xf32, #tpu.memory_space<vmem_shared>>
      tpu.wait_dma2 semaphore(%run_scoped3A : memref<!tpu.dma_semaphore, #tpu.memory_space<semaphore_mem>>) src(%dma_wait3A_376 : memref<80x128xf32, #tpu.memory_space<vmem_shared>>) dst(%arg15 : memref<80x128xf32, #tpu.memory_space<vmem>>)
      tpu.yield
    }) : () -> ()
    %mul3A_236 = arith.constant 640 : i32
    %mul3A_237 = arith.muli %arg1, %mul3A_236 : i32
    %add3A_238 = arith.constant 240 : i32
    %add3A_239 = arith.addi %mul3A_237, %add3A_238 : i32
    %dma_start3A_240 = arith.constant 0 : i32
    %dma_start3A_241 = tpu.memref_slice %arg8[%arg0, %add3A_239, %dma_start3A_240] : memref<2x10240x128xf32, #tpu.memory_space<hbm>> -> memref<1x80x128xf32, #tpu.memory_space<hbm>>
    %dma_start3A_242 = tpu.memref_squeeze %dma_start3A_241 : memref<1x80x128xf32, #tpu.memory_space<hbm>> -> memref<80x128xf32, #tpu.memory_space<hbm>>
    %dma_start3A_243 = arith.constant 0 : i32
    %dma_start3A_244 = tpu.memref_slice %arg8[%arg0, %add3A_239, %dma_start3A_243] : memref<2x10240x128xf32, #tpu.memory_space<hbm>> -> memref<1x80x128xf32, #tpu.memory_space<hbm>>
    %dma_start3A_245 = tpu.memref_squeeze %dma_start3A_244 : memref<1x80x128xf32, #tpu.memory_space<hbm>> -> memref<80x128xf32, #tpu.memory_space<hbm>>
    tpu.enqueue_dma source(%arg15 : memref<80x128xf32, #tpu.memory_space<vmem>>) target(%dma_start3A_245 : memref<80x128xf32, #tpu.memory_space<hbm>>) target_semaphore(%arg21 : memref<!tpu.dma_semaphore, #tpu.memory_space<semaphore_mem>>)
    %mul3A_246 = arith.constant 640 : i32
    %mul3A_247 = arith.muli %arg1, %mul3A_246 : i32
    %add3A_248 = arith.constant 160 : i32
    %add3A_249 = arith.addi %mul3A_247, %add3A_248 : i32
    %dma_wait3A_250 = arith.constant 0 : i32
    %dma_wait3A_251 = tpu.memref_slice %arg8[%arg0, %add3A_249, %dma_wait3A_250] : memref<2x10240x128xf32, #tpu.memory_space<hbm>> -> memref<1x80x128xf32, #tpu.memory_space<hbm>>
    %dma_wait3A_252 = tpu.memref_squeeze %dma_wait3A_251 : memref<1x80x128xf32, #tpu.memory_space<hbm>> -> memref<80x128xf32, #tpu.memory_space<hbm>>
    %dma_wait3A_253 = arith.constant 0 : i32
    %dma_wait3A_254 = tpu.memref_slice %arg8[%arg0, %add3A_249, %dma_wait3A_253] : memref<2x10240x128xf32, #tpu.memory_space<hbm>> -> memref<1x80x128xf32, #tpu.memory_space<hbm>>
    %dma_wait3A_255 = tpu.memref_squeeze %dma_wait3A_254 : memref<1x80x128xf32, #tpu.memory_space<hbm>> -> memref<80x128xf32, #tpu.memory_space<hbm>>
    tpu.wait_dma2 semaphore(%arg20 : memref<!tpu.dma_semaphore, #tpu.memory_space<semaphore_mem>>) src(%arg14 : memref<80x128xf32, #tpu.memory_space<vmem>>) dst(%dma_wait3A_255 : memref<80x128xf32, #tpu.memory_space<hbm>>)
    %mul3A_256 = arith.constant 640 : i32
    %mul3A_257 = arith.muli %arg1, %mul3A_256 : i32
    %add3A_258 = arith.constant 320 : i32
    %add3A_259 = arith.addi %mul3A_257, %add3A_258 : i32
    "tpu.region"() ({
      %run_scoped3A = tpu.sem_alloc : memref<!tpu.dma_semaphore, #tpu.memory_space<semaphore_mem>>
      %dma_start3A_369 = arith.constant 0 : i32
      %dma_start3A_370 = tpu.memref_slice %arg18[%add3A_259, %dma_start3A_369] : memref<10240x128xf32, #tpu.memory_space<vmem_shared>> -> memref<80x128xf32, #tpu.memory_space<vmem_shared>>
      %dma_start3A_371 = arith.constant 0 : i32
      %dma_start3A_372 = tpu.memref_slice %arg18[%add3A_259, %dma_start3A_371] : memref<10240x128xf32, #tpu.memory_space<vmem_shared>> -> memref<80x128xf32, #tpu.memory_space<vmem_shared>>
      tpu.enqueue_dma source(%dma_start3A_372 : memref<80x128xf32, #tpu.memory_space<vmem_shared>>) target(%arg14 : memref<80x128xf32, #tpu.memory_space<vmem>>) target_semaphore(%run_scoped3A : memref<!tpu.dma_semaphore, #tpu.memory_space<semaphore_mem>>)
      %dma_wait3A_373 = arith.constant 0 : i32
      %dma_wait3A_374 = tpu.memref_slice %arg18[%add3A_259, %dma_wait3A_373] : memref<10240x128xf32, #tpu.memory_space<vmem_shared>> -> memref<80x128xf32, #tpu.memory_space<vmem_shared>>
      %dma_wait3A_375 = arith.constant 0 : i32
      %dma_wait3A_376 = tpu.memref_slice %arg18[%add3A_259, %dma_wait3A_375] : memref<10240x128xf32, #tpu.memory_space<vmem_shared>> -> memref<80x128xf32, #tpu.memory_space<vmem_shared>>
      tpu.wait_dma2 semaphore(%run_scoped3A : memref<!tpu.dma_semaphore, #tpu.memory_space<semaphore_mem>>) src(%dma_wait3A_376 : memref<80x128xf32, #tpu.memory_space<vmem_shared>>) dst(%arg14 : memref<80x128xf32, #tpu.memory_space<vmem>>)
      tpu.yield
    }) : () -> ()
    %mul3A_260 = arith.constant 640 : i32
    %mul3A_261 = arith.muli %arg1, %mul3A_260 : i32
    %add3A_262 = arith.constant 320 : i32
    %add3A_263 = arith.addi %mul3A_261, %add3A_262 : i32
    %dma_start3A_264 = arith.constant 0 : i32
    %dma_start3A_265 = tpu.memref_slice %arg8[%arg0, %add3A_263, %dma_start3A_264] : memref<2x10240x128xf32, #tpu.memory_space<hbm>> -> memref<1x80x128xf32, #tpu.memory_space<hbm>>
    %dma_start3A_266 = tpu.memref_squeeze %dma_start3A_265 : memref<1x80x128xf32, #tpu.memory_space<hbm>> -> memref<80x128xf32, #tpu.memory_space<hbm>>
    %dma_start3A_267 = arith.constant 0 : i32
    %dma_start3A_268 = tpu.memref_slice %arg8[%arg0, %add3A_263, %dma_start3A_267] : memref<2x10240x128xf32, #tpu.memory_space<hbm>> -> memref<1x80x128xf32, #tpu.memory_space<hbm>>
    %dma_start3A_269 = tpu.memref_squeeze %dma_start3A_268 : memref<1x80x128xf32, #tpu.memory_space<hbm>> -> memref<80x128xf32, #tpu.memory_space<hbm>>
    tpu.enqueue_dma source(%arg14 : memref<80x128xf32, #tpu.memory_space<vmem>>) target(%dma_start3A_269 : memref<80x128xf32, #tpu.memory_space<hbm>>) target_semaphore(%arg20 : memref<!tpu.dma_semaphore, #tpu.memory_space<semaphore_mem>>)
    %mul3A_270 = arith.constant 640 : i32
    %mul3A_271 = arith.muli %arg1, %mul3A_270 : i32
    %add3A_272 = arith.constant 240 : i32
    %add3A_273 = arith.addi %mul3A_271, %add3A_272 : i32
    %dma_wait3A_274 = arith.constant 0 : i32
    %dma_wait3A_275 = tpu.memref_slice %arg8[%arg0, %add3A_273, %dma_wait3A_274] : memref<2x10240x128xf32, #tpu.memory_space<hbm>> -> memref<1x80x128xf32, #tpu.memory_space<hbm>>
    %dma_wait3A_276 = tpu.memref_squeeze %dma_wait3A_275 : memref<1x80x128xf32, #tpu.memory_space<hbm>> -> memref<80x128xf32, #tpu.memory_space<hbm>>
    %dma_wait3A_277 = arith.constant 0 : i32
    %dma_wait3A_278 = tpu.memref_slice %arg8[%arg0, %add3A_273, %dma_wait3A_277] : memref<2x10240x128xf32, #tpu.memory_space<hbm>> -> memref<1x80x128xf32, #tpu.memory_space<hbm>>
    %dma_wait3A_279 = tpu.memref_squeeze %dma_wait3A_278 : memref<1x80x128xf32, #tpu.memory_space<hbm>> -> memref<80x128xf32, #tpu.memory_space<hbm>>
    tpu.wait_dma2 semaphore(%arg21 : memref<!tpu.dma_semaphore, #tpu.memory_space<semaphore_mem>>) src(%arg15 : memref<80x128xf32, #tpu.memory_space<vmem>>) dst(%dma_wait3A_279 : memref<80x128xf32, #tpu.memory_space<hbm>>)
    %mul3A_280 = arith.constant 640 : i32
    %mul3A_281 = arith.muli %arg1, %mul3A_280 : i32
    %add3A_282 = arith.constant 400 : i32
    %add3A_283 = arith.addi %mul3A_281, %add3A_282 : i32
    "tpu.region"() ({
      %run_scoped3A = tpu.sem_alloc : memref<!tpu.dma_semaphore, #tpu.memory_space<semaphore_mem>>
      %dma_start3A_369 = arith.constant 0 : i32
      %dma_start3A_370 = tpu.memref_slice %arg18[%add3A_283, %dma_start3A_369] : memref<10240x128xf32, #tpu.memory_space<vmem_shared>> -> memref<80x128xf32, #tpu.memory_space<vmem_shared>>
      %dma_start3A_371 = arith.constant 0 : i32
      %dma_start3A_372 = tpu.memref_slice %arg18[%add3A_283, %dma_start3A_371] : memref<10240x128xf32, #tpu.memory_space<vmem_shared>> -> memref<80x128xf32, #tpu.memory_space<vmem_shared>>
      tpu.enqueue_dma source(%dma_start3A_372 : memref<80x128xf32, #tpu.memory_space<vmem_shared>>) target(%arg15 : memref<80x128xf32, #tpu.memory_space<vmem>>) target_semaphore(%run_scoped3A : memref<!tpu.dma_semaphore, #tpu.memory_space<semaphore_mem>>)
      %dma_wait3A_373 = arith.constant 0 : i32
      %dma_wait3A_374 = tpu.memref_slice %arg18[%add3A_283, %dma_wait3A_373] : memref<10240x128xf32, #tpu.memory_space<vmem_shared>> -> memref<80x128xf32, #tpu.memory_space<vmem_shared>>
      %dma_wait3A_375 = arith.constant 0 : i32
      %dma_wait3A_376 = tpu.memref_slice %arg18[%add3A_283, %dma_wait3A_375] : memref<10240x128xf32, #tpu.memory_space<vmem_shared>> -> memref<80x128xf32, #tpu.memory_space<vmem_shared>>
      tpu.wait_dma2 semaphore(%run_scoped3A : memref<!tpu.dma_semaphore, #tpu.memory_space<semaphore_mem>>) src(%dma_wait3A_376 : memref<80x128xf32, #tpu.memory_space<vmem_shared>>) dst(%arg15 : memref<80x128xf32, #tpu.memory_space<vmem>>)
      tpu.yield
    }) : () -> ()
    %mul3A_284 = arith.constant 640 : i32
    %mul3A_285 = arith.muli %arg1, %mul3A_284 : i32
    %add3A_286 = arith.constant 400 : i32
    %add3A_287 = arith.addi %mul3A_285, %add3A_286 : i32
    %dma_start3A_288 = arith.constant 0 : i32
    %dma_start3A_289 = tpu.memref_slice %arg8[%arg0, %add3A_287, %dma_start3A_288] : memref<2x10240x128xf32, #tpu.memory_space<hbm>> -> memref<1x80x128xf32, #tpu.memory_space<hbm>>
    %dma_start3A_290 = tpu.memref_squeeze %dma_start3A_289 : memref<1x80x128xf32, #tpu.memory_space<hbm>> -> memref<80x128xf32, #tpu.memory_space<hbm>>
    %dma_start3A_291 = arith.constant 0 : i32
    %dma_start3A_292 = tpu.memref_slice %arg8[%arg0, %add3A_287, %dma_start3A_291] : memref<2x10240x128xf32, #tpu.memory_space<hbm>> -> memref<1x80x128xf32, #tpu.memory_space<hbm>>
    %dma_start3A_293 = tpu.memref_squeeze %dma_start3A_292 : memref<1x80x128xf32, #tpu.memory_space<hbm>> -> memref<80x128xf32, #tpu.memory_space<hbm>>
    tpu.enqueue_dma source(%arg15 : memref<80x128xf32, #tpu.memory_space<vmem>>) target(%dma_start3A_293 : memref<80x128xf32, #tpu.memory_space<hbm>>) target_semaphore(%arg21 : memref<!tpu.dma_semaphore, #tpu.memory_space<semaphore_mem>>)
    %mul3A_294 = arith.constant 640 : i32
    %mul3A_295 = arith.muli %arg1, %mul3A_294 : i32
    %add3A_296 = arith.constant 320 : i32
    %add3A_297 = arith.addi %mul3A_295, %add3A_296 : i32
    %dma_wait3A_298 = arith.constant 0 : i32
    %dma_wait3A_299 = tpu.memref_slice %arg8[%arg0, %add3A_297, %dma_wait3A_298] : memref<2x10240x128xf32, #tpu.memory_space<hbm>> -> memref<1x80x128xf32, #tpu.memory_space<hbm>>
    %dma_wait3A_300 = tpu.memref_squeeze %dma_wait3A_299 : memref<1x80x128xf32, #tpu.memory_space<hbm>> -> memref<80x128xf32, #tpu.memory_space<hbm>>
    %dma_wait3A_301 = arith.constant 0 : i32
    %dma_wait3A_302 = tpu.memref_slice %arg8[%arg0, %add3A_297, %dma_wait3A_301] : memref<2x10240x128xf32, #tpu.memory_space<hbm>> -> memref<1x80x128xf32, #tpu.memory_space<hbm>>
    %dma_wait3A_303 = tpu.memref_squeeze %dma_wait3A_302 : memref<1x80x128xf32, #tpu.memory_space<hbm>> -> memref<80x128xf32, #tpu.memory_space<hbm>>
    tpu.wait_dma2 semaphore(%arg20 : memref<!tpu.dma_semaphore, #tpu.memory_space<semaphore_mem>>) src(%arg14 : memref<80x128xf32, #tpu.memory_space<vmem>>) dst(%dma_wait3A_303 : memref<80x128xf32, #tpu.memory_space<hbm>>)
    %mul3A_304 = arith.constant 640 : i32
    %mul3A_305 = arith.muli %arg1, %mul3A_304 : i32
    %add3A_306 = arith.constant 480 : i32
    %add3A_307 = arith.addi %mul3A_305, %add3A_306 : i32
    "tpu.region"() ({
      %run_scoped3A = tpu.sem_alloc : memref<!tpu.dma_semaphore, #tpu.memory_space<semaphore_mem>>
      %dma_start3A_369 = arith.constant 0 : i32
      %dma_start3A_370 = tpu.memref_slice %arg18[%add3A_307, %dma_start3A_369] : memref<10240x128xf32, #tpu.memory_space<vmem_shared>> -> memref<80x128xf32, #tpu.memory_space<vmem_shared>>
      %dma_start3A_371 = arith.constant 0 : i32
      %dma_start3A_372 = tpu.memref_slice %arg18[%add3A_307, %dma_start3A_371] : memref<10240x128xf32, #tpu.memory_space<vmem_shared>> -> memref<80x128xf32, #tpu.memory_space<vmem_shared>>
      tpu.enqueue_dma source(%dma_start3A_372 : memref<80x128xf32, #tpu.memory_space<vmem_shared>>) target(%arg14 : memref<80x128xf32, #tpu.memory_space<vmem>>) target_semaphore(%run_scoped3A : memref<!tpu.dma_semaphore, #tpu.memory_space<semaphore_mem>>)
      %dma_wait3A_373 = arith.constant 0 : i32
      %dma_wait3A_374 = tpu.memref_slice %arg18[%add3A_307, %dma_wait3A_373] : memref<10240x128xf32, #tpu.memory_space<vmem_shared>> -> memref<80x128xf32, #tpu.memory_space<vmem_shared>>
      %dma_wait3A_375 = arith.constant 0 : i32
      %dma_wait3A_376 = tpu.memref_slice %arg18[%add3A_307, %dma_wait3A_375] : memref<10240x128xf32, #tpu.memory_space<vmem_shared>> -> memref<80x128xf32, #tpu.memory_space<vmem_shared>>
      tpu.wait_dma2 semaphore(%run_scoped3A : memref<!tpu.dma_semaphore, #tpu.memory_space<semaphore_mem>>) src(%dma_wait3A_376 : memref<80x128xf32, #tpu.memory_space<vmem_shared>>) dst(%arg14 : memref<80x128xf32, #tpu.memory_space<vmem>>)
      tpu.yield
    }) : () -> ()
    %mul3A_308 = arith.constant 640 : i32
    %mul3A_309 = arith.muli %arg1, %mul3A_308 : i32
    %add3A_310 = arith.constant 480 : i32
    %add3A_311 = arith.addi %mul3A_309, %add3A_310 : i32
    %dma_start3A_312 = arith.constant 0 : i32
    %dma_start3A_313 = tpu.memref_slice %arg8[%arg0, %add3A_311, %dma_start3A_312] : memref<2x10240x128xf32, #tpu.memory_space<hbm>> -> memref<1x80x128xf32, #tpu.memory_space<hbm>>
    %dma_start3A_314 = tpu.memref_squeeze %dma_start3A_313 : memref<1x80x128xf32, #tpu.memory_space<hbm>> -> memref<80x128xf32, #tpu.memory_space<hbm>>
    %dma_start3A_315 = arith.constant 0 : i32
    %dma_start3A_316 = tpu.memref_slice %arg8[%arg0, %add3A_311, %dma_start3A_315] : memref<2x10240x128xf32, #tpu.memory_space<hbm>> -> memref<1x80x128xf32, #tpu.memory_space<hbm>>
    %dma_start3A_317 = tpu.memref_squeeze %dma_start3A_316 : memref<1x80x128xf32, #tpu.memory_space<hbm>> -> memref<80x128xf32, #tpu.memory_space<hbm>>
    tpu.enqueue_dma source(%arg14 : memref<80x128xf32, #tpu.memory_space<vmem>>) target(%dma_start3A_317 : memref<80x128xf32, #tpu.memory_space<hbm>>) target_semaphore(%arg20 : memref<!tpu.dma_semaphore, #tpu.memory_space<semaphore_mem>>)
    %mul3A_318 = arith.constant 640 : i32
    %mul3A_319 = arith.muli %arg1, %mul3A_318 : i32
    %add3A_320 = arith.constant 400 : i32
    %add3A_321 = arith.addi %mul3A_319, %add3A_320 : i32
    %dma_wait3A_322 = arith.constant 0 : i32
    %dma_wait3A_323 = tpu.memref_slice %arg8[%arg0, %add3A_321, %dma_wait3A_322] : memref<2x10240x128xf32, #tpu.memory_space<hbm>> -> memref<1x80x128xf32, #tpu.memory_space<hbm>>
    %dma_wait3A_324 = tpu.memref_squeeze %dma_wait3A_323 : memref<1x80x128xf32, #tpu.memory_space<hbm>> -> memref<80x128xf32, #tpu.memory_space<hbm>>
    %dma_wait3A_325 = arith.constant 0 : i32
    %dma_wait3A_326 = tpu.memref_slice %arg8[%arg0, %add3A_321, %dma_wait3A_325] : memref<2x10240x128xf32, #tpu.memory_space<hbm>> -> memref<1x80x128xf32, #tpu.memory_space<hbm>>
    %dma_wait3A_327 = tpu.memref_squeeze %dma_wait3A_326 : memref<1x80x128xf32, #tpu.memory_space<hbm>> -> memref<80x128xf32, #tpu.memory_space<hbm>>
    tpu.wait_dma2 semaphore(%arg21 : memref<!tpu.dma_semaphore, #tpu.memory_space<semaphore_mem>>) src(%arg15 : memref<80x128xf32, #tpu.memory_space<vmem>>) dst(%dma_wait3A_327 : memref<80x128xf32, #tpu.memory_space<hbm>>)
    %mul3A_328 = arith.constant 640 : i32
    %mul3A_329 = arith.muli %arg1, %mul3A_328 : i32
    %add3A_330 = arith.constant 560 : i32
    %add3A_331 = arith.addi %mul3A_329, %add3A_330 : i32
    "tpu.region"() ({
      %run_scoped3A = tpu.sem_alloc : memref<!tpu.dma_semaphore, #tpu.memory_space<semaphore_mem>>
      %dma_start3A_369 = arith.constant 0 : i32
      %dma_start3A_370 = tpu.memref_slice %arg18[%add3A_331, %dma_start3A_369] : memref<10240x128xf32, #tpu.memory_space<vmem_shared>> -> memref<80x128xf32, #tpu.memory_space<vmem_shared>>
      %dma_start3A_371 = arith.constant 0 : i32
      %dma_start3A_372 = tpu.memref_slice %arg18[%add3A_331, %dma_start3A_371] : memref<10240x128xf32, #tpu.memory_space<vmem_shared>> -> memref<80x128xf32, #tpu.memory_space<vmem_shared>>
      tpu.enqueue_dma source(%dma_start3A_372 : memref<80x128xf32, #tpu.memory_space<vmem_shared>>) target(%arg15 : memref<80x128xf32, #tpu.memory_space<vmem>>) target_semaphore(%run_scoped3A : memref<!tpu.dma_semaphore, #tpu.memory_space<semaphore_mem>>)
      %dma_wait3A_373 = arith.constant 0 : i32
      %dma_wait3A_374 = tpu.memref_slice %arg18[%add3A_331, %dma_wait3A_373] : memref<10240x128xf32, #tpu.memory_space<vmem_shared>> -> memref<80x128xf32, #tpu.memory_space<vmem_shared>>
      %dma_wait3A_375 = arith.constant 0 : i32
      %dma_wait3A_376 = tpu.memref_slice %arg18[%add3A_331, %dma_wait3A_375] : memref<10240x128xf32, #tpu.memory_space<vmem_shared>> -> memref<80x128xf32, #tpu.memory_space<vmem_shared>>
      tpu.wait_dma2 semaphore(%run_scoped3A : memref<!tpu.dma_semaphore, #tpu.memory_space<semaphore_mem>>) src(%dma_wait3A_376 : memref<80x128xf32, #tpu.memory_space<vmem_shared>>) dst(%arg15 : memref<80x128xf32, #tpu.memory_space<vmem>>)
      tpu.yield
    }) : () -> ()
    %mul3A_332 = arith.constant 640 : i32
    %mul3A_333 = arith.muli %arg1, %mul3A_332 : i32
    %add3A_334 = arith.constant 560 : i32
    %add3A_335 = arith.addi %mul3A_333, %add3A_334 : i32
    %dma_start3A_336 = arith.constant 0 : i32
    %dma_start3A_337 = tpu.memref_slice %arg8[%arg0, %add3A_335, %dma_start3A_336] : memref<2x10240x128xf32, #tpu.memory_space<hbm>> -> memref<1x80x128xf32, #tpu.memory_space<hbm>>
    %dma_start3A_338 = tpu.memref_squeeze %dma_start3A_337 : memref<1x80x128xf32, #tpu.memory_space<hbm>> -> memref<80x128xf32, #tpu.memory_space<hbm>>
    %dma_start3A_339 = arith.constant 0 : i32
    %dma_start3A_340 = tpu.memref_slice %arg8[%arg0, %add3A_335, %dma_start3A_339] : memref<2x10240x128xf32, #tpu.memory_space<hbm>> -> memref<1x80x128xf32, #tpu.memory_space<hbm>>
    %dma_start3A_341 = tpu.memref_squeeze %dma_start3A_340 : memref<1x80x128xf32, #tpu.memory_space<hbm>> -> memref<80x128xf32, #tpu.memory_space<hbm>>
    tpu.enqueue_dma source(%arg15 : memref<80x128xf32, #tpu.memory_space<vmem>>) target(%dma_start3A_341 : memref<80x128xf32, #tpu.memory_space<hbm>>) target_semaphore(%arg21 : memref<!tpu.dma_semaphore, #tpu.memory_space<semaphore_mem>>)
    %mul3A_342 = arith.constant 640 : i32
    %mul3A_343 = arith.muli %arg1, %mul3A_342 : i32
    %add3A_344 = arith.constant 480 : i32
    %add3A_345 = arith.addi %mul3A_343, %add3A_344 : i32
    %dma_wait3A_346 = arith.constant 0 : i32
    %dma_wait3A_347 = tpu.memref_slice %arg8[%arg0, %add3A_345, %dma_wait3A_346] : memref<2x10240x128xf32, #tpu.memory_space<hbm>> -> memref<1x80x128xf32, #tpu.memory_space<hbm>>
    %dma_wait3A_348 = tpu.memref_squeeze %dma_wait3A_347 : memref<1x80x128xf32, #tpu.memory_space<hbm>> -> memref<80x128xf32, #tpu.memory_space<hbm>>
    %dma_wait3A_349 = arith.constant 0 : i32
    %dma_wait3A_350 = tpu.memref_slice %arg8[%arg0, %add3A_345, %dma_wait3A_349] : memref<2x10240x128xf32, #tpu.memory_space<hbm>> -> memref<1x80x128xf32, #tpu.memory_space<hbm>>
    %dma_wait3A_351 = tpu.memref_squeeze %dma_wait3A_350 : memref<1x80x128xf32, #tpu.memory_space<hbm>> -> memref<80x128xf32, #tpu.memory_space<hbm>>
    tpu.wait_dma2 semaphore(%arg20 : memref<!tpu.dma_semaphore, #tpu.memory_space<semaphore_mem>>) src(%arg14 : memref<80x128xf32, #tpu.memory_space<vmem>>) dst(%dma_wait3A_351 : memref<80x128xf32, #tpu.memory_space<hbm>>)
    %mul3A_352 = arith.constant 640 : i32
    %mul3A_353 = arith.muli %arg1, %mul3A_352 : i32
    %add3A_354 = arith.constant 560 : i32
    %add3A_355 = arith.addi %mul3A_353, %add3A_354 : i32
    %dma_wait3A_356 = arith.constant 0 : i32
    %dma_wait3A_357 = tpu.memref_slice %arg8[%arg0, %add3A_355, %dma_wait3A_356] : memref<2x10240x128xf32, #tpu.memory_space<hbm>> -> memref<1x80x128xf32, #tpu.memory_space<hbm>>
    %dma_wait3A_358 = tpu.memref_squeeze %dma_wait3A_357 : memref<1x80x128xf32, #tpu.memory_space<hbm>> -> memref<80x128xf32, #tpu.memory_space<hbm>>
    %dma_wait3A_359 = arith.constant 0 : i32
    %dma_wait3A_360 = tpu.memref_slice %arg8[%arg0, %add3A_355, %dma_wait3A_359] : memref<2x10240x128xf32, #tpu.memory_space<hbm>> -> memref<1x80x128xf32, #tpu.memory_space<hbm>>
    %dma_wait3A_361 = tpu.memref_squeeze %dma_wait3A_360 : memref<1x80x128xf32, #tpu.memory_space<hbm>> -> memref<80x128xf32, #tpu.memory_space<hbm>>
    tpu.wait_dma2 semaphore(%arg21 : memref<!tpu.dma_semaphore, #tpu.memory_space<semaphore_mem>>) src(%arg15 : memref<80x128xf32, #tpu.memory_space<vmem>>) dst(%dma_wait3A_361 : memref<80x128xf32, #tpu.memory_space<hbm>>)
    %mul3A_362 = arith.constant 640 : i32
    %mul3A_363 = arith.muli %arg1, %mul3A_362 : i32
    "tpu.region"() ({
      %run_scoped3A = tpu.sem_alloc : memref<!tpu.dma_semaphore, #tpu.memory_space<semaphore_mem>>
      %dma_start3A_369 = tpu.memref_slice %arg19[%mul3A_363] : memref<10240xf32, #tpu.memory_space<vmem_shared>> -> memref<640xf32, #tpu.memory_space<vmem_shared>>
      %dma_start3A_370 = tpu.memref_slice %arg19[%mul3A_363] : memref<10240xf32, #tpu.memory_space<vmem_shared>> -> memref<640xf32, #tpu.memory_space<vmem_shared>>
      tpu.enqueue_dma source(%dma_start3A_370 : memref<640xf32, #tpu.memory_space<vmem_shared>>) target(%arg17 : memref<640xf32, #tpu.memory_space<vmem>>) target_semaphore(%run_scoped3A : memref<!tpu.dma_semaphore, #tpu.memory_space<semaphore_mem>>)
      %dma_wait3A_371 = tpu.memref_slice %arg19[%mul3A_363] : memref<10240xf32, #tpu.memory_space<vmem_shared>> -> memref<640xf32, #tpu.memory_space<vmem_shared>>
      %dma_wait3A_372 = tpu.memref_slice %arg19[%mul3A_363] : memref<10240xf32, #tpu.memory_space<vmem_shared>> -> memref<640xf32, #tpu.memory_space<vmem_shared>>
      tpu.wait_dma2 semaphore(%run_scoped3A : memref<!tpu.dma_semaphore, #tpu.memory_space<semaphore_mem>>) src(%dma_wait3A_372 : memref<640xf32, #tpu.memory_space<vmem_shared>>) dst(%arg17 : memref<640xf32, #tpu.memory_space<vmem>>)
      tpu.yield
    }) : () -> ()
    %mul3A_364 = arith.constant 10240 : i32
    %mul3A_365 = arith.muli %arg0, %mul3A_364 : i32
    %mul3A_366 = arith.constant 640 : i32
    %mul3A_367 = arith.muli %arg1, %mul3A_366 : i32
    %add3A_368 = arith.addi %mul3A_365, %mul3A_367 : i32
    "tpu.region"() ({
      %run_scoped3A = tpu.sem_alloc : memref<!tpu.dma_semaphore, #tpu.memory_space<semaphore_mem>>
      %dma_start3A_369 = tpu.memref_slice %arg9[%add3A_368] : memref<20480xf32, #tpu.memory_space<hbm>> -> memref<640xf32, #tpu.memory_space<hbm>>
      %dma_start3A_370 = tpu.memref_slice %arg9[%add3A_368] : memref<20480xf32, #tpu.memory_space<hbm>> -> memref<640xf32, #tpu.memory_space<hbm>>
      tpu.enqueue_dma source(%arg17 : memref<640xf32, #tpu.memory_space<vmem>>) target(%dma_start3A_370 : memref<640xf32, #tpu.memory_space<hbm>>) target_semaphore(%run_scoped3A : memref<!tpu.dma_semaphore, #tpu.memory_space<semaphore_mem>>)
      %dma_wait3A_371 = tpu.memref_slice %arg9[%add3A_368] : memref<20480xf32, #tpu.memory_space<hbm>> -> memref<640xf32, #tpu.memory_space<hbm>>
      %dma_wait3A_372 = tpu.memref_slice %arg9[%add3A_368] : memref<20480xf32, #tpu.memory_space<hbm>> -> memref<640xf32, #tpu.memory_space<hbm>>
      tpu.wait_dma2 semaphore(%run_scoped3A : memref<!tpu.dma_semaphore, #tpu.memory_space<semaphore_mem>>) src(%arg17 : memref<640xf32, #tpu.memory_space<vmem>>) dst(%dma_wait3A_372 : memref<640xf32, #tpu.memory_space<hbm>>)
      tpu.yield
    }) : () -> ()
    return
  }
}

module attributes {stable_mosaic.version = 14 : i64} {
  func.func @_linr_body(%arg0: i32, %arg1: memref<400x128xf32, #tpu.memory_space<vmem>>, %arg2: memref<128x128xf32, #tpu.memory_space<vmem>>, %arg3: memref<8x128xf32, #tpu.memory_space<vmem>>, %arg4: memref<400x128xf32, #tpu.memory_space<vmem>>) attributes {dimension_semantics = [#tpu.dimension_semantics<arbitrary>], iteration_bounds = array<i64: 25>, scalar_prefetch = 0 : i64, scratch_operands = 0 : i64, tpu.core_type = #tpu.core_type<tc>, window_params = [{transform_indices = @transform_0, window_bounds = array<i64: 400, 128>}, {pipeline_mode = #tpu.pipeline_mode<synchronous>, transform_indices = @transform_1, window_bounds = array<i64: 128, 128>}, {pipeline_mode = #tpu.pipeline_mode<synchronous>, transform_indices = @transform_2, window_bounds = array<i64: 8, 128>}, {transform_indices = @transform_3, window_bounds = array<i64: 400, 128>}]} {
    %get3A = arith.constant 0 : index
    %get3A_0 = arith.constant 0 : index
    %get3A_1 = vector.load %arg1[%get3A, %get3A_0] : memref<400x128xf32, #tpu.memory_space<vmem>>, vector<400x128xf32>
    %get3A_2 = arith.constant 0 : index
    %get3A_3 = arith.constant 0 : index
    %get3A_4 = vector.load %arg2[%get3A_2, %get3A_3] : memref<128x128xf32, #tpu.memory_space<vmem>>, vector<128x128xf32>
    %dot_general3A = arith.constant dense<0.000000e+00> : vector<400x128xf32>
    %dot_general3A_5 = tpu.matmul %get3A_1, %get3A_4, %dot_general3A {dimension_numbers = #tpu.dot_dimension_numbers<[1], [1], [0], [0], [0, 0, 1, 0], [], []>, transpose_lhs_hint = false} : vector<400x128xf32>, vector<128x128xf32>, vector<400x128xf32> -> vector<400x128xf32>
    %get3A_6 = arith.constant 0 : index
    %get3A_7 = arith.constant 0 : index
    %get3A_8 = vector.load %arg3[%get3A_6, %get3A_7] : memref<8x128xf32, #tpu.memory_space<vmem>>, vector<1x128xf32>
    %add3A = vector.broadcast %get3A_8 : vector<1x128xf32> to vector<400x128xf32>
    %add3A_9 = arith.addf %dot_general3A_5, %add3A : vector<400x128xf32>
    %swap3A = arith.constant 0 : index
    %swap3A_10 = arith.constant 0 : index
    %swap3A_11 = vector.load %arg4[%swap3A, %swap3A_10] : memref<400x128xf32, #tpu.memory_space<vmem>>, vector<400x128xf32>
    tpu.vector_store %arg4[%swap3A, %swap3A_10], %add3A_9 {strides = array<i32>} : memref<400x128xf32, #tpu.memory_space<vmem>>, vector<400x128xf32>,
    return
  }
  func.func @transform_0(%arg0: i32) -> (i32, i32) {
    %c0_i32 = arith.constant 0 : i32
    %c0_i32_0 = arith.constant 0 : i32
    return %arg0, %c0_i32 : i32, i32
  }
  func.func @transform_1(%arg0: i32) -> (i32, i32) {
    %c0_i32 = arith.constant 0 : i32
    %c0_i32_0 = arith.constant 0 : i32
    %c0_i32_1 = arith.constant 0 : i32
    return %c0_i32, %c0_i32_0 : i32, i32
  }
  func.func @transform_2(%arg0: i32) -> (i32, i32) {
    %c0_i32 = arith.constant 0 : i32
    %c0_i32_0 = arith.constant 0 : i32
    %c0_i32_1 = arith.constant 0 : i32
    return %c0_i32, %c0_i32_0 : i32, i32
  }
  func.func @transform_3(%arg0: i32) -> (i32, i32) {
    %c0_i32 = arith.constant 0 : i32
    %c0_i32_0 = arith.constant 0 : i32
    return %arg0, %c0_i32 : i32, i32
  }
}

module attributes {stable_mosaic.version = 14 : i64} {
  func.func @_combine_body(%arg0: i32, %arg1: memref<2x400x128xf32, #tpu.memory_space<vmem>>, %arg2: memref<2x400x1xf32, #tpu.memory_space<vmem>>, %arg3: memref<400x128xf32, #tpu.memory_space<vmem>>, %arg4: memref<128x128xf32, #tpu.memory_space<vmem>>, %arg5: memref<400x128xf32, #tpu.memory_space<vmem>>) attributes {dimension_semantics = [#tpu.dimension_semantics<arbitrary>], iteration_bounds = array<i64: 25>, scalar_prefetch = 0 : i64, scratch_operands = 0 : i64, tpu.core_type = #tpu.core_type<tc>, window_params = [{transform_indices = @transform_0, window_bounds = array<i64: 2, 400, 128>}, {transform_indices = @transform_1, window_bounds = array<i64: 2, 400, 1>}, {transform_indices = @transform_2, window_bounds = array<i64: 400, 128>}, {pipeline_mode = #tpu.pipeline_mode<synchronous>, transform_indices = @transform_3, window_bounds = array<i64: 128, 128>}, {transform_indices = @transform_4, window_bounds = array<i64: 400, 128>}]} {
    %get3A = arith.constant 0 : index
    %get3A_0 = arith.constant 0 : index
    %get3A_1 = arith.constant 0 : index
    %get3A_2 = vector.load %arg1[%get3A, %get3A_0, %get3A_1] : memref<2x400x128xf32, #tpu.memory_space<vmem>>, vector<1x400x128xf32>
    %get3A_3 = vector.shape_cast %get3A_2 : vector<1x400x128xf32> to vector<400x128xf32>
    %get3A_4 = arith.constant 1 : index
    %get3A_5 = arith.constant 0 : index
    %get3A_6 = arith.constant 0 : index
    %get3A_7 = vector.load %arg1[%get3A_4, %get3A_5, %get3A_6] : memref<2x400x128xf32, #tpu.memory_space<vmem>>, vector<1x400x128xf32>
    %get3A_8 = vector.shape_cast %get3A_7 : vector<1x400x128xf32> to vector<400x128xf32>
    %add3A = arith.addf %get3A_3, %get3A_8 : vector<400x128xf32>
    %get3A_9 = arith.constant 0 : index
    %get3A_10 = arith.constant 0 : index
    %get3A_11 = arith.constant 0 : index
    %get3A_12 = vector.load %arg2[%get3A_9, %get3A_10, %get3A_11] : memref<2x400x1xf32, #tpu.memory_space<vmem>>, vector<1x400x1xf32>
    %get3A_13 = vector.shape_cast %get3A_12 : vector<1x400x1xf32> to vector<400x1xf32>
    %get3A_14 = arith.constant 1 : index
    %get3A_15 = arith.constant 0 : index
    %get3A_16 = arith.constant 0 : index
    %get3A_17 = vector.load %arg2[%get3A_14, %get3A_15, %get3A_16] : memref<2x400x1xf32, #tpu.memory_space<vmem>>, vector<1x400x1xf32>
    %get3A_18 = vector.shape_cast %get3A_17 : vector<1x400x1xf32> to vector<400x1xf32>
    %add3A_19 = arith.addf %get3A_13, %get3A_18 : vector<400x1xf32>
    %max3A = arith.constant 1.000000e+00 : f32
    %max3A_20 = vector.broadcast %max3A : f32 to vector<400x1xf32>
    %max3A_21 = arith.maximumf %add3A_19, %max3A_20 : vector<400x1xf32>
    %div3A = vector.broadcast %max3A_21 : vector<400x1xf32> to vector<400x128xf32>
    %div3A_22 = arith.divf %add3A, %div3A : vector<400x128xf32>
    %get3A_23 = arith.constant 0 : index
    %get3A_24 = arith.constant 0 : index
    %get3A_25 = vector.load %arg4[%get3A_23, %get3A_24] : memref<128x128xf32, #tpu.memory_space<vmem>>, vector<128x128xf32>
    %dot_general3A = arith.constant dense<0.000000e+00> : vector<400x128xf32>
    %dot_general3A_26 = tpu.matmul %div3A_22, %get3A_25, %dot_general3A {dimension_numbers = #tpu.dot_dimension_numbers<[1], [1], [0], [0], [0, 0, 1, 0], [], []>, transpose_lhs_hint = false} : vector<400x128xf32>, vector<128x128xf32>, vector<400x128xf32> -> vector<400x128xf32>
    %get3A_27 = arith.constant 0 : index
    %get3A_28 = arith.constant 0 : index
    %get3A_29 = vector.load %arg3[%get3A_27, %get3A_28] : memref<400x128xf32, #tpu.memory_space<vmem>>, vector<400x128xf32>
    %add3A_30 = arith.addf %dot_general3A_26, %get3A_29 : vector<400x128xf32>
    %max3A_31 = arith.constant 0.000000e+00 : f32
    %max3A_32 = vector.broadcast %max3A_31 : f32 to vector<400x128xf32>
    %max3A_33 = arith.maximumf %add3A_30, %max3A_32 : vector<400x128xf32>
    %swap3A = arith.constant 0 : index
    %swap3A_34 = arith.constant 0 : index
    %swap3A_35 = vector.load %arg5[%swap3A, %swap3A_34] : memref<400x128xf32, #tpu.memory_space<vmem>>, vector<400x128xf32>
    tpu.vector_store %arg5[%swap3A, %swap3A_34], %max3A_33 {strides = array<i32>} : memref<400x128xf32, #tpu.memory_space<vmem>>, vector<400x128xf32>,
    return
  }
  func.func @transform_0(%arg0: i32) -> (i32, i32, i32) {
    %c0_i32 = arith.constant 0 : i32
    %c0_i32_0 = arith.constant 0 : i32
    %c0_i32_1 = arith.constant 0 : i32
    return %c0_i32, %arg0, %c0_i32_0 : i32, i32, i32
  }
  func.func @transform_1(%arg0: i32) -> (i32, i32, i32) {
    %c0_i32 = arith.constant 0 : i32
    %c0_i32_0 = arith.constant 0 : i32
    %c0_i32_1 = arith.constant 0 : i32
    return %c0_i32, %arg0, %c0_i32_0 : i32, i32, i32
  }
  func.func @transform_2(%arg0: i32) -> (i32, i32) {
    %c0_i32 = arith.constant 0 : i32
    %c0_i32_0 = arith.constant 0 : i32
    return %arg0, %c0_i32 : i32, i32
  }
  func.func @transform_3(%arg0: i32) -> (i32, i32) {
    %c0_i32 = arith.constant 0 : i32
    %c0_i32_0 = arith.constant 0 : i32
    %c0_i32_1 = arith.constant 0 : i32
    return %c0_i32, %c0_i32_0 : i32, i32
  }
  func.func @transform_4(%arg0: i32) -> (i32, i32) {
    %c0_i32 = arith.constant 0 : i32
    %c0_i32_0 = arith.constant 0 : i32
    return %arg0, %c0_i32 : i32, i32
  }
}

module attributes {stable_mosaic.version = 14 : i64} {
  func.func @_combine_body(%arg0: i32, %arg1: memref<2x400x128xf32, #tpu.memory_space<vmem>>, %arg2: memref<2x400x1xf32, #tpu.memory_space<vmem>>, %arg3: memref<400x128xf32, #tpu.memory_space<vmem>>, %arg4: memref<128x128xf32, #tpu.memory_space<vmem>>, %arg5: memref<400x128xf32, #tpu.memory_space<vmem>>) attributes {dimension_semantics = [#tpu.dimension_semantics<arbitrary>], iteration_bounds = array<i64: 25>, scalar_prefetch = 0 : i64, scratch_operands = 0 : i64, tpu.core_type = #tpu.core_type<tc>, window_params = [{transform_indices = @transform_0, window_bounds = array<i64: 2, 400, 128>}, {transform_indices = @transform_1, window_bounds = array<i64: 2, 400, 1>}, {transform_indices = @transform_2, window_bounds = array<i64: 400, 128>}, {pipeline_mode = #tpu.pipeline_mode<synchronous>, transform_indices = @transform_3, window_bounds = array<i64: 128, 128>}, {transform_indices = @transform_4, window_bounds = array<i64: 400, 128>}]} {
    %get3A = arith.constant 0 : index
    %get3A_0 = arith.constant 0 : index
    %get3A_1 = arith.constant 0 : index
    %get3A_2 = vector.load %arg1[%get3A, %get3A_0, %get3A_1] : memref<2x400x128xf32, #tpu.memory_space<vmem>>, vector<1x400x128xf32>
    %get3A_3 = vector.shape_cast %get3A_2 : vector<1x400x128xf32> to vector<400x128xf32>
    %get3A_4 = arith.constant 1 : index
    %get3A_5 = arith.constant 0 : index
    %get3A_6 = arith.constant 0 : index
    %get3A_7 = vector.load %arg1[%get3A_4, %get3A_5, %get3A_6] : memref<2x400x128xf32, #tpu.memory_space<vmem>>, vector<1x400x128xf32>
    %get3A_8 = vector.shape_cast %get3A_7 : vector<1x400x128xf32> to vector<400x128xf32>
    %add3A = arith.addf %get3A_3, %get3A_8 : vector<400x128xf32>
    %get3A_9 = arith.constant 0 : index
    %get3A_10 = arith.constant 0 : index
    %get3A_11 = arith.constant 0 : index
    %get3A_12 = vector.load %arg2[%get3A_9, %get3A_10, %get3A_11] : memref<2x400x1xf32, #tpu.memory_space<vmem>>, vector<1x400x1xf32>
    %get3A_13 = vector.shape_cast %get3A_12 : vector<1x400x1xf32> to vector<400x1xf32>
    %get3A_14 = arith.constant 1 : index
    %get3A_15 = arith.constant 0 : index
    %get3A_16 = arith.constant 0 : index
    %get3A_17 = vector.load %arg2[%get3A_14, %get3A_15, %get3A_16] : memref<2x400x1xf32, #tpu.memory_space<vmem>>, vector<1x400x1xf32>
    %get3A_18 = vector.shape_cast %get3A_17 : vector<1x400x1xf32> to vector<400x1xf32>
    %add3A_19 = arith.addf %get3A_13, %get3A_18 : vector<400x1xf32>
    %max3A = arith.constant 1.000000e+00 : f32
    %max3A_20 = vector.broadcast %max3A : f32 to vector<400x1xf32>
    %max3A_21 = arith.maximumf %add3A_19, %max3A_20 : vector<400x1xf32>
    %div3A = vector.broadcast %max3A_21 : vector<400x1xf32> to vector<400x128xf32>
    %div3A_22 = arith.divf %add3A, %div3A : vector<400x128xf32>
    %get3A_23 = arith.constant 0 : index
    %get3A_24 = arith.constant 0 : index
    %get3A_25 = vector.load %arg4[%get3A_23, %get3A_24] : memref<128x128xf32, #tpu.memory_space<vmem>>, vector<128x128xf32>
    %dot_general3A = arith.constant dense<0.000000e+00> : vector<400x128xf32>
    %dot_general3A_26 = tpu.matmul %div3A_22, %get3A_25, %dot_general3A {dimension_numbers = #tpu.dot_dimension_numbers<[1], [1], [0], [0], [0, 0, 1, 0], [], []>, transpose_lhs_hint = false} : vector<400x128xf32>, vector<128x128xf32>, vector<400x128xf32> -> vector<400x128xf32>
    %get3A_27 = arith.constant 0 : index
    %get3A_28 = arith.constant 0 : index
    %get3A_29 = vector.load %arg3[%get3A_27, %get3A_28] : memref<400x128xf32, #tpu.memory_space<vmem>>, vector<400x128xf32>
    %add3A_30 = arith.addf %dot_general3A_26, %get3A_29 : vector<400x128xf32>
    %swap3A = arith.constant 0 : index
    %swap3A_31 = arith.constant 0 : index
    %swap3A_32 = vector.load %arg5[%swap3A, %swap3A_31] : memref<400x128xf32, #tpu.memory_space<vmem>>, vector<400x128xf32>
    tpu.vector_store %arg5[%swap3A, %swap3A_31], %add3A_30 {strides = array<i32>} : memref<400x128xf32, #tpu.memory_space<vmem>>, vector<400x128xf32>,
    return
  }
  func.func @transform_0(%arg0: i32) -> (i32, i32, i32) {
    %c0_i32 = arith.constant 0 : i32
    %c0_i32_0 = arith.constant 0 : i32
    %c0_i32_1 = arith.constant 0 : i32
    return %c0_i32, %arg0, %c0_i32_0 : i32, i32, i32
  }
  func.func @transform_1(%arg0: i32) -> (i32, i32, i32) {
    %c0_i32 = arith.constant 0 : i32
    %c0_i32_0 = arith.constant 0 : i32
    %c0_i32_1 = arith.constant 0 : i32
    return %c0_i32, %arg0, %c0_i32_0 : i32, i32, i32
  }
  func.func @transform_2(%arg0: i32) -> (i32, i32) {
    %c0_i32 = arith.constant 0 : i32
    %c0_i32_0 = arith.constant 0 : i32
    return %arg0, %c0_i32 : i32, i32
  }
  func.func @transform_3(%arg0: i32) -> (i32, i32) {
    %c0_i32 = arith.constant 0 : i32
    %c0_i32_0 = arith.constant 0 : i32
    %c0_i32_1 = arith.constant 0 : i32
    return %c0_i32, %c0_i32_0 : i32, i32
  }
  func.func @transform_4(%arg0: i32) -> (i32, i32) {
    %c0_i32 = arith.constant 0 : i32
    %c0_i32_0 = arith.constant 0 : i32
    return %arg0, %c0_i32 : i32, i32
  }
}

</mosaic_0001>

<sc_bundles>
// kernel: kernel.11.cloned.1.call-start
scs
__scs_entry_jumppad:
0x0: {  	(pc) =	sbr.rel $0x88, $3  }
0x1: {  	(tag) =	ssettag $0x0;
	lr =	simm.s32 $0x1  }
0x2: {  	[smem:$0x3F99] =	sst lr;
	_ =	strace $0xD0000000  }
0x3: {  	_ = 	snop  }
0x4: {  	_ = 	snop  }
0x5: {  	_ = 	snop  }
0x6: {  	_ = 	snop  }
0x7: {  	_ = 	snop  }
__scs_overlays_trampoline_lowered:
0x8: {  	[smem:$0x3FA8] =	sst s0  }
0x9: {  	[smem:$0x3FA9] =	sst s1  }
0xa: {  	[smem:$0x3FAA] =	sst s2  }
0xb: {  	[smem:$0x3FAB] =	sst s3  }
0xc: {  	[smem:$0x3FAC] =	sst s4  }
0xd: {  	[smem:$0x3FAD] =	sst s5  }
0xe: {  	[smem:$0x3FAE] =	sst s6  }
0xf: {  	[smem:$0x3FAF] =	sst s7  }
0x10: {  	[smem:$0x3FB0] =	sst s8  }
0x11: {  	[smem:$0x3FB1] =	sst s9;
	s0 =	simm.s32 @!p0 $0x0  }
0x12: {  	s1 =	sld [smem:$0x3F97];
	s0 =	simm.s32 @p0 $0x1  }
0x13: {  	[smem:$0x3FB2] =	sst s0;
	s0 =	simm.s32 @!p1 $0x0  }
0x14: {  	s2 =	sld [smem:$0x3F96];
	s0 =	simm.s32 @p1 $0x1  }
0x15: {  	[smem:$0x3FB3] =	sst s0;
	s0 =	simm.s32 @!p2 $0x0  }
0x16: {  	s3 =	sld [smem:$0x3FDB];
	s0 =	simm.s32 @p2 $0x1  }
0x17: {  	s4 =	simm.s32 $0x1BF5;
	[smem:$0x3FB5] =	sst s0  }
0x18: {  	s0 =	sld [smem:$0x3F98];
	_ =	swait.ge [sflag:s4], $0x0  }
0x19: {  	s7 =	sld [smem:$0x3F99]  }
0x1a: {  	s8 =	sadd.s32 $0xFFFFE003, lr  }
0x1b: {  	s9 =	sadd.s32 $0xFFFFFEF7, lr;
	s5 =	simm.s32 $0xFFFFFFFF;
	p2 =	slt.u32 s8, $0xFFFFF086  }
0x1c: {  	p1 =	slt.u32 s9, $0xF7A;
	s5 =	simm.s32 @!p2 $0x0  }
0x1d: {  	s5 =	simm.s32 @p1 $0x1;
	p0 =	seq.s32 s7, s2  }
0x1e: {  	s7 =	smul.u32 @!p0 $0xF7A, s2;
	p2 =	seq.s32 @!p0 s5, $0x0  }
0x1f: {  	s9 =	smul.u32 $0xF7A, s1;
	s8 =	simm.s32 @!p0 $0x1BF5;
	p2 =	por !p2, p0  }
0x20: {  	[sflag:s8] =	ssyncset.s32 @!p0 $0xFFFFF086;
	s6 =	sadd.s32 @!p0 s3, s7;
	s7 =	simm.s32 @!p0 $0x108  }
0x21: {  	s3 =	sadd.s32 s3, s9;
	s6 =	sadd.s32 @!p0 $0x88, s6;
	s7 =	simm.s32 @p2 $0x1082  }
0x22: {  	[simem:s7], [sflag:s8] =	dma.local @!p0 [hbm:s6], $0xF7A  }
0x23: {  	s9 =	sor.u32 $0xD0000000, s2;
	s6 =	simm.s32 $0x108;
	_ =	swait.ge @!p0 [sflag:s8], $0x0  }
0x24: {  	s3 =	sadd.s32 $0x88, s3;
	s6 =	simm.s32 @!p1 $0x1082;
	[sflag:s4] =	ssyncset.s32 $0xFFFFF086  }
0x25: {  	[simem:s6], [sflag:s4] =	dma.local [hbm:s3], $0xF7A  }
0x26: {  	[smem:$0x3F99] =	sst s1;
	(tag) =	ssettag s2;
	_ =	strace s9  }
0x27: {  	s1 =	sld [smem:$0x3FA9]  }
0x28: {  	s2 =	sld [smem:$0x3FAA]  }
0x29: {  	s4 =	sld [smem:$0x3FAC]  }
0x2a: {  	p0 =	seq.s32 s5, $0x0;
	s5 =	sld [smem:$0x3FAD]  }
0x2b: {  	s6 =	sld [smem:$0x3FAE]  }
0x2c: {  	s7 =	sld [smem:$0x3FAF]  }
0x2d: {  	s3 =	simm.s32 $0x108;
	s8 =	sld [smem:$0x3FB0]  }
0x2e: {  	s3 =	simm.s32 @!p0 $0x1082;
	s9 =	sld [smem:$0x3FB1]  }
0x2f: {  	lr =	sadd.s32 s0, s3;
	s0 =	sld [smem:$0x3FA8]  }
0x30: {  	s3 =	sld [smem:$0x3FAB]  }
0x31: {  	[smem:$0x3FB4] =	sst s10  }
0x32: {  	s10 =	sld [smem:$0x3FB2];
	_ =	sdelay $0x3  }
0x33: {  	p0 =	seq.s32 s10, $0x1;
	s10 =	sld [smem:$0x3FB4];
	_ =	sdelay $0x3  }
0x34: {  	[smem:$0x3FB4] =	sst s10  }
0x35: {  	s10 =	sld [smem:$0x3FB3];
	_ =	sdelay $0x3  }
0x36: {  	p1 =	seq.s32 s10, $0x1;
	s10 =	sld [smem:$0x3FB4];
	_ =	sdelay $0x3  }
0x37: {  	[smem:$0x3FB4] =	sst s10  }
0x38: {  	s10 =	sld [smem:$0x3FB5]  }
0x39: {  	_ = 	snop;
	(pc) =	sbr.ind lr, $3  }
0x3a: {  	_ = 	snop  }
0x3b: {  	_ = 	snop  }
0x3c: {  	p2 =	seq.s32 s10, $0x1;
	s10 =	sld [smem:$0x3FB4]  }
0x3d: {  	_ =	shalt  }
0x3e: {  	_ =	shalt  }
0x3f: {  	_ =	shalt  }
0x40: {  	_ =	shalt  }
0x41: {  	_ =	shalt  }
0x42: {  	_ =	shalt  }
0x43: {  	_ =	shalt  }
0x44: {  	_ =	shalt  }
0x45: {  	_ =	shalt  }
0x46: {  	_ =	shalt  }
0x47: {  	_ =	shalt  }
0x48: {  	_ =	shalt  }
0x49: {  	_ =	shalt  }
0x4a: {  	_ =	shalt  }
0x4b: {  	_ =	shalt  }
0x4c: {  	_ =	shalt  }
0x4d: {  	_ =	shalt  }
0x4e: {  	_ =	shalt  }
0x4f: {  	_ =	shalt  }
0x50: {  	_ =	shalt  }
0x51: {  	_ =	shalt  }
0x52: {  	_ =	shalt  }
0x53: {  	_ =	shalt  }
0x54: {  	_ =	shalt  }
0x55: {  	_ =	shalt  }
0x56: {  	_ =	shalt  }
0x57: {  	_ =	shalt  }
0x58: {  	_ =	shalt  }
0x59: {  	_ =	shalt  }
0x5a: {  	_ =	shalt  }
0x5b: {  	_ =	shalt  }
0x5c: {  	_ =	shalt  }
0x5d: {  	_ =	shalt  }
0x5e: {  	_ =	shalt  }
0x5f: {  	_ =	shalt  }
0x60: {  	_ =	shalt  }
0x61: {  	_ =	shalt  }
0x62: {  	_ =	shalt  }
0x63: {  	_ =	shalt  }
0x64: {  	_ =	shalt  }
0x65: {  	_ =	shalt  }
0x66: {  	_ =	shalt  }
0x67: {  	_ =	shalt  }
0x68: {  	_ =	shalt  }
0x69: {  	_ =	shalt  }
0x6a: {  	_ =	shalt  }
0x6b: {  	_ =	shalt  }
0x6c: {  	_ =	shalt  }
0x6d: {  	_ =	shalt  }
0x6e: {  	_ =	shalt  }
0x6f: {  	_ =	shalt  }
0x70: {  	_ =	shalt  }
0x71: {  	_ =	shalt  }
0x72: {  	_ =	shalt  }
0x73: {  	_ =	shalt  }
0x74: {  	_ =	shalt  }
0x75: {  	_ =	shalt  }
0x76: {  	_ =	shalt  }
0x77: {  	_ =	shalt  }
0x78: {  	_ =	shalt  }
0x79: {  	_ =	shalt  }
0x7a: {  	_ =	shalt  }
0x7b: {  	_ =	shalt  }
0x7c: {  	_ =	shalt  }
0x7d: {  	_ =	shalt  }
0x7e: {  	_ =	shalt  }
0x7f: {  	_ =	shalt  }
0x80: {  	_ =	shalt  }
0x81: {  	_ =	shalt  }
0x82: {  	_ =	shalt  }
0x83: {  	_ =	shalt  }
0x84: {  	_ =	shalt  }
0x85: {  	_ =	shalt  }
0x86: {  	_ =	shalt  }
0x87: {  	_ =	shalt  }
.Lfunc_end0:
.L_simem_size_0:
called_computation.1_lowered:
.L_overlay_start_0:
0x88: {  	s2 =	sld [smem:$0x3FD9]  }
0x89: {  	s3 =	sld [smem:$0x3FFE];
	_ =	sdelay $0x1  }
0x8a: {  	s1 =	srdreg.scid  }
0x8b: {  	s0 =	sand.u32 $0x1, s1  }
0x8c: {  	s17 =	sshll.u32 s0, $0xA;
	s2 =	sadd.s32 s3, s2  }
0x8d: {  	s2 =	sadd.s32 s2, s17  }
0x8e: {  	[smem:$0x3FC0] =	sst s2  }
0x8f: {  	_ = 	snop  }
0x90: {  	s2 =	sld [smem:$0x3FD0];
	(tm) =	ssettm $0x1  }
0x91: {  	s18 =	sld [smem:$0x3FFB];
	_ =	sdelay $0x3  }
0x92: {  	_ =	strace s18  }
0x93: {  	s3 =	sld [smem:$0x3FFC];
	_ =	sdelay $0x3  }
0x94: {  	_ =	strace s3  }
0x95: {  	s3 =	sld [smem:$0x3FFD];
	_ =	sdelay $0x3  }
0x96: {  	_ =	strace s3  }
0x97: {  	_ =	strace $0x8FFFFFFF  }
0x98: {  	s19 =	sld [smem:$0x3FDB];
	_ =	sdelay $0x1  }
0x99: {  	s4 =	simm.s32 $_scs_section_size  }
0x9a: {  	s5 =	simm.s32 $_size__tile_overlayer_lowered;
	s6 =	simm.s32 $_tile_overlayer_lowered  }
0x9b: {  	s22 =	simm.s32 $0x1BFF;
	s21 =	sshll.u32 s6, $0x1;
	s3 =	sadd.s32 s4, s19  }
0x9c: {  	s7 =	simm.s32 $0x0;
	s20 =	sshll.u32 s5, $0x1;
	s5 =	sadd.s32 s21, s3  }
0x9d: {  	[timem:s7], [sflag:s22] =	dma.local [hbm:s5], s20  }
0x9e: {  	_ =	swait.ge [sflag:s22], s20  }
0x9f: {  	s4 =	ssub.s32 $0x0, s20;
	[sflag:s22] =	ssyncset.done $0x0  }
0xa0: {  	[sflag:s22] =	ssyncadd.s32 s4;
	_ =	sdelay $0x1  }
0xa1: {  	s23 =	simm.s32 $0x1B8B  }
0xa2: {  	_ =	swait.ge [sflag:s23], $0x1  }
0xa3: {  	[sflag:s23] =	ssyncset.done $0x0  }
0xa4: {  	s25 =	simm.s32 $0x1B8E;
	s24 =	sld [smem:$0x3FFE];
	[sflag:s23] =	ssyncadd.s32 $0xFFFFFFFF  }
0xa5: {  	s26 =	simm.s32 $execute0_lowered;
	[smem:$0x3FD2] =	sst s25  }
0xa6: {  	s5 =	sshll.u32 s26, $0x1;
	_ =	strace $0x80000049;
	[dreg:$0x1] =	wrdreg $0xFFFFFFFF  }
0xa7: {  	s28 =	simm.s32 $_size_execute0_lowered;
	s3 =	sadd.s32 s3, s5;
	[dreg:$0x0] =	wrdreg $0x0  }
0xa8: {  	s5 =	sshll.u32 s28, $0x1;
	[dreg:$0x2] =	wrdreg s3  }
0xa9: {  	[dreg:$0x3] =	wrdreg s5  }
0xaa: {  	[dreg:$0x4] =	wrdreg $0xC0  }
0xab: {  	_ =	task [dreg:s7], $0x5FFFF  }
0xac: {  	[dreg:$0x1] =	wrdreg $0xFFFFFFFF  }
0xad: {  	[dreg:$0x0] =	wrdreg $0x60  }
0xae: {  	[dreg:$0x2] =	wrdreg s2  }
0xaf: {  	[dreg:$0x3] =	wrdreg s24  }
0xb0: {  	[dreg:$0x4] =	wrdreg $0x52000  }
0xb1: {  	[dreg:$0x5] =	wrdreg $0x9  }
0xb2: {  	_ =	task.clear_ibuf [dreg:s7], $0x6FFFF;
	_ =	strace $0x90000049  }
0xb3: {  	s29 =	simm.s32 $0x9;
	_ =	strace $0x8000004B  }
0xb4: {  	_ =	swait.ge [sflag:s29], $0x1  }
0xb5: {  	[sflag:s29] =	ssyncadd.s32 $0xFFFFFFFF  }
0xb6: {  	_ =	strace $0x9000004B  }
0xb7: {  	_ =	sfence  }
0xb8: {  	s30 =	sld [smem:$0x0];
	_ =	sdelay $0x2  }
0xb9: {  	s31 =	sshll.u32 s1, $0xD;
	s1 =	sshrl.u32 s1, $0x2  }
0xba: {  	s3 =	sand.u32 $0x4000, s31;
	s1 =	sadd.s32 s1, s30  }
0xbb: {  	s0 =	sor.u32 s3, s0;
	s1 =	sshll.u32 s1, $0x11  }
0xbc: {  	s0 =	sor.u32 s1, s0  }
0xbd: {  	s0 =	sadd.s32 $0x8F2B, s0  }
0xbe: {  	[sflag:s0] =	ssyncadd.remote.s32 $0x1  }
0xbf: {  	_ =	sfence.sel $0xFFFF  }
0xc0: {  	[dreg:$0x0] =	wrdreg $0xFFFFFFFF;
	(pc) =	sbr.abs _section_cstart, $3  }
0xc1: {  	[dreg:$0x1] =	wrdreg $0xFFFFFFFF  }
0xc2: {  	_ =	task.clear_ibuf [dreg:s7], $0x2FFFF;
	_ =	strace $0x9FFFFFFF  }
0xc3: {  	(tm) =	ssettm $0x7FFFFFFF  }
tec
execute0_lowered:
.L_overlay_start_1:
0x0: {  	(tag) =	ssettag $0x1  }
0x1: {  	s1 =	rddreg [dreg:$0x0]  }
0x2: {  	s0 =	rddreg [dreg:$0x1]  }
0x3: {  	s3 =	rddreg [dreg:$0x2]  }
0x4: {  	s2 =	srdreg.scid;
	s4 =	simm.s32 $0x0;
	s18 =	stileid.u32  }
0x5: {  	s28 =	simm.s32 $0x5;
	s29 =	simm.s32 $0x2;
	s2 =	sand.u32 $0x1, s2  }
0x6: {  	[smem:$0x7FF] =	sst s4;
	s6 =	smul.u32 $0x14000, s18;
	s7 =	sadd.s32 $0x16200, s0  }
0x7: {  	s5 =	ssub.s32 $0x2, s2;
	_ =	strace $0x8000004A;
	s12 =	smul.u32 $0x140000, s2  }
0x8: {  	s8 =	sshrl.u32 s5, $0x1;
	s9 =	sadd.s32 $0x5000, s6;
	s10 =	sadd.s32 $0x7800, s6  }
0x9: {  	s11 =	sadd.s32 $0xA000, s6;
	s15 =	sadd.s32 $0xC800, s6;
	s16 =	sadd.s32 $0xF000, s6  }
0xa: {  	s17 =	sadd.s32 $0x11800, s6;
	s5 =	ssub.s32 s5, s8;
	s8 =	sor.u32 $0x2800, s6  }
0xb: {  	s6 =	sadd.s32 s6, s12;
	s14 =	sadd.s32 s12, s9;
	s24 =	sadd.s32 s12, s10  }
0xc: {  	s25 =	sadd.s32 s12, s11;
	s26 =	sadd.s32 s12, s15;
	s21 =	sadd.s32 s12, s16  }
0xd: {  	s30 =	sadd.s32 s16, s3;
	s31 =	sadd.s32 s17, s3;
	s13 =	sadd.s32 s12, s8  }
0xe: {  	s6 =	sshrl.u32 s6, $0x3;
	s14 =	sshrl.u32 s14, $0x3;
	[dreg:$0xe] =	wrdreg s30  }
0xf: {  	s12 =	sadd.s32 s12, s17;
	s5 =	smax.u32 s5, $0x1;
	[dreg:$0xf] =	wrdreg s31  }
0x10: {  	s13 =	sshrl.u32 s13, $0x3;
	s6 =	sadd.s32 s7, s6;
	[dreg:$0x14] =	wrdreg s5  }
0x11: {  	s23 =	sadd.s32 s7, s14;
	s14 =	sshrl.u32 s26, $0x3;
	[dreg:$0x4] =	wrdreg s6  }
0x12: {  	s12 =	sshrl.u32 s12, $0x3;
	s22 =	sadd.s32 s7, s13;
	[dreg:$0x6] =	wrdreg s23  }
0x13: {  	s6 =	sshrl.u32 s24, $0x3;
	s13 =	sshrl.u32 s25, $0x3;
	s23 =	smul.u32 $0x2710, s18  }
0x14: {  	s20 =	sadd.s32 s7, s14;
	s24 =	sadd.s32 s7, s12;
	s25 =	smul.u32 $0x50000, s18  }
0x15: {  	s14 =	sadd.s32 $0x2000, s0;
	[dreg:$0x5] =	wrdreg s22;
	s6 =	sadd.s32 s7, s6  }
0x16: {  	s19 =	sadd.s32 s7, s13;
	[dreg:$0x9] =	wrdreg s20;
	s22 =	smul.u32 $0x27100, s2  }
0x17: {  	[dreg:$0xb] =	wrdreg s24;
	s13 =	sadd.s32 $0xBE00, s0;
	s2 =	sshll.u32 s2, $0x4  }
0x18: {  	s0 =	sadd.s32 $0x15C00, s0;
	s20 =	sadd.s32 s9, s3;
	[dreg:$0x7] =	wrdreg s6  }
0x19: {  	s9 =	simm.s32 $0x100;
	[dreg:$0x8] =	wrdreg s19;
	s6 =	sshrl.u32 s21, $0x3  }
0x1a: {  	s2 =	sor.u32 s18, s2;
	[dreg:$0xc] =	wrdreg s0;
	s19 =	sadd.s32 s8, s3  }
0x1b: {  	s21 =	sadd.s32 s10, s3;
	s8 =	simm.s32 $0x1;
	s10 =	simm.s32 $0x80  }
0x1c: {  	s6 =	sadd.s32 s7, s6;
	s26 =	sadd.s32 s23, s22;
	s22 =	sadd.s32 s11, s3  }
0x1d: {  	s23 =	sadd.s32 s15, s3;
	[dreg:$0xa] =	wrdreg s6;
	s6 =	sshrl.u32 s25, $0x2  }
0x1e: {  	s7 =	simm.s32 $0x7;
	s18 =	sadd.s32 s6, s3;
	s6 =	smul.u32 $0x2710, s2  }
0x1f: {  	s24 =	sadd.s32 $0xF0, s26;
	s26 =	sadd.s32 $0xA0, s26;
	[dreg:$0xd] =	wrdreg s23  }
0x20: {  	s11 =	simm.s32 $0x180;
	[dreg:$0x17] =	wrdreg s26;
	s0 =	sshrl.u32 s6, $0x3  }
0x21: {  	s26 =	simm.s32 $0x3;
	s6 =	simm.s32 $0x200;
	s16 =	sadd.s32 s13, s0  }
0x22: {  	s12 =	sadd.s32 $0xA, s0;
	s17 =	sadd.s32 s14, s0;
	[dreg:$0x12] =	wrdreg s16  }
0x23: {  	s0 =	sadd.s32 $0x4D8, s0;
	s15 =	sadd.s32 s13, s12;
	[dreg:$0x13] =	wrdreg s17  }
0x24: {  	s2 =	sadd.s32 s14, s12;
	s25 =	sadd.s32 s13, s0;
	[dreg:$0x10] =	wrdreg s15  }
0x25: {  	s0 =	sadd.s32 s14, s0;
	s12 =	simm.s32 $0x50;
	[dreg:$0x11] =	wrdreg s2  }
0x26: {  	s16 =	simm.s32 $0x0;
	s2 =	sshrl.u32 s24, $0x3;
	[dreg:$0x15] =	wrdreg s25  }
0x27: {  	[dreg:$0x16] =	wrdreg s0;
	s15 =	simm.s32 $0x4;
	s24 =	simm.s32 $0x6  }
0x28: {  	s25 =	simm.s32 $0x2A00;
	s0 =	sadd.s32 s2, s14;
	s2 =	sadd.s32 s2, s13  }
.LBB2_1:
0x29: {  	s17 =	rddreg [dreg:$0xc]  }
0x2a: {  	[tilespmem:s6], [sflag:$0x7] =	stream.linear.gather [hbm4b:s17+s4], $0x2800, $0x38;
	[tilespmem:$0x19200] =	vst v63  }
0x2b: {  	_ =	swait.ge [sflag:s7], $0x2800  }
0x2c: {  	[sflag:s7] =	ssyncset.done $0x0  }
0x2d: {  	[sflag:s7] =	ssyncadd.s32 $0xFFFFD800  }
0x2e: {  	[spmem:s18] =	stream.linear.scatter [tilespmem:s6], [sflag:$0x1], $0x2800, $0x38;
	[tilespmem:$0x19200] =	vst v63  }
0x2f: {  	_ = 	snop  }
0x30: {  	[spmem:s19] =	stream.linear.scatter [tilespmem:s6], [sflag:$0x1], $0x2800, $0x38;
	[tilespmem:$0x19200] =	vst v63  }
0x31: {  	_ = 	snop  }
0x32: {  	[spmem:s20] =	stream.linear.scatter [tilespmem:s6], [sflag:$0x1], $0x2800, $0x38;
	[tilespmem:$0x19200] =	vst v63  }
0x33: {  	_ = 	snop  }
0x34: {  	[spmem:s21] =	stream.linear.scatter [tilespmem:s6], [sflag:$0x1], $0x2800, $0x38;
	[tilespmem:$0x19200] =	vst v63  }
0x35: {  	s17 =	smov.u32 s22  }
0x36: {  	[spmem:s17] =	stream.linear.scatter [tilespmem:s6], [sflag:$0x1], $0x2800, $0x38;
	[tilespmem:$0x19200] =	vst v63  }
0x37: {  	s22 =	smov.u32 s18;
	s18 =	smov.u32 s23  }
0x38: {  	[spmem:s18] =	stream.linear.scatter [tilespmem:s6], [sflag:$0x1], $0x2800, $0x38;
	[tilespmem:$0x19200] =	vst v63  }
0x39: {  	s23 =	smov.u32 s19;
	s19 =	smov.u32 s30  }
0x3a: {  	[spmem:s19] =	stream.linear.scatter [tilespmem:s6], [sflag:$0x1], $0x2800, $0x38;
	[tilespmem:$0x19200] =	vst v63  }
0x3b: {  	s30 =	smov.u32 s20;
	s20 =	smov.u32 s31  }
0x3c: {  	[spmem:s20] =	stream.linear.scatter [tilespmem:s6], [sflag:$0x1], $0x2800, $0x38;
	[tilespmem:$0x19200] =	vst v63  }
0x3d: {  	_ =	swait.ge [sflag:s8], $0x2800  }
0x3e: {  	[sflag:s8] =	ssyncset.done $0x0  }
0x3f: {  	[sflag:s8] =	ssyncadd.s32 $0xFFFFD800  }
0x40: {  	_ =	swait.ge [sflag:s8], $0x2800  }
0x41: {  	[sflag:s8] =	ssyncset.done $0x0  }
0x42: {  	[sflag:s8] =	ssyncadd.s32 $0xFFFFD800  }
0x43: {  	_ =	swait.ge [sflag:s8], $0x2800  }
0x44: {  	[sflag:s8] =	ssyncset.done $0x0  }
0x45: {  	[sflag:s8] =	ssyncadd.s32 $0xFFFFD800  }
0x46: {  	_ =	swait.ge [sflag:s8], $0x2800  }
0x47: {  	[sflag:s8] =	ssyncset.done $0x0  }
0x48: {  	[sflag:s8] =	ssyncadd.s32 $0xFFFFD800  }
0x49: {  	_ =	swait.ge [sflag:s8], $0x2800  }
0x4a: {  	[sflag:s8] =	ssyncset.done $0x0  }
0x4b: {  	[sflag:s8] =	ssyncadd.s32 $0xFFFFD800  }
0x4c: {  	_ =	swait.ge [sflag:s8], $0x2800  }
0x4d: {  	[sflag:s8] =	ssyncset.done $0x0  }
0x4e: {  	[sflag:s8] =	ssyncadd.s32 $0xFFFFD800  }
0x4f: {  	_ =	swait.ge [sflag:s8], $0x2800  }
0x50: {  	[sflag:s8] =	ssyncset.done $0x0  }
0x51: {  	[sflag:s8] =	ssyncadd.s32 $0xFFFFD800  }
0x52: {  	_ =	swait.ge [sflag:s8], $0x2800  }
0x53: {  	[sflag:s8] =	ssyncset.done $0x0  }
0x54: {  	[sflag:s8] =	ssyncadd.s32 $0xFFFFD800  }
0x55: {  	[bflag:$0x0] =	sbarrier.arrive $0xFFFF  }
0x56: {  	s31 =	smov.u32 s21;
	s21 =	rddreg [dreg:$0x12]  }
0x57: {  	[tilespmem:s4], [sflag:$0x7] =	stream.linear.gather [hbm4b:s21+s4], $0x50, $0x38;
	[tilespmem:$0x19200] =	vst v63  }
0x58: {  	_ =	swait.ge [sflag:s7], $0x50  }
0x59: {  	[sflag:s7] =	ssyncset.done $0x0  }
0x5a: {  	s18 =	rddreg [dreg:$0x13];
	[sflag:s7] =	ssyncadd.s32 $0xFFFFFFB0  }
0x5b: {  	[tilespmem:s9], [sflag:$0x7] =	stream.linear.gather [hbm4b:s18+s4], $0x50, $0x38;
	[tilespmem:$0x19200] =	vst v63  }
0x5c: {  	_ =	swait.ge [sflag:s7], $0x50  }
0x5d: {  	[sflag:s7] =	ssyncset.done $0x0  }
0x5e: {  	s19 =	rddreg [dreg:$0x10];
	[sflag:s7] =	ssyncadd.s32 $0xFFFFFFB0  }
0x5f: {  	[tilespmem:s10], [sflag:$0x4] =	stream.linear.gather [hbm4b:s19+s4], $0x50, $0x38;
	[tilespmem:$0x19200] =	vst v63  }
0x60: {  	s20 =	rddreg [dreg:$0x11]  }
0x61: {  	[tilespmem:s11], [sflag:$0x6] =	stream.linear.gather [hbm4b:s20+s4], $0x50, $0x38;
	[tilespmem:$0x19200] =	vst v63  }
0x62: {  	_ = 	snop  }
0x63: {  	[tilespmem:s6], [sflag:$0x1] =	stream.indirect.gather [hbm4b:s1+s12], $0x80, s4, s12, $0xb8;
	[tilespmem:$0x19200] =	vst v63  }
0x64: {  	_ =	swait.ge [sflag:s15], $0x50  }
0x65: {  	[sflag:s15] =	ssyncset.done $0x0  }
0x66: {  	[sflag:s15] =	ssyncadd.s32 $0xFFFFFFB0  }
0x67: {  	_ =	swait.ge [sflag:s24], $0x50  }
0x68: {  	[sflag:s24] =	ssyncset.done $0x0  }
0x69: {  	[sflag:s24] =	ssyncadd.s32 $0xFFFFFFB0  }
0x6a: {  	[tilespmem:s25], [sflag:$0x2] =	stream.indirect.gather [hbm4b:s1+s12], $0x80, s10, s12, $0xb8;
	[tilespmem:$0x19200] =	vst v63  }
0x6b: {  	_ =	swait.ge [sflag:s8], $0x2800  }
0x6c: {  	[sflag:s8] =	ssyncset.done $0x0  }
0x6d: {  	[sflag:s8] =	ssyncadd.s32 $0xFFFFD800  }
0x6e: {  	[spmem:s3] =	stream.indirect.scatter.add.f32 [tilespmem:s6], [sflag:$0x7], $0x80, s9, s12, $0xb8;
	[tilespmem:$0x19200] =	vst v63  }
0x6f: {  	_ =	swait.ge [sflag:s7], $0x2800  }
0x70: {  	s20 =	rddreg [dreg:$0x17]  }
0x71: {  	[sflag:s7] =	ssyncset.done $0x0;
	s21 =	sshrl.u32 s20, $0x3  }
0x72: {  	[sflag:s7] =	ssyncadd.s32 $0xFFFFD800;
	s19 =	sadd.s32 s13, s21  }
0x73: {  	[tilespmem:s4], [sflag:$0x3] =	stream.linear.gather [hbm4b:s19+s4], $0x50, $0x38;
	[tilespmem:$0x19200] =	vst v63  }
0x74: {  	s5 =	smov.u32 s17;
	s17 =	sadd.s32 s14, s21  }
0x75: {  	[tilespmem:s9], [sflag:$0x5] =	stream.linear.gather [hbm4b:s17+s4], $0x50, $0x38;
	[tilespmem:$0x19200] =	vst v63  }
0x76: {  	_ =	swait.ge [sflag:s26], $0x50  }
0x77: {  	[sflag:s26] =	ssyncset.done $0x0  }
0x78: {  	[sflag:s26] =	ssyncadd.s32 $0xFFFFFFB0  }
0x79: {  	_ =	swait.ge [sflag:s28], $0x50  }
0x7a: {  	[sflag:s28] =	ssyncset.done $0x0  }
0x7b: {  	[sflag:s28] =	ssyncadd.s32 $0xFFFFFFB0  }
0x7c: {  	[tilespmem:s6], [sflag:$0x1] =	stream.indirect.gather [hbm4b:s1+s12], $0x80, s4, s12, $0xb8;
	[tilespmem:$0x19200] =	vst v63  }
0x7d: {  	_ =	swait.ge [sflag:s29], $0x2800  }
0x7e: {  	[sflag:s29] =	ssyncset.done $0x0  }
0x7f: {  	[sflag:s29] =	ssyncadd.s32 $0xFFFFD800  }
0x80: {  	[spmem:s3] =	stream.indirect.scatter.add.f32 [tilespmem:s25], [sflag:$0x7], $0x80, s11, s12, $0xb8;
	[tilespmem:$0x19200] =	vst v63  }
0x81: {  	_ =	swait.ge [sflag:s7], $0x2800  }
0x82: {  	s18 =	sadd.s32 $0xA0, s20;
	s21 =	sadd.s32 $0x0, s2;
	[sflag:s7] =	ssyncset.done $0x0  }
0x83: {  	s19 =	sadd.s32 $0x0, s0;
	s17 =	simm.s32 $0x14;
	[sflag:s7] =	ssyncadd.s32 $0xFFFFD800  }
0x84: {  	[tilespmem:s10], [sflag:$0x4] =	stream.linear.gather [hbm4b:s21+s4], $0x50, $0x38;
	[tilespmem:$0x19200] =	vst v63  }
.LBB2_2:
0x85: {  	[tilespmem:s11], [sflag:$0x6] =	stream.linear.gather [hbm4b:s19+s4], $0x50, $0x38;
	[tilespmem:$0x19200] =	vst v63  }
0x86: {  	s19 =	smov.u32 s17  }
0x87: {  	p0 =	sne.s32 s17, $0x4B0;
	s17 =	sadd.s32 $0x14, s17;
	_ =	swait.ge [sflag:s15], $0x50  }
0x88: {  	[sflag:s15] =	ssyncset.done $0x0  }
0x89: {  	[sflag:s15] =	ssyncadd.s32 $0xFFFFFFB0  }
0x8a: {  	_ =	swait.ge [sflag:s24], $0x50  }
0x8b: {  	[sflag:s24] =	ssyncset.done $0x0  }
0x8c: {  	[sflag:s24] =	ssyncadd.s32 $0xFFFFFFB0  }
0x8d: {  	[tilespmem:s25], [sflag:$0x2] =	stream.indirect.gather [hbm4b:s1+s12], $0x80, s10, s12, $0xb8;
	[tilespmem:$0x19200] =	vst v63  }
0x8e: {  	_ =	swait.ge [sflag:s8], $0x2800  }
0x8f: {  	[sflag:s8] =	ssyncset.done $0x0  }
0x90: {  	[sflag:s8] =	ssyncadd.s32 $0xFFFFD800  }
0x91: {  	[spmem:s3] =	stream.indirect.scatter.add.f32 [tilespmem:s6], [sflag:$0x7], $0x80, s9, s12, $0xb8;
	[tilespmem:$0x19200] =	vst v63  }
0x92: {  	_ =	swait.ge [sflag:s7], $0x2800  }
0x93: {  	s20 =	sshrl.u32 s18, $0x3;
	[sflag:s7] =	ssyncset.done $0x0  }
0x94: {  	s21 =	sadd.s32 s13, s20;
	[sflag:s7] =	ssyncadd.s32 $0xFFFFD800  }
0x95: {  	[tilespmem:s4], [sflag:$0x3] =	stream.linear.gather [hbm4b:s21+s4], $0x50, $0x38;
	[tilespmem:$0x19200] =	vst v63  }
0x96: {  	s20 =	sadd.s32 s14, s20  }
0x97: {  	[tilespmem:s9], [sflag:$0x5] =	stream.linear.gather [hbm4b:s20+s4], $0x50, $0x38;
	[tilespmem:$0x19200] =	vst v63  }
0x98: {  	_ =	swait.ge [sflag:s26], $0x50  }
0x99: {  	[sflag:s26] =	ssyncset.done $0x0  }
0x9a: {  	[sflag:s26] =	ssyncadd.s32 $0xFFFFFFB0  }
0x9b: {  	_ =	swait.ge [sflag:s28], $0x50  }
0x9c: {  	[sflag:s28] =	ssyncset.done $0x0  }
0x9d: {  	[sflag:s28] =	ssyncadd.s32 $0xFFFFFFB0  }
0x9e: {  	[tilespmem:s6], [sflag:$0x1] =	stream.indirect.gather [hbm4b:s1+s12], $0x80, s4, s12, $0xb8;
	[tilespmem:$0x19200] =	vst v63  }
0x9f: {  	_ =	swait.ge [sflag:s29], $0x2800  }
0xa0: {  	[sflag:s29] =	ssyncset.done $0x0  }
0xa1: {  	[sflag:s29] =	ssyncadd.s32 $0xFFFFD800  }
0xa2: {  	[spmem:s3] =	stream.indirect.scatter.add.f32 [tilespmem:s25], [sflag:$0x7], $0x80, s11, s12, $0xb8;
	[tilespmem:$0x19200] =	vst v63  }
.Ltmp0:
0xa3: {  	_ =	swait.ge [sflag:s7], $0x2800;
	(pc) =	sbr.rel @p0 .LBB2_2-.Ltmp0, $4  }
0xa4: {  	[sflag:s7] =	ssyncset.done $0x0  }
0xa5: {  	s20 =	sadd.s32 s19, s2;
	[sflag:s7] =	ssyncadd.s32 $0xFFFFD800  }
0xa6: {  	[tilespmem:s10], [sflag:$0x4] =	stream.linear.gather [hbm4b:s20+s4], $0x50, $0x38;
	[tilespmem:$0x19200] =	vst v63  }
0xa7: {  	s18 =	sadd.s32 $0xA0, s18;
	s19 =	sadd.s32 s19, s0  }
0xa8: {  	[tilespmem:s11], [sflag:$0x6] =	stream.linear.gather [hbm4b:s19+s4], $0x50, $0x38;
	[tilespmem:$0x19200] =	vst v63  }
0xa9: {  	_ =	swait.ge [sflag:s15], $0x50  }
0xaa: {  	[sflag:s15] =	ssyncset.done $0x0  }
0xab: {  	[sflag:s15] =	ssyncadd.s32 $0xFFFFFFB0  }
0xac: {  	_ =	swait.ge [sflag:s24], $0x50  }
0xad: {  	[sflag:s24] =	ssyncset.done $0x0  }
0xae: {  	[sflag:s24] =	ssyncadd.s32 $0xFFFFFFB0  }
0xaf: {  	[tilespmem:s25], [sflag:$0x2] =	stream.indirect.gather [hbm4b:s1+s12], $0x80, s10, s12, $0xb8;
	[tilespmem:$0x19200] =	vst v63  }
0xb0: {  	_ =	swait.ge [sflag:s8], $0x2800  }
0xb1: {  	[sflag:s8] =	ssyncset.done $0x0  }
0xb2: {  	[sflag:s8] =	ssyncadd.s32 $0xFFFFD800  }
0xb3: {  	[spmem:s3] =	stream.indirect.scatter.add.f32 [tilespmem:s6], [sflag:$0x7], $0x80, s9, s12, $0xb8;
	[tilespmem:$0x19200] =	vst v63  }
0xb4: {  	_ =	swait.ge [sflag:s7], $0x2800  }
0xb5: {  	[sflag:s7] =	ssyncset.done $0x0  }
0xb6: {  	s17 =	rddreg [dreg:$0x15];
	[sflag:s7] =	ssyncadd.s32 $0xFFFFD800  }
0xb7: {  	[tilespmem:s4], [sflag:$0x3] =	stream.linear.gather [hbm4b:s17+s4], $0x50, $0x38;
	[tilespmem:$0x19200] =	vst v63  }
0xb8: {  	s18 =	rddreg [dreg:$0x16]  }
0xb9: {  	[tilespmem:s9], [sflag:$0x5] =	stream.linear.gather [hbm4b:s18+s4], $0x50, $0x38;
	[tilespmem:$0x19200] =	vst v63  }
0xba: {  	_ =	swait.ge [sflag:s26], $0x50  }
0xbb: {  	[sflag:s26] =	ssyncset.done $0x0  }
0xbc: {  	[sflag:s26] =	ssyncadd.s32 $0xFFFFFFB0  }
0xbd: {  	_ =	swait.ge [sflag:s28], $0x50  }
0xbe: {  	[sflag:s28] =	ssyncset.done $0x0  }
0xbf: {  	[sflag:s28] =	ssyncadd.s32 $0xFFFFFFB0  }
0xc0: {  	[tilespmem:s6], [sflag:$0x1] =	stream.indirect.gather [hbm4b:s1+s12], $0x80, s4, s12, $0xb8;
	[tilespmem:$0x19200] =	vst v63  }
0xc1: {  	_ =	swait.ge [sflag:s29], $0x2800  }
0xc2: {  	[sflag:s29] =	ssyncset.done $0x0  }
0xc3: {  	[sflag:s29] =	ssyncadd.s32 $0xFFFFD800  }
0xc4: {  	[spmem:s3] =	stream.indirect.scatter.add.f32 [tilespmem:s25], [sflag:$0x7], $0x80, s11, s12, $0xb8;
	[tilespmem:$0x19200] =	vst v63  }
0xc5: {  	_ =	swait.ge [sflag:s7], $0x2800  }
0xc6: {  	[sflag:s7] =	ssyncset.done $0x0  }
0xc7: {  	[sflag:s7] =	ssyncadd.s32 $0xFFFFD800  }
0xc8: {  	[tilespmem:s10], [sflag:$0x4] =	stream.linear.gather [hbm4b:s17+s4], $0x50, $0x38;
	[tilespmem:$0x19200] =	vst v63  }
0xc9: {  	_ = 	snop  }
0xca: {  	[tilespmem:s11], [sflag:$0x6] =	stream.linear.gather [hbm4b:s18+s4], $0x50, $0x38;
	[tilespmem:$0x19200] =	vst v63  }
0xcb: {  	_ =	swait.ge [sflag:s8], $0x2800  }
0xcc: {  	[sflag:s8] =	ssyncset.done $0x0  }
0xcd: {  	[sflag:s8] =	ssyncadd.s32 $0xFFFFD800  }
0xce: {  	[spmem:s3] =	stream.indirect.scatter.add.f32 [tilespmem:s6], [sflag:$0x7], $0x80, s9, s12, $0xb8;
	[tilespmem:$0x19200] =	vst v63  }
0xcf: {  	_ =	swait.ge [sflag:s7], $0x2800  }
0xd0: {  	[sflag:s7] =	ssyncset.done $0x0  }
0xd1: {  	[sflag:s7] =	ssyncadd.s32 $0xFFFFD800  }
0xd2: {  	_ =	swait.ge [sflag:s15], $0x50  }
0xd3: {  	[sflag:s15] =	ssyncset.done $0x0  }
0xd4: {  	[sflag:s15] =	ssyncadd.s32 $0xFFFFFFB0  }
0xd5: {  	_ =	swait.ge [sflag:s24], $0x50  }
0xd6: {  	[sflag:s24] =	ssyncset.done $0x0  }
0xd7: {  	[sflag:s24] =	ssyncadd.s32 $0xFFFFFFB0  }
0xd8: {  	[bflag:$0x0] =	sbarrier.arrive $0xFFFF  }
0xd9: {  	[tilespmem:s6], [sflag:$0x7] =	stream.linear.gather [spmem:s22], $0x2800, $0x38;
	[tilespmem:$0x19200] =	vst v63  }
0xda: {  	_ =	swait.ge [sflag:s7], $0x2800  }
0xdb: {  	[sflag:s7] =	ssyncset.done $0x0  }
0xdc: {  	s19 =	rddreg [dreg:$0x4];
	[sflag:s7] =	ssyncadd.s32 $0xFFFFD800  }
0xdd: {  	[hbm4b:s19+s4] =	stream.linear.scatter [tilespmem:s6], [sflag:$0x1], $0x2800, $0x38;
	[tilespmem:$0x19200] =	vst v63  }
0xde: {  	_ = 	snop  }
0xdf: {  	[tilespmem:s25], [sflag:$0x7] =	stream.linear.gather [spmem:s23], $0x2800, $0x38;
	[tilespmem:$0x19200] =	vst v63  }
0xe0: {  	_ =	swait.ge [sflag:s7], $0x2800  }
0xe1: {  	[sflag:s7] =	ssyncset.done $0x0  }
0xe2: {  	s20 =	rddreg [dreg:$0x5];
	[sflag:s7] =	ssyncadd.s32 $0xFFFFD800  }
0xe3: {  	[hbm4b:s20+s4] =	stream.linear.scatter [tilespmem:s25], [sflag:$0x2], $0x2800, $0x38;
	[tilespmem:$0x19200] =	vst v63  }
0xe4: {  	_ =	swait.ge [sflag:s8], $0x2800  }
0xe5: {  	[sflag:s8] =	ssyncset.done $0x0  }
0xe6: {  	[sflag:s8] =	ssyncadd.s32 $0xFFFFD800  }
0xe7: {  	[tilespmem:s6], [sflag:$0x7] =	stream.linear.gather [spmem:s30], $0x2800, $0x38;
	[tilespmem:$0x19200] =	vst v63  }
0xe8: {  	_ =	swait.ge [sflag:s7], $0x2800  }
0xe9: {  	[sflag:s7] =	ssyncset.done $0x0  }
0xea: {  	s21 =	rddreg [dreg:$0x6];
	[sflag:s7] =	ssyncadd.s32 $0xFFFFD800  }
0xeb: {  	[hbm4b:s21+s4] =	stream.linear.scatter [tilespmem:s6], [sflag:$0x1], $0x2800, $0x38;
	[tilespmem:$0x19200] =	vst v63  }
0xec: {  	_ =	swait.ge [sflag:s29], $0x2800  }
0xed: {  	[sflag:s29] =	ssyncset.done $0x0  }
0xee: {  	[sflag:s29] =	ssyncadd.s32 $0xFFFFD800  }
0xef: {  	[tilespmem:s25], [sflag:$0x7] =	stream.linear.gather [spmem:s31], $0x2800, $0x38;
	[tilespmem:$0x19200] =	vst v63  }
0xf0: {  	_ =	swait.ge [sflag:s7], $0x2800  }
0xf1: {  	[sflag:s7] =	ssyncset.done $0x0  }
0xf2: {  	s18 =	smov.u32 s22;
	s22 =	rddreg [dreg:$0x7];
	[sflag:s7] =	ssyncadd.s32 $0xFFFFD800  }
0xf3: {  	[hbm4b:s22+s4] =	stream.linear.scatter [tilespmem:s25], [sflag:$0x2], $0x2800, $0x38;
	[tilespmem:$0x19200] =	vst v63  }
0xf4: {  	_ =	swait.ge [sflag:s8], $0x2800  }
0xf5: {  	[sflag:s8] =	ssyncset.done $0x0  }
0xf6: {  	[sflag:s8] =	ssyncadd.s32 $0xFFFFD800  }
0xf7: {  	[tilespmem:s6], [sflag:$0x7] =	stream.linear.gather [spmem:s5], $0x2800, $0x38;
	[tilespmem:$0x19200] =	vst v63  }
0xf8: {  	_ =	swait.ge [sflag:s7], $0x2800  }
0xf9: {  	[sflag:s7] =	ssyncset.done $0x0  }
0xfa: {  	s19 =	smov.u32 s23;
	s23 =	rddreg [dreg:$0x8];
	[sflag:s7] =	ssyncadd.s32 $0xFFFFD800  }
0xfb: {  	[hbm4b:s23+s4] =	stream.linear.scatter [tilespmem:s6], [sflag:$0x1], $0x2800, $0x38;
	[tilespmem:$0x19200] =	vst v63  }
0xfc: {  	_ =	swait.ge [sflag:s29], $0x2800  }
0xfd: {  	[sflag:s29] =	ssyncset.done $0x0  }
0xfe: {  	s23 =	rddreg [dreg:$0xd];
	[sflag:s29] =	ssyncadd.s32 $0xFFFFD800  }
0xff: {  	[tilespmem:s25], [sflag:$0x7] =	stream.linear.gather [spmem:s23], $0x2800, $0x38;
	[tilespmem:$0x19200] =	vst v63  }
0x100: {  	_ =	swait.ge [sflag:s7], $0x2800  }
0x101: {  	[sflag:s7] =	ssyncset.done $0x0  }
0x102: {  	s22 =	smov.u32 s5;
	s5 =	rddreg [dreg:$0x9];
	[sflag:s7] =	ssyncadd.s32 $0xFFFFD800  }
0x103: {  	[hbm4b:s5+s4] =	stream.linear.scatter [tilespmem:s25], [sflag:$0x2], $0x2800, $0x38;
	[tilespmem:$0x19200] =	vst v63  }
0x104: {  	_ =	swait.ge [sflag:s8], $0x2800  }
0x105: {  	[sflag:s8] =	ssyncset.done $0x0  }
0x106: {  	s20 =	smov.u32 s30;
	s30 =	rddreg [dreg:$0xe];
	[sflag:s8] =	ssyncadd.s32 $0xFFFFD800  }
0x107: {  	[tilespmem:s6], [sflag:$0x7] =	stream.linear.gather [spmem:s30], $0x2800, $0x38;
	[tilespmem:$0x19200] =	vst v63  }
0x108: {  	_ =	swait.ge [sflag:s7], $0x2800  }
0x109: {  	[sflag:s7] =	ssyncset.done $0x0  }
0x10a: {  	s5 =	rddreg [dreg:$0xa];
	[sflag:s7] =	ssyncadd.s32 $0xFFFFD800  }
0x10b: {  	[hbm4b:s5+s4] =	stream.linear.scatter [tilespmem:s6], [sflag:$0x1], $0x2800, $0x38;
	[tilespmem:$0x19200] =	vst v63  }
0x10c: {  	_ =	swait.ge [sflag:s29], $0x2800  }
0x10d: {  	[sflag:s29] =	ssyncset.done $0x0  }
0x10e: {  	s21 =	smov.u32 s31;
	s31 =	rddreg [dreg:$0xf];
	[sflag:s29] =	ssyncadd.s32 $0xFFFFD800  }
0x10f: {  	[tilespmem:s25], [sflag:$0x7] =	stream.linear.gather [spmem:s31], $0x2800, $0x38;
	[tilespmem:$0x19200] =	vst v63  }
0x110: {  	_ =	swait.ge [sflag:s7], $0x2800  }
0x111: {  	[sflag:s7] =	ssyncset.done $0x0  }
0x112: {  	s5 =	rddreg [dreg:$0xb];
	[sflag:s7] =	ssyncadd.s32 $0xFFFFD800  }
0x113: {  	[hbm4b:s5+s4] =	stream.linear.scatter [tilespmem:s25], [sflag:$0x2], $0x2800, $0x38;
	[tilespmem:$0x19200] =	vst v63  }
0x114: {  	_ =	swait.ge [sflag:s8], $0x2800  }
0x115: {  	[sflag:s8] =	ssyncset.done $0x0  }
0x116: {  	[sflag:s8] =	ssyncadd.s32 $0xFFFFD800  }
0x117: {  	_ =	swait.ge [sflag:s29], $0x2800  }
0x118: {  	s16 =	sadd.s32 $0x1, s16;
	s17 =	rddreg [dreg:$0x14]  }
0x119: {  	p0 =	sne.s32 s16, s17  }
.Ltmp1:
0x11a: {  	_ = 	snop;
	(pc) =	sbr.rel @p0 .LBB2_1-.Ltmp1, $3  }
0x11b: {  	_ =	sdelay $0x1  }
0x11c: {  	[sflag:s29] =	ssyncset.done $0x0  }
0x11d: {  	[sflag:s29] =	ssyncadd.s32 $0xFFFFD800  }
0x11e: {  	_ =	sfence.sel $0x180000  }
0x11f: {  	[bflag:$0x0] =	sbarrier.arrive $0xFFFF  }
0x120: {  	_ =	strace $0x9000004A  }
0x121: {  	s0 =	stileid.u32;
	[bflag:$0x2] =	sbarrier.arrive $0xFFFF  }
0x122: {  	p0 =	sne.s32 s0, $0x0;
	s0 =	rddreg [dreg:$0x3]  }
0x123: {  	s0 =	sadd.s32 @!p0 $0x100000, s0  }
0x124: {  	[sflag:s0] =	ssyncadd.tile.s32 @!p0 $0x1;
	_ =	shalt  }
.Lfunc_end2:
_tile_overlayer_lowered:
.L_overlay_start_2:
0x125: {  	(tag) =	ssettag $0x2  }
0x126: {  	s0 =	rddreg [dreg:$0x0];
	s2 =	stileid.u32  }
0x127: {  	s1 =	rddreg [dreg:$0x1];
	p0 =	sne.s32 s2, $0x0  }
0x128: {  	s3 =	rddreg [dreg:$0x2];
	[bflag:$0x3] =	sbarrier.arrive $0xFFFF;
	s2 =	simm.s32 @!p0 $0x1C07  }
0x129: {  	[timem:s3], [sflag:s2] =	dma.local @!p0 [hbm:s0], s1  }
0x12a: {  	s0 =	simm.s32 @!p0 $0x7  }
0x12b: {  	_ =	swait.ge @!p0 [sflag:s0], s1  }
0x12c: {  	s1 =	ssub.s32 @!p0 $0x0, s1;
	[sflag:s0] =	ssyncset.done @!p0 $0x0  }
0x12d: {  	[sflag:s0] =	ssyncadd.s32 @!p0 s1  }
0x12e: {  	[bflag:$0x3] =	sbarrier.arrive $0xFFFF  }
0x12f: {  	_ =	shalt  }

// kernel: kernel.8.cloned.1.call-start
scs
__scs_entry_jumppad:
0x0: {  	(pc) =	sbr.rel $0x88, $3  }
0x1: {  	(tag) =	ssettag $0x0;
	lr =	simm.s32 $0x1  }
0x2: {  	[smem:$0x3F99] =	sst lr;
	_ =	strace $0xD0000000  }
0x3: {  	_ = 	snop  }
0x4: {  	_ = 	snop  }
0x5: {  	_ = 	snop  }
0x6: {  	_ = 	snop  }
0x7: {  	_ = 	snop  }
__scs_overlays_trampoline_lowered:
0x8: {  	[smem:$0x3FA8] =	sst s0  }
0x9: {  	[smem:$0x3FA9] =	sst s1  }
0xa: {  	[smem:$0x3FAA] =	sst s2  }
0xb: {  	[smem:$0x3FAB] =	sst s3  }
0xc: {  	[smem:$0x3FAC] =	sst s4  }
0xd: {  	[smem:$0x3FAD] =	sst s5  }
0xe: {  	[smem:$0x3FAE] =	sst s6  }
0xf: {  	[smem:$0x3FAF] =	sst s7  }
0x10: {  	[smem:$0x3FB0] =	sst s8  }
0x11: {  	[smem:$0x3FB1] =	sst s9;
	s0 =	simm.s32 @!p0 $0x0  }
0x12: {  	s1 =	sld [smem:$0x3F97];
	s0 =	simm.s32 @p0 $0x1  }
0x13: {  	[smem:$0x3FB2] =	sst s0;
	s0 =	simm.s32 @!p1 $0x0  }
0x14: {  	s2 =	sld [smem:$0x3F96];
	s0 =	simm.s32 @p1 $0x1  }
0x15: {  	[smem:$0x3FB3] =	sst s0;
	s0 =	simm.s32 @!p2 $0x0  }
0x16: {  	s3 =	sld [smem:$0x3FDB];
	s0 =	simm.s32 @p2 $0x1  }
0x17: {  	s4 =	simm.s32 $0x1BF5;
	[smem:$0x3FB5] =	sst s0  }
0x18: {  	s0 =	sld [smem:$0x3F98];
	_ =	swait.ge [sflag:s4], $0x0  }
0x19: {  	s7 =	sld [smem:$0x3F99]  }
0x1a: {  	s8 =	sadd.s32 $0xFFFFE003, lr  }
0x1b: {  	s9 =	sadd.s32 $0xFFFFFEF7, lr;
	s5 =	simm.s32 $0xFFFFFFFF;
	p2 =	slt.u32 s8, $0xFFFFF086  }
0x1c: {  	p1 =	slt.u32 s9, $0xF7A;
	s5 =	simm.s32 @!p2 $0x0  }
0x1d: {  	s5 =	simm.s32 @p1 $0x1;
	p0 =	seq.s32 s7, s2  }
0x1e: {  	s7 =	smul.u32 @!p0 $0xF7A, s2;
	p2 =	seq.s32 @!p0 s5, $0x0  }
0x1f: {  	s9 =	smul.u32 $0xF7A, s1;
	s8 =	simm.s32 @!p0 $0x1BF5;
	p2 =	por !p2, p0  }
0x20: {  	[sflag:s8] =	ssyncset.s32 @!p0 $0xFFFFF086;
	s6 =	sadd.s32 @!p0 s3, s7;
	s7 =	simm.s32 @!p0 $0x108  }
0x21: {  	s3 =	sadd.s32 s3, s9;
	s6 =	sadd.s32 @!p0 $0x88, s6;
	s7 =	simm.s32 @p2 $0x1082  }
0x22: {  	[simem:s7], [sflag:s8] =	dma.local @!p0 [hbm:s6], $0xF7A  }
0x23: {  	s9 =	sor.u32 $0xD0000000, s2;
	s6 =	simm.s32 $0x108;
	_ =	swait.ge @!p0 [sflag:s8], $0x0  }
0x24: {  	s3 =	sadd.s32 $0x88, s3;
	s6 =	simm.s32 @!p1 $0x1082;
	[sflag:s4] =	ssyncset.s32 $0xFFFFF086  }
0x25: {  	[simem:s6], [sflag:s4] =	dma.local [hbm:s3], $0xF7A  }
0x26: {  	[smem:$0x3F99] =	sst s1;
	(tag) =	ssettag s2;
	_ =	strace s9  }
0x27: {  	s1 =	sld [smem:$0x3FA9]  }
0x28: {  	s2 =	sld [smem:$0x3FAA]  }
0x29: {  	s4 =	sld [smem:$0x3FAC]  }
0x2a: {  	p0 =	seq.s32 s5, $0x0;
	s5 =	sld [smem:$0x3FAD]  }
0x2b: {  	s6 =	sld [smem:$0x3FAE]  }
0x2c: {  	s7 =	sld [smem:$0x3FAF]  }
0x2d: {  	s3 =	simm.s32 $0x108;
	s8 =	sld [smem:$0x3FB0]  }
0x2e: {  	s3 =	simm.s32 @!p0 $0x1082;
	s9 =	sld [smem:$0x3FB1]  }
0x2f: {  	lr =	sadd.s32 s0, s3;
	s0 =	sld [smem:$0x3FA8]  }
0x30: {  	s3 =	sld [smem:$0x3FAB]  }
0x31: {  	[smem:$0x3FB4] =	sst s10  }
0x32: {  	s10 =	sld [smem:$0x3FB2];
	_ =	sdelay $0x3  }
0x33: {  	p0 =	seq.s32 s10, $0x1;
	s10 =	sld [smem:$0x3FB4];
	_ =	sdelay $0x3  }
0x34: {  	[smem:$0x3FB4] =	sst s10  }
0x35: {  	s10 =	sld [smem:$0x3FB3];
	_ =	sdelay $0x3  }
0x36: {  	p1 =	seq.s32 s10, $0x1;
	s10 =	sld [smem:$0x3FB4];
	_ =	sdelay $0x3  }
0x37: {  	[smem:$0x3FB4] =	sst s10  }
0x38: {  	s10 =	sld [smem:$0x3FB5]  }
0x39: {  	_ = 	snop;
	(pc) =	sbr.ind lr, $3  }
0x3a: {  	_ = 	snop  }
0x3b: {  	_ = 	snop  }
0x3c: {  	p2 =	seq.s32 s10, $0x1;
	s10 =	sld [smem:$0x3FB4]  }
0x3d: {  	_ =	shalt  }
0x3e: {  	_ =	shalt  }
0x3f: {  	_ =	shalt  }
0x40: {  	_ =	shalt  }
0x41: {  	_ =	shalt  }
0x42: {  	_ =	shalt  }
0x43: {  	_ =	shalt  }
0x44: {  	_ =	shalt  }
0x45: {  	_ =	shalt  }
0x46: {  	_ =	shalt  }
0x47: {  	_ =	shalt  }
0x48: {  	_ =	shalt  }
0x49: {  	_ =	shalt  }
0x4a: {  	_ =	shalt  }
0x4b: {  	_ =	shalt  }
0x4c: {  	_ =	shalt  }
0x4d: {  	_ =	shalt  }
0x4e: {  	_ =	shalt  }
0x4f: {  	_ =	shalt  }
0x50: {  	_ =	shalt  }
0x51: {  	_ =	shalt  }
0x52: {  	_ =	shalt  }
0x53: {  	_ =	shalt  }
0x54: {  	_ =	shalt  }
0x55: {  	_ =	shalt  }
0x56: {  	_ =	shalt  }
0x57: {  	_ =	shalt  }
0x58: {  	_ =	shalt  }
0x59: {  	_ =	shalt  }
0x5a: {  	_ =	shalt  }
0x5b: {  	_ =	shalt  }
0x5c: {  	_ =	shalt  }
0x5d: {  	_ =	shalt  }
0x5e: {  	_ =	shalt  }
0x5f: {  	_ =	shalt  }
0x60: {  	_ =	shalt  }
0x61: {  	_ =	shalt  }
0x62: {  	_ =	shalt  }
0x63: {  	_ =	shalt  }
0x64: {  	_ =	shalt  }
0x65: {  	_ =	shalt  }
0x66: {  	_ =	shalt  }
0x67: {  	_ =	shalt  }
0x68: {  	_ =	shalt  }
0x69: {  	_ =	shalt  }
0x6a: {  	_ =	shalt  }
0x6b: {  	_ =	shalt  }
0x6c: {  	_ =	shalt  }
0x6d: {  	_ =	shalt  }
0x6e: {  	_ =	shalt  }
0x6f: {  	_ =	shalt  }
0x70: {  	_ =	shalt  }
0x71: {  	_ =	shalt  }
0x72: {  	_ =	shalt  }
0x73: {  	_ =	shalt  }
0x74: {  	_ =	shalt  }
0x75: {  	_ =	shalt  }
0x76: {  	_ =	shalt  }
0x77: {  	_ =	shalt  }
0x78: {  	_ =	shalt  }
0x79: {  	_ =	shalt  }
0x7a: {  	_ =	shalt  }
0x7b: {  	_ =	shalt  }
0x7c: {  	_ =	shalt  }
0x7d: {  	_ =	shalt  }
0x7e: {  	_ =	shalt  }
0x7f: {  	_ =	shalt  }
0x80: {  	_ =	shalt  }
0x81: {  	_ =	shalt  }
0x82: {  	_ =	shalt  }
0x83: {  	_ =	shalt  }
0x84: {  	_ =	shalt  }
0x85: {  	_ =	shalt  }
0x86: {  	_ =	shalt  }
0x87: {  	_ =	shalt  }
.Lfunc_end0:
.L_simem_size_0:
called_computation_lowered:
.L_overlay_start_0:
0x88: {  	s2 =	sld [smem:$0x3FD9]  }
0x89: {  	s3 =	sld [smem:$0x3FFE];
	_ =	sdelay $0x1  }
0x8a: {  	s1 =	srdreg.scid  }
0x8b: {  	s0 =	sand.u32 $0x1, s1  }
0x8c: {  	s17 =	sshll.u32 s0, $0xA;
	s2 =	sadd.s32 s3, s2  }
0x8d: {  	s2 =	sadd.s32 s2, s17  }
0x8e: {  	[smem:$0x3FC0] =	sst s2  }
0x8f: {  	_ = 	snop  }
0x90: {  	s2 =	sld [smem:$0x3FC9]  }
0x91: {  	s18 =	sld [smem:$0x3FD0];
	(tm) =	ssettm $0x1  }
0x92: {  	s4 =	sld [smem:$0x3FFB];
	_ =	sdelay $0x3  }
0x93: {  	_ =	strace s4  }
0x94: {  	s4 =	sld [smem:$0x3FFC];
	_ =	sdelay $0x3  }
0x95: {  	_ =	strace s4  }
0x96: {  	s4 =	sld [smem:$0x3FFD];
	_ =	sdelay $0x3  }
0x97: {  	_ =	strace s4  }
0x98: {  	_ =	strace $0x8FFFFFFF  }
0x99: {  	s19 =	sld [smem:$0x3FDB];
	_ =	sdelay $0x1  }
0x9a: {  	s5 =	simm.s32 $_scs_section_size  }
0x9b: {  	s6 =	simm.s32 $_size__tile_overlayer_lowered;
	s7 =	simm.s32 $_tile_overlayer_lowered  }
0x9c: {  	s22 =	simm.s32 $0x1BFF;
	s21 =	sshll.u32 s7, $0x1;
	s4 =	sadd.s32 s5, s19  }
0x9d: {  	s8 =	simm.s32 $0x0;
	s20 =	sshll.u32 s6, $0x1;
	s6 =	sadd.s32 s21, s4  }
0x9e: {  	[timem:s8], [sflag:s22] =	dma.local [hbm:s6], s20  }
0x9f: {  	_ =	swait.ge [sflag:s22], s20  }
0xa0: {  	s5 =	ssub.s32 $0x0, s20;
	[sflag:s22] =	ssyncset.done $0x0  }
0xa1: {  	[sflag:s22] =	ssyncadd.s32 s5;
	_ =	sdelay $0x1  }
0xa2: {  	s23 =	simm.s32 $0x1B8B  }
0xa3: {  	_ =	swait.ge [sflag:s23], $0x1  }
0xa4: {  	[sflag:s23] =	ssyncset.done $0x0  }
0xa5: {  	s25 =	simm.s32 $0x1B8E;
	s24 =	sld [smem:$0x3FFE];
	[sflag:s23] =	ssyncadd.s32 $0xFFFFFFFF  }
0xa6: {  	s26 =	simm.s32 $execute0_lowered;
	[smem:$0x3FD2] =	sst s25  }
0xa7: {  	s6 =	sshll.u32 s26, $0x1;
	_ =	strace $0x80000046;
	[dreg:$0x1] =	wrdreg $0xFFFFFFFF  }
0xa8: {  	s28 =	simm.s32 $_size_execute0_lowered;
	s4 =	sadd.s32 s4, s6;
	[dreg:$0x0] =	wrdreg $0x0  }
0xa9: {  	s6 =	sshll.u32 s28, $0x1;
	[dreg:$0x2] =	wrdreg s4  }
0xaa: {  	[dreg:$0x3] =	wrdreg s6  }
0xab: {  	[dreg:$0x4] =	wrdreg $0xC0  }
0xac: {  	_ =	task [dreg:s8], $0x5FFFF  }
0xad: {  	[dreg:$0x1] =	wrdreg $0xFFFFFFFF  }
0xae: {  	[dreg:$0x0] =	wrdreg $0x60  }
0xaf: {  	[dreg:$0x2] =	wrdreg s2  }
0xb0: {  	[dreg:$0x3] =	wrdreg s24  }
0xb1: {  	[dreg:$0x4] =	wrdreg s18  }
0xb2: {  	[dreg:$0x5] =	wrdreg $0x55000  }
0xb3: {  	[dreg:$0x6] =	wrdreg $0x195000  }
0xb4: {  	[dreg:$0x7] =	wrdreg $0x9  }
0xb5: {  	_ =	task.clear_ibuf [dreg:s8], $0x8FFFF;
	_ =	strace $0x90000046  }
0xb6: {  	s29 =	simm.s32 $0x9;
	_ =	strace $0x80000048  }
0xb7: {  	_ =	swait.ge [sflag:s29], $0x1  }
0xb8: {  	[sflag:s29] =	ssyncadd.s32 $0xFFFFFFFF  }
0xb9: {  	_ =	strace $0x90000048  }
0xba: {  	_ =	sfence  }
0xbb: {  	s30 =	sld [smem:$0x0];
	_ =	sdelay $0x2  }
0xbc: {  	s31 =	sshll.u32 s1, $0xD;
	s1 =	sshrl.u32 s1, $0x2  }
0xbd: {  	s3 =	sand.u32 $0x4000, s31;
	s1 =	sadd.s32 s1, s30  }
0xbe: {  	s0 =	sor.u32 s3, s0;
	s1 =	sshll.u32 s1, $0x11  }
0xbf: {  	s0 =	sor.u32 s1, s0  }
0xc0: {  	s0 =	sadd.s32 $0x8F2B, s0  }
0xc1: {  	[sflag:s0] =	ssyncadd.remote.s32 $0x1  }
0xc2: {  	_ =	sfence.sel $0xFFFF  }
0xc3: {  	[dreg:$0x0] =	wrdreg $0xFFFFFFFF;
	(pc) =	sbr.abs _section_cstart, $3  }
0xc4: {  	[dreg:$0x1] =	wrdreg $0xFFFFFFFF  }
0xc5: {  	_ =	task.clear_ibuf [dreg:s8], $0x2FFFF;
	_ =	strace $0x9FFFFFFF  }
0xc6: {  	(tm) =	ssettm $0x7FFFFFFF  }
0xc7: {  	_ =	shalt  }
tec
execute0_lowered:
.L_overlay_start_1:
0x0: {  	(tag) =	ssettag $0x1  }
0x1: {  	s1 =	rddreg [dreg:$0x0];
	s0 =	srdreg.scid  }
0x2: {  	s21 =	stileid.u32;
	s3 =	rddreg [dreg:$0x1]  }
0x3: {  	s5 =	rddreg [dreg:$0x2];
	s30 =	simm.s32 $0x180;
	s2 =	smul.u32 $0x280, s21  }
0x4: {  	s31 =	simm.s32 $0x50;
	s4 =	sand.u32 $0x1, s0;
	s10 =	smul.u32 $0x14000, s21  }
0x5: {  	s6 =	sadd.s32 $0x16600, s3;
	s0 =	ssub.s32 $0x2, s4;
	s9 =	smul.u32 $0x140000, s4  }
0x6: {  	s26 =	smul.u32 $0x2800, s4;
	s7 =	sshrl.u32 s0, $0x1;
	s8 =	sshll.u32 s2, $0x7  }
0x7: {  	s0 =	ssub.s32 s0, s7;
	s7 =	sor.u32 $0x2800, s8;
	s12 =	sadd.s32 $0x5000, s8  }
0x8: {  	s15 =	sadd.s32 $0x7800, s8;
	s17 =	sadd.s32 $0xA000, s8;
	s18 =	sadd.s32 $0xC800, s8  }
0x9: {  	s19 =	sadd.s32 $0xF000, s8;
	s8 =	sadd.s32 $0x11800, s8;
	s10 =	sadd.s32 s10, s9  }
0xa: {  	s11 =	sadd.s32 s9, s7;
	s10 =	sshrl.u32 s10, $0x3;
	s13 =	sadd.s32 s9, s12  }
0xb: {  	s16 =	sadd.s32 s9, s15;
	s20 =	sadd.s32 s9, s17;
	s22 =	sadd.s32 s9, s18  }
0xc: {  	s25 =	sadd.s32 s9, s19;
	s9 =	sadd.s32 s9, s8;
	s11 =	sshrl.u32 s11, $0x3  }
0xd: {  	s10 =	sadd.s32 s6, s10;
	s14 =	sshrl.u32 s13, $0x3;
	s13 =	rddreg [dreg:$0x4]  }
0xe: {  	s24 =	sshrl.u32 s22, $0x3;
	[dreg:$0x7] =	wrdreg s10;
	s10 =	sadd.s32 s6, s14  }
0xf: {  	s11 =	sadd.s32 s6, s11;
	[dreg:$0x9] =	wrdreg s10;
	s10 =	sshrl.u32 s16, $0x3  }
0x10: {  	[dreg:$0x8] =	wrdreg s11;
	s11 =	sshrl.u32 s20, $0x3;
	s10 =	sadd.s32 s6, s10  }
0x11: {  	s9 =	sshrl.u32 s9, $0x3;
	s23 =	sadd.s32 s6, s11;
	[dreg:$0xa] =	wrdreg s10  }
0x12: {  	s14 =	smul.u32 $0x27100, s4;
	[dreg:$0xb] =	wrdreg s23;
	s10 =	sadd.s32 s6, s24  }
0x13: {  	s11 =	simm.s32 $0x0;
	[dreg:$0xc] =	wrdreg s10;
	s10 =	sshrl.u32 s25, $0x3  }
0x14: {  	s16 =	smul.u32 $0x2710, s21;
	[smem:$0x7FF] =	sst s11;
	s10 =	sadd.s32 s6, s10  }
0x15: {  	s0 =	smax.u32 s0, $0x1;
	s6 =	sadd.s32 s6, s9;
	[dreg:$0xd] =	wrdreg s10  }
0x16: {  	s22 =	sadd.s32 s16, s14;
	s14 =	sadd.s32 s2, s26;
	[dreg:$0xe] =	wrdreg s6  }
0x17: {  	s9 =	sshrl.u32 s14, $0x3;
	s14 =	sadd.s32 $0xF0, s22;
	s10 =	rddreg [dreg:$0x3]  }
0x18: {  	s20 =	sshrl.u32 s14, $0x3;
	s14 =	sadd.s32 $0x2000, s3;
	s5 =	sadd.s32 s5, s9  }
0x19: {  	s4 =	sshll.u32 s4, $0x4;
	[dreg:$0xf] =	wrdreg s5;
	s16 =	sadd.s32 s20, s14  }
0x1a: {  	s24 =	sadd.s32 $0x15C00, s3;
	_ =	strace $0x80000047;
	[dreg:$0x6] =	wrdreg s16  }
0x1b: {  	s23 =	smul.u32 $0x50000, s21;
	s25 =	sadd.s32 $0x16200, s3;
	[dreg:$0x10] =	wrdreg s24  }
0x1c: {  	s4 =	sor.u32 s21, s4;
	s9 =	sadd.s32 s7, s10;
	[dreg:$0x11] =	wrdreg s25  }
0x1d: {  	s26 =	sshrl.u32 s23, $0x2;
	s15 =	sadd.s32 s15, s10;
	[smem:$0x7F9] =	sst s9  }
0x1e: {  	s28 =	sadd.s32 s26, s10;
	s5 =	smul.u32 $0x2710, s4;
	[dreg:$0x14] =	wrdreg s15  }
0x1f: {  	s29 =	sadd.s32 s12, s10;
	s26 =	sadd.s32 $0xA0, s22;
	[dreg:$0x1d] =	wrdreg s0  }
0x20: {  	s6 =	sadd.s32 s18, s10;
	s4 =	sadd.s32 s8, s10;
	[smem:$0x7FC] =	sst s26  }
0x21: {  	s7 =	simm.s32 $0x200;
	s8 =	simm.s32 $0x8;
	[dreg:$0x16] =	wrdreg s6  }
0x22: {  	s12 =	simm.s32 $0x4;
	s22 =	simm.s32 $0x5;
	[dreg:$0x17] =	wrdreg s28  }
0x23: {  	s16 =	sadd.s32 $0xBE00, s3;
	s3 =	sadd.s32 $0x16400, s3;
	[dreg:$0x19] =	wrdreg s4  }
0x24: {  	s25 =	sadd.s32 s2, s13;
	s15 =	sadd.s32 s17, s10;
	[dreg:$0x1a] =	wrdreg s29  }
0x25: {  	s24 =	sadd.s32 s19, s10;
	s9 =	simm.s32 $0x5200;
	[dreg:$0x12] =	wrdreg s3  }
0x26: {  	s26 =	simm.s32 $0x5280;
	s2 =	sshrl.u32 s5, $0x3;
	[dreg:$0x13] =	wrdreg s25  }
0x27: {  	s5 =	sadd.s32 s20, s16;
	s20 =	simm.s32 $0x7;
	[dreg:$0x15] =	wrdreg s15  }
0x28: {  	[dreg:$0x18] =	wrdreg s24;
	s17 =	sadd.s32 $0xA, s2;
	s19 =	sadd.s32 s16, s2  }
0x29: {  	s21 =	sadd.s32 s14, s2;
	s23 =	sadd.s32 $0x4D8, s2;
	[dreg:$0x1e] =	wrdreg s19  }
0x2a: {  	s18 =	sadd.s32 s16, s17;
	s3 =	sadd.s32 s14, s17;
	[dreg:$0x1f] =	wrdreg s21  }
0x2b: {  	s2 =	sadd.s32 s16, s23;
	s0 =	sadd.s32 s14, s23;
	[dreg:$0x1b] =	wrdreg s18  }
0x2c: {  	s17 =	simm.s32 $0x1;
	s19 =	simm.s32 $0x80;
	[dreg:$0x1c] =	wrdreg s3  }
0x2d: {  	s21 =	simm.s32 $0x3;
	s23 =	simm.s32 $0x2;
	[smem:$0x7FA] =	sst s2  }
0x2e: {  	[smem:$0x7FB] =	sst s0;
	s18 =	simm.s32 $0x100;
	s3 =	simm.s32 $0x0  }
0x2f: {  	s0 =	simm.s32 $0x6;
	s2 =	simm.s32 $0x2A00;
	[smem:$0x7FD] =	sst s3  }
.LBB2_1:
0x30: {  	s3 =	rddreg [dreg:$0x10]  }
0x31: {  	[tilespmem:s7], [sflag:$0x8] =	stream.linear.gather [hbm4b:s3+s11], $0x2800, $0x38;
	[tilespmem:$0x19780] =	vst v63  }
0x32: {  	_ =	swait.ge [sflag:s8], $0x2800  }
0x33: {  	[sflag:s8] =	ssyncset.done $0x0  }
0x34: {  	s3 =	rddreg [dreg:$0x12];
	[sflag:s8] =	ssyncadd.s32 $0xFFFFD800  }
0x35: {  	[tilespmem:s9], [sflag:$0x8] =	stream.linear.gather [hbm4b:s3+s11], $0x80, $0x38;
	[tilespmem:$0x19780] =	vst v63  }
0x36: {  	_ =	swait.ge [sflag:s8], $0x80  }
0x37: {  	[sflag:s8] =	ssyncset.done $0x0  }
0x38: {  	s3 =	rddreg [dreg:$0x11];
	[sflag:s8] =	ssyncadd.s32 $0xFFFFFF80  }
0x39: {  	[tilespmem:s26], [sflag:$0x8] =	stream.linear.gather [hbm4b:s3+s11], $0x280, $0x38;
	[tilespmem:$0x19780] =	vst v63  }
0x3a: {  	_ =	swait.ge [sflag:s8], $0x280  }
0x3b: {  	[sflag:s8] =	ssyncset.done $0x0  }
0x3c: {  	[sflag:s8] =	ssyncadd.s32 $0xFFFFFD80  }
0x3d: {  	[spmem:s25] =	stream.linear.scatter [tilespmem:s26], [sflag:$0x8], $0x280, $0x38;
	[tilespmem:$0x19780] =	vst v63  }
0x3e: {  	_ =	swait.ge [sflag:s8], $0x280  }
0x3f: {  	[sflag:s8] =	ssyncset.done $0x0  }
0x40: {  	s26 =	sld [smem:$0x7F9];
	[sflag:s8] =	ssyncadd.s32 $0xFFFFFD80  }
0x41: {  	[spmem:s28] =	stream.linear.scatter [tilespmem:s7], [sflag:$0x1], $0x2800, $0x38;
	[tilespmem:$0x19780] =	vst v63  }
0x42: {  	_ = 	snop  }
0x43: {  	[spmem:s26] =	stream.linear.scatter [tilespmem:s7], [sflag:$0x1], $0x2800, $0x38;
	[tilespmem:$0x19780] =	vst v63  }
0x44: {  	_ = 	snop  }
0x45: {  	[spmem:s29] =	stream.linear.scatter [tilespmem:s7], [sflag:$0x1], $0x2800, $0x38;
	[tilespmem:$0x19780] =	vst v63  }
0x46: {  	s25 =	smov.u32 s15;
	s15 =	smov.u32 s26;
	s26 =	rddreg [dreg:$0x14]  }
0x47: {  	[spmem:s26] =	stream.linear.scatter [tilespmem:s7], [sflag:$0x1], $0x2800, $0x38;
	[tilespmem:$0x19780] =	vst v63  }
0x48: {  	_ = 	snop  }
0x49: {  	[spmem:s25] =	stream.linear.scatter [tilespmem:s7], [sflag:$0x1], $0x2800, $0x38;
	[tilespmem:$0x19780] =	vst v63  }
0x4a: {  	_ = 	snop  }
0x4b: {  	[spmem:s6] =	stream.linear.scatter [tilespmem:s7], [sflag:$0x1], $0x2800, $0x38;
	[tilespmem:$0x19780] =	vst v63  }
0x4c: {  	_ = 	snop  }
0x4d: {  	[spmem:s24] =	stream.linear.scatter [tilespmem:s7], [sflag:$0x1], $0x2800, $0x38;
	[tilespmem:$0x19780] =	vst v63  }
0x4e: {  	_ = 	snop  }
0x4f: {  	[spmem:s4] =	stream.linear.scatter [tilespmem:s7], [sflag:$0x1], $0x2800, $0x38;
	[tilespmem:$0x19780] =	vst v63  }
0x50: {  	_ =	swait.ge [sflag:s17], $0x2800  }
0x51: {  	[sflag:s17] =	ssyncset.done $0x0  }
0x52: {  	[sflag:s17] =	ssyncadd.s32 $0xFFFFD800  }
0x53: {  	_ =	swait.ge [sflag:s17], $0x2800  }
0x54: {  	[sflag:s17] =	ssyncset.done $0x0  }
0x55: {  	[sflag:s17] =	ssyncadd.s32 $0xFFFFD800  }
0x56: {  	_ =	swait.ge [sflag:s17], $0x2800  }
0x57: {  	[sflag:s17] =	ssyncset.done $0x0  }
0x58: {  	[sflag:s17] =	ssyncadd.s32 $0xFFFFD800  }
0x59: {  	_ =	swait.ge [sflag:s17], $0x2800  }
0x5a: {  	[sflag:s17] =	ssyncset.done $0x0  }
0x5b: {  	[sflag:s17] =	ssyncadd.s32 $0xFFFFD800  }
0x5c: {  	_ =	swait.ge [sflag:s17], $0x2800  }
0x5d: {  	[sflag:s17] =	ssyncset.done $0x0  }
0x5e: {  	[sflag:s17] =	ssyncadd.s32 $0xFFFFD800  }
0x5f: {  	_ =	swait.ge [sflag:s17], $0x2800  }
0x60: {  	[sflag:s17] =	ssyncset.done $0x0  }
0x61: {  	[sflag:s17] =	ssyncadd.s32 $0xFFFFD800  }
0x62: {  	_ =	swait.ge [sflag:s17], $0x2800  }
0x63: {  	[sflag:s17] =	ssyncset.done $0x0  }
0x64: {  	[sflag:s17] =	ssyncadd.s32 $0xFFFFD800  }
0x65: {  	_ =	swait.ge [sflag:s17], $0x2800  }
0x66: {  	[sflag:s17] =	ssyncset.done $0x0  }
0x67: {  	[sflag:s17] =	ssyncadd.s32 $0xFFFFD800  }
0x68: {  	[bflag:$0x0] =	sbarrier.arrive $0xFFFF  }
0x69: {  	s24 =	rddreg [dreg:$0x1e]  }
0x6a: {  	[tilespmem:s11], [sflag:$0x8] =	stream.linear.gather [hbm4b:s24+s11], $0x50, $0x38;
	[tilespmem:$0x19780] =	vst v63  }
0x6b: {  	_ =	swait.ge [sflag:s8], $0x50  }
0x6c: {  	[sflag:s8] =	ssyncset.done $0x0  }
0x6d: {  	s25 =	rddreg [dreg:$0x1f];
	[sflag:s8] =	ssyncadd.s32 $0xFFFFFFB0  }
0x6e: {  	[tilespmem:s18], [sflag:$0x8] =	stream.linear.gather [hbm4b:s25+s11], $0x50, $0x38;
	[tilespmem:$0x19780] =	vst v63  }
0x6f: {  	_ =	swait.ge [sflag:s8], $0x50  }
0x70: {  	[sflag:s8] =	ssyncset.done $0x0  }
0x71: {  	s26 =	rddreg [dreg:$0x1b];
	[sflag:s8] =	ssyncadd.s32 $0xFFFFFFB0  }
0x72: {  	[tilespmem:s19], [sflag:$0x4] =	stream.linear.gather [hbm4b:s26+s11], $0x50, $0x38;
	[tilespmem:$0x19780] =	vst v63  }
0x73: {  	s29 =	rddreg [dreg:$0x1c]  }
0x74: {  	[tilespmem:s30], [sflag:$0x6] =	stream.linear.gather [hbm4b:s29+s11], $0x50, $0x38;
	[tilespmem:$0x19780] =	vst v63  }
0x75: {  	_ = 	snop  }
0x76: {  	[tilespmem:s7], [sflag:$0x1] =	stream.indirect.gather [hbm4b:s1+s31], $0x80, s11, s31, $0xb8;
	[tilespmem:$0x19780] =	vst v63  }
0x77: {  	_ =	swait.ge [sflag:s12], $0x50  }
0x78: {  	[sflag:s12] =	ssyncset.done $0x0  }
0x79: {  	[sflag:s12] =	ssyncadd.s32 $0xFFFFFFB0  }
0x7a: {  	_ =	swait.ge [sflag:s0], $0x50  }
0x7b: {  	[sflag:s0] =	ssyncset.done $0x0  }
0x7c: {  	[sflag:s0] =	ssyncadd.s32 $0xFFFFFFB0  }
0x7d: {  	[tilespmem:s2], [sflag:$0x2] =	stream.indirect.gather [hbm4b:s1+s31], $0x80, s19, s31, $0xb8;
	[tilespmem:$0x19780] =	vst v63  }
0x7e: {  	_ =	swait.ge [sflag:s17], $0x2800  }
0x7f: {  	[sflag:s17] =	ssyncset.done $0x0  }
0x80: {  	[sflag:s17] =	ssyncadd.s32 $0xFFFFD800  }
0x81: {  	[spmem:s13] =	stream.indirect.scatter.add.f32 [tilespmem:s9], [sflag:$0x7], $0x1, s18, s31, $0xb8;
	[tilespmem:$0x19780] =	vst v63  }
0x82: {  	_ = 	snop  }
0x83: {  	[spmem:s10] =	stream.indirect.scatter.add.f32 [tilespmem:s7], [sflag:$0x8], $0x80, s18, s31, $0xb8;
	[tilespmem:$0x19780] =	vst v63  }
0x84: {  	_ =	swait.ge [sflag:s8], $0x2800  }
0x85: {  	[sflag:s8] =	ssyncset.done $0x0  }
0x86: {  	[sflag:s8] =	ssyncadd.s32 $0xFFFFD800  }
0x87: {  	_ =	swait.ge [sflag:s20], $0x50  }
0x88: {  	s3 =	sld [smem:$0x7FC];
	_ =	sdelay $0x2  }
0x89: {  	[sflag:s20] =	ssyncset.done $0x0;
	s4 =	sshrl.u32 s3, $0x3  }
0x8a: {  	[sflag:s20] =	ssyncadd.s32 $0xFFFFFFB0;
	s6 =	sadd.s32 s16, s4  }
0x8b: {  	[tilespmem:s11], [sflag:$0x3] =	stream.linear.gather [hbm4b:s6+s11], $0x50, $0x38;
	[tilespmem:$0x19780] =	vst v63  }
0x8c: {  	s25 =	sadd.s32 s14, s4  }
0x8d: {  	[tilespmem:s18], [sflag:$0x5] =	stream.linear.gather [hbm4b:s25+s11], $0x50, $0x38;
	[tilespmem:$0x19780] =	vst v63  }
0x8e: {  	_ =	swait.ge [sflag:s21], $0x50  }
0x8f: {  	[sflag:s21] =	ssyncset.done $0x0  }
0x90: {  	[sflag:s21] =	ssyncadd.s32 $0xFFFFFFB0  }
0x91: {  	_ =	swait.ge [sflag:s22], $0x50  }
0x92: {  	[sflag:s22] =	ssyncset.done $0x0  }
0x93: {  	[sflag:s22] =	ssyncadd.s32 $0xFFFFFFB0  }
0x94: {  	[tilespmem:s7], [sflag:$0x1] =	stream.indirect.gather [hbm4b:s1+s31], $0x80, s11, s31, $0xb8;
	[tilespmem:$0x19780] =	vst v63  }
0x95: {  	_ =	swait.ge [sflag:s23], $0x2800  }
0x96: {  	[sflag:s23] =	ssyncset.done $0x0  }
0x97: {  	[sflag:s23] =	ssyncadd.s32 $0xFFFFD800  }
0x98: {  	[spmem:s13] =	stream.indirect.scatter.add.f32 [tilespmem:s9], [sflag:$0x7], $0x1, s30, s31, $0xb8;
	[tilespmem:$0x19780] =	vst v63  }
0x99: {  	_ = 	snop  }
0x9a: {  	[spmem:s10] =	stream.indirect.scatter.add.f32 [tilespmem:s2], [sflag:$0x8], $0x80, s30, s31, $0xb8;
	[tilespmem:$0x19780] =	vst v63  }
0x9b: {  	_ =	swait.ge [sflag:s8], $0x2800  }
0x9c: {  	[sflag:s8] =	ssyncset.done $0x0  }
0x9d: {  	[sflag:s8] =	ssyncadd.s32 $0xFFFFD800  }
0x9e: {  	s29 =	sadd.s32 $0x0, s5;
	_ =	swait.ge [sflag:s20], $0x50  }
0x9f: {  	s26 =	sadd.s32 $0xA0, s3;
	[sflag:s20] =	ssyncset.done $0x0;
	s24 =	rddreg [dreg:$0x6]  }
0xa0: {  	s25 =	simm.s32 $0x14;
	[sflag:s20] =	ssyncadd.s32 $0xFFFFFFB0;
	s28 =	sadd.s32 $0x0, s24  }
0xa1: {  	[tilespmem:s19], [sflag:$0x4] =	stream.linear.gather [hbm4b:s29+s11], $0x50, $0x38;
	[tilespmem:$0x19780] =	vst v63  }
.LBB2_2:
0xa2: {  	[tilespmem:s30], [sflag:$0x6] =	stream.linear.gather [hbm4b:s28+s11], $0x50, $0x38;
	[tilespmem:$0x19780] =	vst v63  }
0xa3: {  	_ =	swait.ge [sflag:s12], $0x50  }
0xa4: {  	[sflag:s12] =	ssyncset.done $0x0  }
0xa5: {  	[sflag:s12] =	ssyncadd.s32 $0xFFFFFFB0  }
0xa6: {  	_ =	swait.ge [sflag:s0], $0x50  }
0xa7: {  	[sflag:s0] =	ssyncset.done $0x0  }
0xa8: {  	[sflag:s0] =	ssyncadd.s32 $0xFFFFFFB0  }
0xa9: {  	[tilespmem:s2], [sflag:$0x2] =	stream.indirect.gather [hbm4b:s1+s31], $0x80, s19, s31, $0xb8;
	[tilespmem:$0x19780] =	vst v63  }
0xaa: {  	_ =	swait.ge [sflag:s17], $0x2800  }
0xab: {  	[sflag:s17] =	ssyncset.done $0x0  }
0xac: {  	[sflag:s17] =	ssyncadd.s32 $0xFFFFD800  }
0xad: {  	[spmem:s13] =	stream.indirect.scatter.add.f32 [tilespmem:s9], [sflag:$0x7], $0x1, s18, s31, $0xb8;
	[tilespmem:$0x19780] =	vst v63  }
0xae: {  	_ = 	snop  }
0xaf: {  	[spmem:s10] =	stream.indirect.scatter.add.f32 [tilespmem:s7], [sflag:$0x8], $0x80, s18, s31, $0xb8;
	[tilespmem:$0x19780] =	vst v63  }
0xb0: {  	_ =	swait.ge [sflag:s8], $0x2800  }
0xb1: {  	[sflag:s8] =	ssyncset.done $0x0  }
0xb2: {  	[sflag:s8] =	ssyncadd.s32 $0xFFFFD800  }
0xb3: {  	_ =	swait.ge [sflag:s20], $0x50  }
0xb4: {  	s29 =	sshrl.u32 s26, $0x3;
	[sflag:s20] =	ssyncset.done $0x0  }
0xb5: {  	s3 =	sadd.s32 s16, s29;
	[sflag:s20] =	ssyncadd.s32 $0xFFFFFFB0  }
0xb6: {  	[tilespmem:s11], [sflag:$0x3] =	stream.linear.gather [hbm4b:s3+s11], $0x50, $0x38;
	[tilespmem:$0x19780] =	vst v63  }
0xb7: {  	s4 =	sadd.s32 s14, s29  }
0xb8: {  	[tilespmem:s18], [sflag:$0x5] =	stream.linear.gather [hbm4b:s4+s11], $0x50, $0x38;
	[tilespmem:$0x19780] =	vst v63  }
0xb9: {  	_ =	swait.ge [sflag:s21], $0x50  }
0xba: {  	[sflag:s21] =	ssyncset.done $0x0  }
0xbb: {  	[sflag:s21] =	ssyncadd.s32 $0xFFFFFFB0  }
0xbc: {  	_ =	swait.ge [sflag:s22], $0x50  }
0xbd: {  	[sflag:s22] =	ssyncset.done $0x0  }
0xbe: {  	[sflag:s22] =	ssyncadd.s32 $0xFFFFFFB0  }
0xbf: {  	[tilespmem:s7], [sflag:$0x1] =	stream.indirect.gather [hbm4b:s1+s31], $0x80, s11, s31, $0xb8;
	[tilespmem:$0x19780] =	vst v63  }
0xc0: {  	_ =	swait.ge [sflag:s23], $0x2800  }
0xc1: {  	[sflag:s23] =	ssyncset.done $0x0  }
0xc2: {  	[sflag:s23] =	ssyncadd.s32 $0xFFFFD800  }
0xc3: {  	[spmem:s13] =	stream.indirect.scatter.add.f32 [tilespmem:s9], [sflag:$0x7], $0x1, s30, s31, $0xb8;
	[tilespmem:$0x19780] =	vst v63  }
0xc4: {  	_ = 	snop  }
0xc5: {  	[spmem:s10] =	stream.indirect.scatter.add.f32 [tilespmem:s2], [sflag:$0x8], $0x80, s30, s31, $0xb8;
	[tilespmem:$0x19780] =	vst v63  }
0xc6: {  	_ =	swait.ge [sflag:s8], $0x2800  }
0xc7: {  	p0 =	sne.s32 s25, $0x4B0;
	[sflag:s8] =	ssyncset.done $0x0  }
.Ltmp0:
0xc8: {  	[sflag:s8] =	ssyncadd.s32 $0xFFFFD800;
	(pc) =	sbr.rel @p0 .LBB2_2-.Ltmp0, $4  }
0xc9: {  	s28 =	smov.u32 s25;
	s25 =	sadd.s32 $0x14, s25;
	_ =	swait.ge [sflag:s20], $0x50  }
0xca: {  	s26 =	sadd.s32 $0xA0, s26;
	[sflag:s20] =	ssyncset.done $0x0;
	s6 =	rddreg [dreg:$0x6]  }
0xcb: {  	s24 =	sadd.s32 s28, s5;
	[sflag:s20] =	ssyncadd.s32 $0xFFFFFFB0;
	s28 =	sadd.s32 s28, s6  }
0xcc: {  	[tilespmem:s19], [sflag:$0x4] =	stream.linear.gather [hbm4b:s24+s11], $0x50, $0x38;
	[tilespmem:$0x19780] =	vst v63  }
0xcd: {  	[tilespmem:s30], [sflag:$0x6] =	stream.linear.gather [hbm4b:s28+s11], $0x50, $0x38;
	[tilespmem:$0x19780] =	vst v63  }
0xce: {  	_ =	swait.ge [sflag:s12], $0x50  }
0xcf: {  	[sflag:s12] =	ssyncset.done $0x0  }
0xd0: {  	[sflag:s12] =	ssyncadd.s32 $0xFFFFFFB0  }
0xd1: {  	_ =	swait.ge [sflag:s0], $0x50  }
0xd2: {  	[sflag:s0] =	ssyncset.done $0x0  }
0xd3: {  	[sflag:s0] =	ssyncadd.s32 $0xFFFFFFB0  }
0xd4: {  	[tilespmem:s2], [sflag:$0x2] =	stream.indirect.gather [hbm4b:s1+s31], $0x80, s19, s31, $0xb8;
	[tilespmem:$0x19780] =	vst v63  }
0xd5: {  	_ =	swait.ge [sflag:s17], $0x2800  }
0xd6: {  	[sflag:s17] =	ssyncset.done $0x0  }
0xd7: {  	[sflag:s17] =	ssyncadd.s32 $0xFFFFD800  }
0xd8: {  	[spmem:s13] =	stream.indirect.scatter.add.f32 [tilespmem:s9], [sflag:$0x7], $0x1, s18, s31, $0xb8;
	[tilespmem:$0x19780] =	vst v63  }
0xd9: {  	_ = 	snop  }
0xda: {  	[spmem:s10] =	stream.indirect.scatter.add.f32 [tilespmem:s7], [sflag:$0x8], $0x80, s18, s31, $0xb8;
	[tilespmem:$0x19780] =	vst v63  }
0xdb: {  	_ =	swait.ge [sflag:s8], $0x2800  }
0xdc: {  	[sflag:s8] =	ssyncset.done $0x0  }
0xdd: {  	[sflag:s8] =	ssyncadd.s32 $0xFFFFD800  }
0xde: {  	_ =	swait.ge [sflag:s20], $0x50  }
0xdf: {  	s3 =	sld [smem:$0x7FA]  }
0xe0: {  	[sflag:s20] =	ssyncset.done $0x0  }
0xe1: {  	s4 =	sld [smem:$0x7FB];
	[sflag:s20] =	ssyncadd.s32 $0xFFFFFFB0  }
0xe2: {  	[tilespmem:s11], [sflag:$0x3] =	stream.linear.gather [hbm4b:s3+s11], $0x50, $0x38;
	[tilespmem:$0x19780] =	vst v63  }
0xe3: {  	_ = 	snop  }
0xe4: {  	[tilespmem:s18], [sflag:$0x5] =	stream.linear.gather [hbm4b:s4+s11], $0x50, $0x38;
	[tilespmem:$0x19780] =	vst v63  }
0xe5: {  	_ =	swait.ge [sflag:s21], $0x50  }
0xe6: {  	[sflag:s21] =	ssyncset.done $0x0  }
0xe7: {  	[sflag:s21] =	ssyncadd.s32 $0xFFFFFFB0  }
0xe8: {  	_ =	swait.ge [sflag:s22], $0x50  }
0xe9: {  	[sflag:s22] =	ssyncset.done $0x0  }
0xea: {  	[sflag:s22] =	ssyncadd.s32 $0xFFFFFFB0  }
0xeb: {  	[tilespmem:s7], [sflag:$0x1] =	stream.indirect.gather [hbm4b:s1+s31], $0x80, s11, s31, $0xb8;
	[tilespmem:$0x19780] =	vst v63  }
0xec: {  	_ =	swait.ge [sflag:s23], $0x2800  }
0xed: {  	[sflag:s23] =	ssyncset.done $0x0  }
0xee: {  	[sflag:s23] =	ssyncadd.s32 $0xFFFFD800  }
0xef: {  	[spmem:s13] =	stream.indirect.scatter.add.f32 [tilespmem:s9], [sflag:$0x7], $0x1, s30, s31, $0xb8;
	[tilespmem:$0x19780] =	vst v63  }
0xf0: {  	_ = 	snop  }
0xf1: {  	[spmem:s10] =	stream.indirect.scatter.add.f32 [tilespmem:s2], [sflag:$0x8], $0x80, s30, s31, $0xb8;
	[tilespmem:$0x19780] =	vst v63  }
0xf2: {  	_ =	swait.ge [sflag:s8], $0x2800  }
0xf3: {  	[sflag:s8] =	ssyncset.done $0x0  }
0xf4: {  	[sflag:s8] =	ssyncadd.s32 $0xFFFFD800  }
0xf5: {  	_ =	swait.ge [sflag:s20], $0x50  }
0xf6: {  	[sflag:s20] =	ssyncset.done $0x0  }
0xf7: {  	[sflag:s20] =	ssyncadd.s32 $0xFFFFFFB0  }
0xf8: {  	[tilespmem:s19], [sflag:$0x4] =	stream.linear.gather [hbm4b:s3+s11], $0x50, $0x38;
	[tilespmem:$0x19780] =	vst v63  }
0xf9: {  	_ = 	snop  }
0xfa: {  	[tilespmem:s30], [sflag:$0x6] =	stream.linear.gather [hbm4b:s4+s11], $0x50, $0x38;
	[tilespmem:$0x19780] =	vst v63  }
0xfb: {  	_ =	swait.ge [sflag:s17], $0x2800  }
0xfc: {  	[sflag:s17] =	ssyncset.done $0x0  }
0xfd: {  	[sflag:s17] =	ssyncadd.s32 $0xFFFFD800  }
0xfe: {  	[spmem:s13] =	stream.indirect.scatter.add.f32 [tilespmem:s9], [sflag:$0x7], $0x1, s18, s31, $0xb8;
	[tilespmem:$0x19780] =	vst v63  }
0xff: {  	_ = 	snop  }
0x100: {  	[spmem:s10] =	stream.indirect.scatter.add.f32 [tilespmem:s7], [sflag:$0x8], $0x80, s18, s31, $0xb8;
	[tilespmem:$0x19780] =	vst v63  }
0x101: {  	_ =	swait.ge [sflag:s8], $0x2800  }
0x102: {  	[sflag:s8] =	ssyncset.done $0x0  }
0x103: {  	[sflag:s8] =	ssyncadd.s32 $0xFFFFD800  }
0x104: {  	_ =	swait.ge [sflag:s20], $0x50  }
0x105: {  	[sflag:s20] =	ssyncset.done $0x0  }
0x106: {  	[sflag:s20] =	ssyncadd.s32 $0xFFFFFFB0  }
0x107: {  	_ =	swait.ge [sflag:s12], $0x50  }
0x108: {  	[sflag:s12] =	ssyncset.done $0x0  }
0x109: {  	[sflag:s12] =	ssyncadd.s32 $0xFFFFFFB0  }
0x10a: {  	_ =	swait.ge [sflag:s0], $0x50  }
0x10b: {  	[sflag:s0] =	ssyncset.done $0x0  }
0x10c: {  	[sflag:s0] =	ssyncadd.s32 $0xFFFFFFB0  }
0x10d: {  	[bflag:$0x0] =	sbarrier.arrive $0xFFFF  }
0x10e: {  	s4 =	rddreg [dreg:$0x17]  }
0x10f: {  	[tilespmem:s7], [sflag:$0x8] =	stream.linear.gather [spmem:s4], $0x2800, $0x38;
	[tilespmem:$0x19780] =	vst v63  }
0x110: {  	_ =	swait.ge [sflag:s8], $0x2800  }
0x111: {  	[sflag:s8] =	ssyncset.done $0x0  }
0x112: {  	s6 =	rddreg [dreg:$0x7];
	[sflag:s8] =	ssyncadd.s32 $0xFFFFD800  }
0x113: {  	[hbm4b:s6+s11] =	stream.linear.scatter [tilespmem:s7], [sflag:$0x1], $0x2800, $0x38;
	[tilespmem:$0x19780] =	vst v63  }
0x114: {  	_ = 	snop  }
0x115: {  	[tilespmem:s2], [sflag:$0x8] =	stream.linear.gather [spmem:s15], $0x2800, $0x38;
	[tilespmem:$0x19780] =	vst v63  }
0x116: {  	_ =	swait.ge [sflag:s8], $0x2800  }
0x117: {  	[sflag:s8] =	ssyncset.done $0x0  }
0x118: {  	s24 =	rddreg [dreg:$0x8];
	[sflag:s8] =	ssyncadd.s32 $0xFFFFD800  }
0x119: {  	[hbm4b:s24+s11] =	stream.linear.scatter [tilespmem:s2], [sflag:$0x2], $0x2800, $0x38;
	[tilespmem:$0x19780] =	vst v63  }
0x11a: {  	_ =	swait.ge [sflag:s17], $0x2800  }
0x11b: {  	[sflag:s17] =	ssyncset.done $0x0  }
0x11c: {  	s29 =	rddreg [dreg:$0x1a];
	[sflag:s17] =	ssyncadd.s32 $0xFFFFD800  }
0x11d: {  	[tilespmem:s7], [sflag:$0x8] =	stream.linear.gather [spmem:s29], $0x2800, $0x38;
	[tilespmem:$0x19780] =	vst v63  }
0x11e: {  	_ =	swait.ge [sflag:s8], $0x2800  }
0x11f: {  	[sflag:s8] =	ssyncset.done $0x0  }
0x120: {  	s25 =	rddreg [dreg:$0x9];
	[sflag:s8] =	ssyncadd.s32 $0xFFFFD800  }
0x121: {  	[hbm4b:s25+s11] =	stream.linear.scatter [tilespmem:s7], [sflag:$0x1], $0x2800, $0x38;
	[tilespmem:$0x19780] =	vst v63  }
0x122: {  	_ =	swait.ge [sflag:s23], $0x2800  }
0x123: {  	[sflag:s23] =	ssyncset.done $0x0  }
0x124: {  	s26 =	rddreg [dreg:$0x14];
	[sflag:s23] =	ssyncadd.s32 $0xFFFFD800  }
0x125: {  	[tilespmem:s2], [sflag:$0x8] =	stream.linear.gather [spmem:s26], $0x2800, $0x38;
	[tilespmem:$0x19780] =	vst v63  }
0x126: {  	_ =	swait.ge [sflag:s8], $0x2800  }
0x127: {  	[sflag:s8] =	ssyncset.done $0x0  }
0x128: {  	s4 =	rddreg [dreg:$0xa];
	[sflag:s8] =	ssyncadd.s32 $0xFFFFD800  }
0x129: {  	[hbm4b:s4+s11] =	stream.linear.scatter [tilespmem:s2], [sflag:$0x2], $0x2800, $0x38;
	[tilespmem:$0x19780] =	vst v63  }
0x12a: {  	_ =	swait.ge [sflag:s17], $0x2800  }
0x12b: {  	[sflag:s17] =	ssyncset.done $0x0  }
0x12c: {  	s15 =	rddreg [dreg:$0x15];
	[sflag:s17] =	ssyncadd.s32 $0xFFFFD800  }
0x12d: {  	[tilespmem:s7], [sflag:$0x8] =	stream.linear.gather [spmem:s15], $0x2800, $0x38;
	[tilespmem:$0x19780] =	vst v63  }
0x12e: {  	_ =	swait.ge [sflag:s8], $0x2800  }
0x12f: {  	[sflag:s8] =	ssyncset.done $0x0  }
0x130: {  	s6 =	rddreg [dreg:$0xb];
	[sflag:s8] =	ssyncadd.s32 $0xFFFFD800  }
0x131: {  	[hbm4b:s6+s11] =	stream.linear.scatter [tilespmem:s7], [sflag:$0x1], $0x2800, $0x38;
	[tilespmem:$0x19780] =	vst v63  }
0x132: {  	_ =	swait.ge [sflag:s23], $0x2800  }
0x133: {  	[sflag:s23] =	ssyncset.done $0x0  }
0x134: {  	s6 =	rddreg [dreg:$0x16];
	[sflag:s23] =	ssyncadd.s32 $0xFFFFD800  }
0x135: {  	[tilespmem:s2], [sflag:$0x8] =	stream.linear.gather [spmem:s6], $0x2800, $0x38;
	[tilespmem:$0x19780] =	vst v63  }
0x136: {  	_ =	swait.ge [sflag:s8], $0x2800  }
0x137: {  	[sflag:s8] =	ssyncset.done $0x0  }
0x138: {  	s24 =	rddreg [dreg:$0xc];
	[sflag:s8] =	ssyncadd.s32 $0xFFFFD800  }
0x139: {  	[hbm4b:s24+s11] =	stream.linear.scatter [tilespmem:s2], [sflag:$0x2], $0x2800, $0x38;
	[tilespmem:$0x19780] =	vst v63  }
0x13a: {  	_ =	swait.ge [sflag:s17], $0x2800  }
0x13b: {  	[sflag:s17] =	ssyncset.done $0x0  }
0x13c: {  	s24 =	rddreg [dreg:$0x18];
	[sflag:s17] =	ssyncadd.s32 $0xFFFFD800  }
0x13d: {  	[tilespmem:s7], [sflag:$0x8] =	stream.linear.gather [spmem:s24], $0x2800, $0x38;
	[tilespmem:$0x19780] =	vst v63  }
0x13e: {  	_ =	swait.ge [sflag:s8], $0x2800  }
0x13f: {  	[sflag:s8] =	ssyncset.done $0x0  }
0x140: {  	s25 =	rddreg [dreg:$0xd];
	[sflag:s8] =	ssyncadd.s32 $0xFFFFD800  }
0x141: {  	[hbm4b:s25+s11] =	stream.linear.scatter [tilespmem:s7], [sflag:$0x1], $0x2800, $0x38;
	[tilespmem:$0x19780] =	vst v63  }
0x142: {  	_ =	swait.ge [sflag:s23], $0x2800  }
0x143: {  	[sflag:s23] =	ssyncset.done $0x0  }
0x144: {  	s4 =	rddreg [dreg:$0x19];
	[sflag:s23] =	ssyncadd.s32 $0xFFFFD800  }
0x145: {  	[tilespmem:s2], [sflag:$0x8] =	stream.linear.gather [spmem:s4], $0x2800, $0x38;
	[tilespmem:$0x19780] =	vst v63  }
0x146: {  	_ =	swait.ge [sflag:s8], $0x2800  }
0x147: {  	[sflag:s8] =	ssyncset.done $0x0  }
0x148: {  	s26 =	rddreg [dreg:$0xe];
	[sflag:s8] =	ssyncadd.s32 $0xFFFFD800  }
0x149: {  	[hbm4b:s26+s11] =	stream.linear.scatter [tilespmem:s2], [sflag:$0x2], $0x2800, $0x38;
	[tilespmem:$0x19780] =	vst v63  }
0x14a: {  	_ =	swait.ge [sflag:s17], $0x2800  }
0x14b: {  	[sflag:s17] =	ssyncset.done $0x0  }
0x14c: {  	[sflag:s17] =	ssyncadd.s32 $0xFFFFD800  }
0x14d: {  	_ =	swait.ge [sflag:s23], $0x2800  }
0x14e: {  	[sflag:s23] =	ssyncset.done $0x0  }
0x14f: {  	s26 =	simm.s32 $0x5280;
	s25 =	rddreg [dreg:$0x13];
	[sflag:s23] =	ssyncadd.s32 $0xFFFFD800  }
0x150: {  	[tilespmem:s26], [sflag:$0x8] =	stream.linear.gather [spmem:s25], $0x280, $0x38;
	[tilespmem:$0x19780] =	vst v63  }
0x151: {  	_ =	swait.ge [sflag:s8], $0x280  }
0x152: {  	[sflag:s8] =	ssyncset.done $0x0  }
0x153: {  	s3 =	rddreg [dreg:$0xf];
	[sflag:s8] =	ssyncadd.s32 $0xFFFFFD80  }
0x154: {  	[hbm4b:s3+s11] =	stream.linear.scatter [tilespmem:s26], [sflag:$0x8], $0x280, $0x38;
	[tilespmem:$0x19780] =	vst v63  }
0x155: {  	_ =	swait.ge [sflag:s8], $0x280  }
0x156: {  	s28 =	sld [smem:$0x7FD];
	_ =	sdelay $0x2  }
0x157: {  	s3 =	rddreg [dreg:$0x1d];
	s28 =	sadd.s32 $0x1, s28  }
0x158: {  	p0 =	sne.s32 s28, s3  }
.Ltmp1:
0x159: {  	_ = 	snop;
	(pc) =	sbr.rel @p0 .LBB2_1-.Ltmp1, $3  }
0x15a: {  	_ =	sdelay $0x1  }
0x15b: {  	[sflag:s8] =	ssyncset.done $0x0;
	[smem:$0x7FD] =	sst s28  }
0x15c: {  	[sflag:s8] =	ssyncadd.s32 $0xFFFFFD80;
	s28 =	rddreg [dreg:$0x17]  }
0x15d: {  	_ =	sfence.sel $0x180000  }
0x15e: {  	[bflag:$0x0] =	sbarrier.arrive $0xFFFF  }
0x15f: {  	_ =	strace $0x90000047  }
0x160: {  	s0 =	stileid.u32;
	[bflag:$0x2] =	sbarrier.arrive $0xFFFF  }
0x161: {  	p0 =	sne.s32 s0, $0x0;
	s0 =	rddreg [dreg:$0x5]  }
0x162: {  	s0 =	sadd.s32 @!p0 $0x100000, s0  }
0x163: {  	[sflag:s0] =	ssyncadd.tile.s32 @!p0 $0x1;
	_ =	shalt  }
.Lfunc_end2:
_tile_overlayer_lowered:
.L_overlay_start_2:
0x164: {  	(tag) =	ssettag $0x2  }
0x165: {  	s0 =	rddreg [dreg:$0x0];
	s2 =	stileid.u32  }
0x166: {  	s1 =	rddreg [dreg:$0x1];
	p0 =	sne.s32 s2, $0x0  }
0x167: {  	s3 =	rddreg [dreg:$0x2];
	[bflag:$0x3] =	sbarrier.arrive $0xFFFF;
	s2 =	simm.s32 @!p0 $0x1C08  }
0x168: {  	[timem:s3], [sflag:s2] =	dma.local @!p0 [hbm:s0], s1  }
0x169: {  	s0 =	simm.s32 @!p0 $0x8  }
0x16a: {  	_ =	swait.ge @!p0 [sflag:s0], s1  }
0x16b: {  	s1 =	ssub.s32 @!p0 $0x0, s1;
	[sflag:s0] =	ssyncset.done @!p0 $0x0  }
0x16c: {  	[sflag:s0] =	ssyncadd.s32 @!p0 s1  }
0x16d: {  	[bflag:$0x3] =	sbarrier.arrive $0xFFFF  }
0x16e: {  	_ =	shalt  }

</sc_bundles>
